<compile_context>
chip_gen: v7x
topology: tpu7x:2x2x1
jax: 0.10.2.dev20260603
libtpu: 0.0.44.dev20260713+nightly
codegen_flags: <defaults>
</compile_context>

<pallas_src>
import functools

import jax
import jax.numpy as jnp
from jax import lax
from jax.experimental import pallas as pl
from jax.experimental.pallas import tpu as pltpu
from jax.experimental.pallas import tpu_sc as plsc

_CHUNK = 32
_NBUF = 4
_GLAG = 2


@functools.lru_cache(maxsize=None)
def _build(N, D, NC, NS):
    NW = NC * NS
    n_per_w = N // NW
    n_chunks = n_per_w // _CHUNK
    mesh = plsc.VectorSubcoreMesh(core_axis_name="c", subcore_axis_name="s")

    @functools.partial(
        pl.kernel,
        mesh=mesh,
        out_type=jax.ShapeDtypeStruct((N, D), jnp.float32),
        scratch_types=(
            [pltpu.VMEM((n_chunks, _CHUNK), jnp.int32)]
            + [pltpu.VMEM((_CHUNK, D), jnp.float32) for _ in range(_NBUF)]
            + [pltpu.SemaphoreType.DMA for _ in range(2 * _NBUF)]
        ),
    )
    def gather_kernel(idx_hbm, table_hbm, out_hbm, idx_v, *bufs_and_sems):
        bufs = bufs_and_sems[:_NBUF]
        gsems = bufs_and_sems[_NBUF:2 * _NBUF]
        osems = bufs_and_sems[2 * _NBUF:]
        wid = lax.axis_index("s") * NC + lax.axis_index("c")
        pltpu.sync_copy(idx_hbm.at[wid], idx_v)
        base = wid * n_per_w

        gather_cp = [None] * _NBUF
        out_cp = [None] * _NBUF
        for j in range(n_chunks + _GLAG):
            if j < n_chunks:
                b = j % _NBUF
                if out_cp[b] is not None:
                    out_cp[b].wait()
                gather_cp[b] = pltpu.async_copy(
                    table_hbm.at[idx_v.at[j]], bufs[b], gsems[b])
            if j >= _GLAG:
                jj = j - _GLAG
                b = jj % _NBUF
                gather_cp[b].wait()
                out_cp[b] = pltpu.async_copy(
                    bufs[b],
                    out_hbm.at[pl.ds(base + jj * _CHUNK, _CHUNK)],
                    osems[b])
        for b in range(_NBUF):
            if out_cp[b] is not None:
                out_cp[b].wait()

    return gather_kernel


def kernel(x, pos_emb):
    B, S = x.shape
    D = pos_emb.shape[1]
    N = B * S
    info = plsc.get_sparse_core_info()
    NC, NS = info.num_cores, info.num_subcores
    NW = NC * NS
    idx = x.reshape(NW, (N // NW) // _CHUNK, _CHUNK).astype(jnp.int32)
    out = _build(N, D, NC, NS)(idx, pos_emb)
    return out.reshape(B, S, D)

# --- scband reference (transcript-rebuilt; emitter-appended) ---
"""Pipeline reference for scband-positional-embedding-15393162789318 (READ-ONLY COPY).

The authoritative reference and input builder live on the scoring server;
editing this copy changes nothing except your own understanding.
"""

import jax, jax.numpy as jnp
import numpy as np

D_MODEL = 768
MAX_LEN = 8192
BATCH = 4
SEQ_LEN = 8192


def setup_inputs(seed: int = 0) -> dict:
    key = jax.random.key(seed)
    k_idx, k_w = jax.random.split(key)
    x = jax.random.randint(k_idx, (BATCH, SEQ_LEN), 0, MAX_LEN, dtype=jnp.int64 if jax.config.jax_enable_x64 else jnp.int32)
    # Learned positional embedding table (nn.Embedding weight), default torch init ~ N(0, 1)
    pos_emb = jax.random.normal(k_w, (MAX_LEN, D_MODEL), dtype=jnp.float32)
    return {"x": x, "pos_emb": pos_emb}


def reference(x, pos_emb):
    # Faithful translation of PositionalEmbedding.forward: self.pos_emb(x)
    # nn.Embedding lookup == row gather from the table.
    return jnp.take(pos_emb, x, axis=0)

if __name__ == "__main__":
    import jax
    _d = setup_inputs()
    print(jax.jit(kernel)(*tuple(_d.values())))

</pallas_src>

<mosaic_0001>
#map = affine_map<(d0, d1) -> (0, 0, 0)>
#map1 = affine_map<(d0, d1) -> (0, 0)>
module attributes {stable_mosaic.version = 14 : i64} {
  func.func @gather_kernel(%arg0: i32, %arg1: i32, %arg2: memref<32x32x32xi32, #tpu.memory_space<hbm>>, %arg3: memref<8192x768xf32, #tpu.memory_space<hbm>>, %arg4: memref<32768x768xf32, #tpu.memory_space<hbm>>, %arg5: memref<32x32xi32, #tpu.memory_space<vmem>>, %arg6: memref<32x768xf32, #tpu.memory_space<vmem>>, %arg7: memref<32x768xf32, #tpu.memory_space<vmem>>, %arg8: memref<32x768xf32, #tpu.memory_space<vmem>>, %arg9: memref<32x768xf32, #tpu.memory_space<vmem>>, %arg10: memref<!tpu.dma_semaphore, #tpu.memory_space<semaphore_mem>>, %arg11: memref<!tpu.dma_semaphore, #tpu.memory_space<semaphore_mem>>, %arg12: memref<!tpu.dma_semaphore, #tpu.memory_space<semaphore_mem>>, %arg13: memref<!tpu.dma_semaphore, #tpu.memory_space<semaphore_mem>>, %arg14: memref<!tpu.dma_semaphore, #tpu.memory_space<semaphore_mem>>, %arg15: memref<!tpu.dma_semaphore, #tpu.memory_space<semaphore_mem>>, %arg16: memref<!tpu.dma_semaphore, #tpu.memory_space<semaphore_mem>>, %arg17: memref<!tpu.dma_semaphore, #tpu.memory_space<semaphore_mem>>) attributes {dimension_semantics = [#tpu.dimension_semantics<core_parallel>, #tpu.dimension_semantics<subcore_parallel>], iteration_bounds = array<i64: 2, 16>, scalar_prefetch = 0 : i64, scratch_operands = 13 : i64, tpu.core_type = #tpu.core_type<sc_vector_subcore>, window_params = [{transform_indices = #map}, {transform_indices = #map1}, {transform_indices = #map1}]} {
    %mul3A = arith.constant 2 : i32
    %mul3A_0 = arith.muli %arg1, %mul3A : i32
    %add3A = arith.addi %mul3A_0, %arg0 : i32
    "tpu.region"() ({
      %run_scoped3A = tpu.sem_alloc : memref<!tpu.dma_semaphore, #tpu.memory_space<semaphore_mem>>
      %dma_start3A_769 = arith.constant 0 : i32
      %dma_start3A_770 = arith.constant 0 : i32
      %dma_start3A_771 = tpu.memref_slice %arg2[%add3A, %dma_start3A_769, %dma_start3A_770] : memref<32x32x32xi32, #tpu.memory_space<hbm>> -> memref<1x32x32xi32, #tpu.memory_space<hbm>>
      %dma_start3A_772 = tpu.memref_squeeze %dma_start3A_771 : memref<1x32x32xi32, #tpu.memory_space<hbm>> -> memref<32x32xi32, #tpu.memory_space<hbm>>
      %dma_start3A_773 = arith.constant 0 : i32
      %dma_start3A_774 = arith.constant 0 : i32
      %dma_start3A_775 = tpu.memref_slice %arg2[%add3A, %dma_start3A_773, %dma_start3A_774] : memref<32x32x32xi32, #tpu.memory_space<hbm>> -> memref<1x32x32xi32, #tpu.memory_space<hbm>>
      %dma_start3A_776 = tpu.memref_squeeze %dma_start3A_775 : memref<1x32x32xi32, #tpu.memory_space<hbm>> -> memref<32x32xi32, #tpu.memory_space<hbm>>
      tpu.enqueue_dma source(%dma_start3A_776 : memref<32x32xi32, #tpu.memory_space<hbm>>) target(%arg5 : memref<32x32xi32, #tpu.memory_space<vmem>>) target_semaphore(%run_scoped3A : memref<!tpu.dma_semaphore, #tpu.memory_space<semaphore_mem>>)
      %dma_wait3A_777 = arith.constant 0 : i32
      %dma_wait3A_778 = arith.constant 0 : i32
      %dma_wait3A_779 = tpu.memref_slice %arg2[%add3A, %dma_wait3A_777, %dma_wait3A_778] : memref<32x32x32xi32, #tpu.memory_space<hbm>> -> memref<1x32x32xi32, #tpu.memory_space<hbm>>
      %dma_wait3A_780 = tpu.memref_squeeze %dma_wait3A_779 : memref<1x32x32xi32, #tpu.memory_space<hbm>> -> memref<32x32xi32, #tpu.memory_space<hbm>>
      %dma_wait3A_781 = arith.constant 0 : i32
      %dma_wait3A_782 = arith.constant 0 : i32
      %dma_wait3A_783 = tpu.memref_slice %arg2[%add3A, %dma_wait3A_781, %dma_wait3A_782] : memref<32x32x32xi32, #tpu.memory_space<hbm>> -> memref<1x32x32xi32, #tpu.memory_space<hbm>>
      %dma_wait3A_784 = tpu.memref_squeeze %dma_wait3A_783 : memref<1x32x32xi32, #tpu.memory_space<hbm>> -> memref<32x32xi32, #tpu.memory_space<hbm>>
      tpu.wait_dma2 semaphore(%run_scoped3A : memref<!tpu.dma_semaphore, #tpu.memory_space<semaphore_mem>>) src(%dma_wait3A_784 : memref<32x32xi32, #tpu.memory_space<hbm>>) dst(%arg5 : memref<32x32xi32, #tpu.memory_space<vmem>>)
      tpu.yield
    }) : () -> ()
    %mul3A_1 = arith.constant 1024 : i32
    %mul3A_2 = arith.muli %add3A, %mul3A_1 : i32
    %dma_start3A = arith.constant 0 : i32
    %dma_start3A_3 = arith.constant 0 : i32
    %dma_start3A_4 = tpu.memref_slice %arg5[%dma_start3A, %dma_start3A_3] : memref<32x32xi32, #tpu.memory_space<vmem>> -> memref<1x32xi32, #tpu.memory_space<vmem>>
    %dma_start3A_5 = tpu.memref_squeeze %dma_start3A_4 : memref<1x32xi32, #tpu.memory_space<vmem>> -> memref<32xi32, #tpu.memory_space<vmem>>
    %dma_start3A_6 = arith.constant 0 : i32
    %dma_start3A_7 = arith.constant 0 : i32
    %dma_start3A_8 = tpu.memref_slice %arg3[%dma_start3A_6, %dma_start3A_7] : memref<8192x768xf32, #tpu.memory_space<hbm>> -> memref<8192x768xf32, #tpu.memory_space<hbm>>
    tpu.enqueue_indirect_dma source(%dma_start3A_8 : memref<8192x768xf32, #tpu.memory_space<hbm>>) target(%arg6 : memref<32x768xf32, #tpu.memory_space<vmem>>) offsets(%dma_start3A_5 : memref<32xi32, #tpu.memory_space<vmem>>) semaphore(%arg10 : memref<!tpu.dma_semaphore, #tpu.memory_space<semaphore_mem>>)
    %dma_start3A_9 = arith.constant 1 : i32
    %dma_start3A_10 = arith.constant 0 : i32
    %dma_start3A_11 = tpu.memref_slice %arg5[%dma_start3A_9, %dma_start3A_10] : memref<32x32xi32, #tpu.memory_space<vmem>> -> memref<1x32xi32, #tpu.memory_space<vmem>>
    %dma_start3A_12 = tpu.memref_squeeze %dma_start3A_11 : memref<1x32xi32, #tpu.memory_space<vmem>> -> memref<32xi32, #tpu.memory_space<vmem>>
    %dma_start3A_13 = arith.constant 0 : i32
    %dma_start3A_14 = arith.constant 0 : i32
    %dma_start3A_15 = tpu.memref_slice %arg3[%dma_start3A_13, %dma_start3A_14] : memref<8192x768xf32, #tpu.memory_space<hbm>> -> memref<8192x768xf32, #tpu.memory_space<hbm>>
    tpu.enqueue_indirect_dma source(%dma_start3A_15 : memref<8192x768xf32, #tpu.memory_space<hbm>>) target(%arg7 : memref<32x768xf32, #tpu.memory_space<vmem>>) offsets(%dma_start3A_12 : memref<32xi32, #tpu.memory_space<vmem>>) semaphore(%arg11 : memref<!tpu.dma_semaphore, #tpu.memory_space<semaphore_mem>>)
    %dma_start3A_16 = arith.constant 2 : i32
    %dma_start3A_17 = arith.constant 0 : i32
    %dma_start3A_18 = tpu.memref_slice %arg5[%dma_start3A_16, %dma_start3A_17] : memref<32x32xi32, #tpu.memory_space<vmem>> -> memref<1x32xi32, #tpu.memory_space<vmem>>
    %dma_start3A_19 = tpu.memref_squeeze %dma_start3A_18 : memref<1x32xi32, #tpu.memory_space<vmem>> -> memref<32xi32, #tpu.memory_space<vmem>>
    %dma_start3A_20 = arith.constant 0 : i32
    %dma_start3A_21 = arith.constant 0 : i32
    %dma_start3A_22 = tpu.memref_slice %arg3[%dma_start3A_20, %dma_start3A_21] : memref<8192x768xf32, #tpu.memory_space<hbm>> -> memref<8192x768xf32, #tpu.memory_space<hbm>>
    tpu.enqueue_indirect_dma source(%dma_start3A_22 : memref<8192x768xf32, #tpu.memory_space<hbm>>) target(%arg8 : memref<32x768xf32, #tpu.memory_space<vmem>>) offsets(%dma_start3A_19 : memref<32xi32, #tpu.memory_space<vmem>>) semaphore(%arg12 : memref<!tpu.dma_semaphore, #tpu.memory_space<semaphore_mem>>)
    %dma_wait3A = arith.constant 0 : i32
    %dma_wait3A_23 = arith.constant 0 : i32
    %dma_wait3A_24 = tpu.memref_slice %arg5[%dma_wait3A, %dma_wait3A_23] : memref<32x32xi32, #tpu.memory_space<vmem>> -> memref<1x32xi32, #tpu.memory_space<vmem>>
    %dma_wait3A_25 = tpu.memref_squeeze %dma_wait3A_24 : memref<1x32xi32, #tpu.memory_space<vmem>> -> memref<32xi32, #tpu.memory_space<vmem>>
    %dma_wait3A_26 = arith.constant 0 : i32
    %dma_wait3A_27 = arith.constant 0 : i32
    %dma_wait3A_28 = tpu.memref_slice %arg3[%dma_wait3A_26, %dma_wait3A_27] : memref<8192x768xf32, #tpu.memory_space<hbm>> -> memref<8192x768xf32, #tpu.memory_space<hbm>>
    tpu.wait_indirect_dma semaphore(%arg10 : memref<!tpu.dma_semaphore, #tpu.memory_space<semaphore_mem>>) src(%dma_wait3A_28 : memref<8192x768xf32, #tpu.memory_space<hbm>>) dst(%arg6 : memref<32x768xf32, #tpu.memory_space<vmem>>)
    %add3A_29 = arith.constant 0 : i32
    %add3A_30 = arith.addi %mul3A_2, %add3A_29 : i32
    %dma_start3A_31 = arith.constant 0 : i32
    %dma_start3A_32 = tpu.memref_slice %arg4[%add3A_30, %dma_start3A_31] : memref<32768x768xf32, #tpu.memory_space<hbm>> -> memref<32x768xf32, #tpu.memory_space<hbm>>
    %dma_start3A_33 = arith.constant 0 : i32
    %dma_start3A_34 = tpu.memref_slice %arg4[%add3A_30, %dma_start3A_33] : memref<32768x768xf32, #tpu.memory_space<hbm>> -> memref<32x768xf32, #tpu.memory_space<hbm>>
    tpu.enqueue_dma source(%arg6 : memref<32x768xf32, #tpu.memory_space<vmem>>) target(%dma_start3A_34 : memref<32x768xf32, #tpu.memory_space<hbm>>) target_semaphore(%arg14 : memref<!tpu.dma_semaphore, #tpu.memory_space<semaphore_mem>>)
    %dma_start3A_35 = arith.constant 3 : i32
    %dma_start3A_36 = arith.constant 0 : i32
    %dma_start3A_37 = tpu.memref_slice %arg5[%dma_start3A_35, %dma_start3A_36] : memref<32x32xi32, #tpu.memory_space<vmem>> -> memref<1x32xi32, #tpu.memory_space<vmem>>
    %dma_start3A_38 = tpu.memref_squeeze %dma_start3A_37 : memref<1x32xi32, #tpu.memory_space<vmem>> -> memref<32xi32, #tpu.memory_space<vmem>>
    %dma_start3A_39 = arith.constant 0 : i32
    %dma_start3A_40 = arith.constant 0 : i32
    %dma_start3A_41 = tpu.memref_slice %arg3[%dma_start3A_39, %dma_start3A_40] : memref<8192x768xf32, #tpu.memory_space<hbm>> -> memref<8192x768xf32, #tpu.memory_space<hbm>>
    tpu.enqueue_indirect_dma source(%dma_start3A_41 : memref<8192x768xf32, #tpu.memory_space<hbm>>) target(%arg9 : memref<32x768xf32, #tpu.memory_space<vmem>>) offsets(%dma_start3A_38 : memref<32xi32, #tpu.memory_space<vmem>>) semaphore(%arg13 : memref<!tpu.dma_semaphore, #tpu.memory_space<semaphore_mem>>)
    %dma_wait3A_42 = arith.constant 1 : i32
    %dma_wait3A_43 = arith.constant 0 : i32
    %dma_wait3A_44 = tpu.memref_slice %arg5[%dma_wait3A_42, %dma_wait3A_43] : memref<32x32xi32, #tpu.memory_space<vmem>> -> memref<1x32xi32, #tpu.memory_space<vmem>>
    %dma_wait3A_45 = tpu.memref_squeeze %dma_wait3A_44 : memref<1x32xi32, #tpu.memory_space<vmem>> -> memref<32xi32, #tpu.memory_space<vmem>>
    %dma_wait3A_46 = arith.constant 0 : i32
    %dma_wait3A_47 = arith.constant 0 : i32
    %dma_wait3A_48 = tpu.memref_slice %arg3[%dma_wait3A_46, %dma_wait3A_47] : memref<8192x768xf32, #tpu.memory_space<hbm>> -> memref<8192x768xf32, #tpu.memory_space<hbm>>
    tpu.wait_indirect_dma semaphore(%arg11 : memref<!tpu.dma_semaphore, #tpu.memory_space<semaphore_mem>>) src(%dma_wait3A_48 : memref<8192x768xf32, #tpu.memory_space<hbm>>) dst(%arg7 : memref<32x768xf32, #tpu.memory_space<vmem>>)
    %add3A_49 = arith.constant 32 : i32
    %add3A_50 = arith.addi %mul3A_2, %add3A_49 : i32
    %dma_start3A_51 = arith.constant 0 : i32
    %dma_start3A_52 = tpu.memref_slice %arg4[%add3A_50, %dma_start3A_51] : memref<32768x768xf32, #tpu.memory_space<hbm>> -> memref<32x768xf32, #tpu.memory_space<hbm>>
    %dma_start3A_53 = arith.constant 0 : i32
    %dma_start3A_54 = tpu.memref_slice %arg4[%add3A_50, %dma_start3A_53] : memref<32768x768xf32, #tpu.memory_space<hbm>> -> memref<32x768xf32, #tpu.memory_space<hbm>>
    tpu.enqueue_dma source(%arg7 : memref<32x768xf32, #tpu.memory_space<vmem>>) target(%dma_start3A_54 : memref<32x768xf32, #tpu.memory_space<hbm>>) target_semaphore(%arg15 : memref<!tpu.dma_semaphore, #tpu.memory_space<semaphore_mem>>)
    %dma_wait3A_55 = arith.constant 0 : i32
    %dma_wait3A_56 = tpu.memref_slice %arg4[%add3A_30, %dma_wait3A_55] : memref<32768x768xf32, #tpu.memory_space<hbm>> -> memref<32x768xf32, #tpu.memory_space<hbm>>
    %dma_wait3A_57 = arith.constant 0 : i32
    %dma_wait3A_58 = tpu.memref_slice %arg4[%add3A_30, %dma_wait3A_57] : memref<32768x768xf32, #tpu.memory_space<hbm>> -> memref<32x768xf32, #tpu.memory_space<hbm>>
    tpu.wait_dma2 semaphore(%arg14 : memref<!tpu.dma_semaphore, #tpu.memory_space<semaphore_mem>>) src(%arg6 : memref<32x768xf32, #tpu.memory_space<vmem>>) dst(%dma_wait3A_58 : memref<32x768xf32, #tpu.memory_space<hbm>>)
    %dma_start3A_59 = arith.constant 4 : i32
    %dma_start3A_60 = arith.constant 0 : i32
    %dma_start3A_61 = tpu.memref_slice %arg5[%dma_start3A_59, %dma_start3A_60] : memref<32x32xi32, #tpu.memory_space<vmem>> -> memref<1x32xi32, #tpu.memory_space<vmem>>
    %dma_start3A_62 = tpu.memref_squeeze %dma_start3A_61 : memref<1x32xi32, #tpu.memory_space<vmem>> -> memref<32xi32, #tpu.memory_space<vmem>>
    %dma_start3A_63 = arith.constant 0 : i32
    %dma_start3A_64 = arith.constant 0 : i32
    %dma_start3A_65 = tpu.memref_slice %arg3[%dma_start3A_63, %dma_start3A_64] : memref<8192x768xf32, #tpu.memory_space<hbm>> -> memref<8192x768xf32, #tpu.memory_space<hbm>>
    tpu.enqueue_indirect_dma source(%dma_start3A_65 : memref<8192x768xf32, #tpu.memory_space<hbm>>) target(%arg6 : memref<32x768xf32, #tpu.memory_space<vmem>>) offsets(%dma_start3A_62 : memref<32xi32, #tpu.memory_space<vmem>>) semaphore(%arg10 : memref<!tpu.dma_semaphore, #tpu.memory_space<semaphore_mem>>)
    %dma_wait3A_66 = arith.constant 2 : i32
    %dma_wait3A_67 = arith.constant 0 : i32
    %dma_wait3A_68 = tpu.memref_slice %arg5[%dma_wait3A_66, %dma_wait3A_67] : memref<32x32xi32, #tpu.memory_space<vmem>> -> memref<1x32xi32, #tpu.memory_space<vmem>>
    %dma_wait3A_69 = tpu.memref_squeeze %dma_wait3A_68 : memref<1x32xi32, #tpu.memory_space<vmem>> -> memref<32xi32, #tpu.memory_space<vmem>>
    %dma_wait3A_70 = arith.constant 0 : i32
    %dma_wait3A_71 = arith.constant 0 : i32
    %dma_wait3A_72 = tpu.memref_slice %arg3[%dma_wait3A_70, %dma_wait3A_71] : memref<8192x768xf32, #tpu.memory_space<hbm>> -> memref<8192x768xf32, #tpu.memory_space<hbm>>
    tpu.wait_indirect_dma semaphore(%arg12 : memref<!tpu.dma_semaphore, #tpu.memory_space<semaphore_mem>>) src(%dma_wait3A_72 : memref<8192x768xf32, #tpu.memory_space<hbm>>) dst(%arg8 : memref<32x768xf32, #tpu.memory_space<vmem>>)
    %add3A_73 = arith.constant 64 : i32
    %add3A_74 = arith.addi %mul3A_2, %add3A_73 : i32
    %dma_start3A_75 = arith.constant 0 : i32
    %dma_start3A_76 = tpu.memref_slice %arg4[%add3A_74, %dma_start3A_75] : memref<32768x768xf32, #tpu.memory_space<hbm>> -> memref<32x768xf32, #tpu.memory_space<hbm>>
    %dma_start3A_77 = arith.constant 0 : i32
    %dma_start3A_78 = tpu.memref_slice %arg4[%add3A_74, %dma_start3A_77] : memref<32768x768xf32, #tpu.memory_space<hbm>> -> memref<32x768xf32, #tpu.memory_space<hbm>>
    tpu.enqueue_dma source(%arg8 : memref<32x768xf32, #tpu.memory_space<vmem>>) target(%dma_start3A_78 : memref<32x768xf32, #tpu.memory_space<hbm>>) target_semaphore(%arg16 : memref<!tpu.dma_semaphore, #tpu.memory_space<semaphore_mem>>)
    %dma_wait3A_79 = arith.constant 0 : i32
    %dma_wait3A_80 = tpu.memref_slice %arg4[%add3A_50, %dma_wait3A_79] : memref<32768x768xf32, #tpu.memory_space<hbm>> -> memref<32x768xf32, #tpu.memory_space<hbm>>
    %dma_wait3A_81 = arith.constant 0 : i32
    %dma_wait3A_82 = tpu.memref_slice %arg4[%add3A_50, %dma_wait3A_81] : memref<32768x768xf32, #tpu.memory_space<hbm>> -> memref<32x768xf32, #tpu.memory_space<hbm>>
    tpu.wait_dma2 semaphore(%arg15 : memref<!tpu.dma_semaphore, #tpu.memory_space<semaphore_mem>>) src(%arg7 : memref<32x768xf32, #tpu.memory_space<vmem>>) dst(%dma_wait3A_82 : memref<32x768xf32, #tpu.memory_space<hbm>>)
    %dma_start3A_83 = arith.constant 5 : i32
    %dma_start3A_84 = arith.constant 0 : i32
    %dma_start3A_85 = tpu.memref_slice %arg5[%dma_start3A_83, %dma_start3A_84] : memref<32x32xi32, #tpu.memory_space<vmem>> -> memref<1x32xi32, #tpu.memory_space<vmem>>
    %dma_start3A_86 = tpu.memref_squeeze %dma_start3A_85 : memref<1x32xi32, #tpu.memory_space<vmem>> -> memref<32xi32, #tpu.memory_space<vmem>>
    %dma_start3A_87 = arith.constant 0 : i32
    %dma_start3A_88 = arith.constant 0 : i32
    %dma_start3A_89 = tpu.memref_slice %arg3[%dma_start3A_87, %dma_start3A_88] : memref<8192x768xf32, #tpu.memory_space<hbm>> -> memref<8192x768xf32, #tpu.memory_space<hbm>>
    tpu.enqueue_indirect_dma source(%dma_start3A_89 : memref<8192x768xf32, #tpu.memory_space<hbm>>) target(%arg7 : memref<32x768xf32, #tpu.memory_space<vmem>>) offsets(%dma_start3A_86 : memref<32xi32, #tpu.memory_space<vmem>>) semaphore(%arg11 : memref<!tpu.dma_semaphore, #tpu.memory_space<semaphore_mem>>)
    %dma_wait3A_90 = arith.constant 3 : i32
    %dma_wait3A_91 = arith.constant 0 : i32
    %dma_wait3A_92 = tpu.memref_slice %arg5[%dma_wait3A_90, %dma_wait3A_91] : memref<32x32xi32, #tpu.memory_space<vmem>> -> memref<1x32xi32, #tpu.memory_space<vmem>>
    %dma_wait3A_93 = tpu.memref_squeeze %dma_wait3A_92 : memref<1x32xi32, #tpu.memory_space<vmem>> -> memref<32xi32, #tpu.memory_space<vmem>>
    %dma_wait3A_94 = arith.constant 0 : i32
    %dma_wait3A_95 = arith.constant 0 : i32
    %dma_wait3A_96 = tpu.memref_slice %arg3[%dma_wait3A_94, %dma_wait3A_95] : memref<8192x768xf32, #tpu.memory_space<hbm>> -> memref<8192x768xf32, #tpu.memory_space<hbm>>
    tpu.wait_indirect_dma semaphore(%arg13 : memref<!tpu.dma_semaphore, #tpu.memory_space<semaphore_mem>>) src(%dma_wait3A_96 : memref<8192x768xf32, #tpu.memory_space<hbm>>) dst(%arg9 : memref<32x768xf32, #tpu.memory_space<vmem>>)
    %add3A_97 = arith.constant 96 : i32
    %add3A_98 = arith.addi %mul3A_2, %add3A_97 : i32
    %dma_start3A_99 = arith.constant 0 : i32
    %dma_start3A_100 = tpu.memref_slice %arg4[%add3A_98, %dma_start3A_99] : memref<32768x768xf32, #tpu.memory_space<hbm>> -> memref<32x768xf32, #tpu.memory_space<hbm>>
    %dma_start3A_101 = arith.constant 0 : i32
    %dma_start3A_102 = tpu.memref_slice %arg4[%add3A_98, %dma_start3A_101] : memref<32768x768xf32, #tpu.memory_space<hbm>> -> memref<32x768xf32, #tpu.memory_space<hbm>>
    tpu.enqueue_dma source(%arg9 : memref<32x768xf32, #tpu.memory_space<vmem>>) target(%dma_start3A_102 : memref<32x768xf32, #tpu.memory_space<hbm>>) target_semaphore(%arg17 : memref<!tpu.dma_semaphore, #tpu.memory_space<semaphore_mem>>)
    %dma_wait3A_103 = arith.constant 0 : i32
    %dma_wait3A_104 = tpu.memref_slice %arg4[%add3A_74, %dma_wait3A_103] : memref<32768x768xf32, #tpu.memory_space<hbm>> -> memref<32x768xf32, #tpu.memory_space<hbm>>
    %dma_wait3A_105 = arith.constant 0 : i32
    %dma_wait3A_106 = tpu.memref_slice %arg4[%add3A_74, %dma_wait3A_105] : memref<32768x768xf32, #tpu.memory_space<hbm>> -> memref<32x768xf32, #tpu.memory_space<hbm>>
    tpu.wait_dma2 semaphore(%arg16 : memref<!tpu.dma_semaphore, #tpu.memory_space<semaphore_mem>>) src(%arg8 : memref<32x768xf32, #tpu.memory_space<vmem>>) dst(%dma_wait3A_106 : memref<32x768xf32, #tpu.memory_space<hbm>>)
    %dma_start3A_107 = arith.constant 6 : i32
    %dma_start3A_108 = arith.constant 0 : i32
    %dma_start3A_109 = tpu.memref_slice %arg5[%dma_start3A_107, %dma_start3A_108] : memref<32x32xi32, #tpu.memory_space<vmem>> -> memref<1x32xi32, #tpu.memory_space<vmem>>
    %dma_start3A_110 = tpu.memref_squeeze %dma_start3A_109 : memref<1x32xi32, #tpu.memory_space<vmem>> -> memref<32xi32, #tpu.memory_space<vmem>>
    %dma_start3A_111 = arith.constant 0 : i32
    %dma_start3A_112 = arith.constant 0 : i32
    %dma_start3A_113 = tpu.memref_slice %arg3[%dma_start3A_111, %dma_start3A_112] : memref<8192x768xf32, #tpu.memory_space<hbm>> -> memref<8192x768xf32, #tpu.memory_space<hbm>>
    tpu.enqueue_indirect_dma source(%dma_start3A_113 : memref<8192x768xf32, #tpu.memory_space<hbm>>) target(%arg8 : memref<32x768xf32, #tpu.memory_space<vmem>>) offsets(%dma_start3A_110 : memref<32xi32, #tpu.memory_space<vmem>>) semaphore(%arg12 : memref<!tpu.dma_semaphore, #tpu.memory_space<semaphore_mem>>)
    %dma_wait3A_114 = arith.constant 4 : i32
    %dma_wait3A_115 = arith.constant 0 : i32
    %dma_wait3A_116 = tpu.memref_slice %arg5[%dma_wait3A_114, %dma_wait3A_115] : memref<32x32xi32, #tpu.memory_space<vmem>> -> memref<1x32xi32, #tpu.memory_space<vmem>>
    %dma_wait3A_117 = tpu.memref_squeeze %dma_wait3A_116 : memref<1x32xi32, #tpu.memory_space<vmem>> -> memref<32xi32, #tpu.memory_space<vmem>>
    %dma_wait3A_118 = arith.constant 0 : i32
    %dma_wait3A_119 = arith.constant 0 : i32
    %dma_wait3A_120 = tpu.memref_slice %arg3[%dma_wait3A_118, %dma_wait3A_119] : memref<8192x768xf32, #tpu.memory_space<hbm>> -> memref<8192x768xf32, #tpu.memory_space<hbm>>
    tpu.wait_indirect_dma semaphore(%arg10 : memref<!tpu.dma_semaphore, #tpu.memory_space<semaphore_mem>>) src(%dma_wait3A_120 : memref<8192x768xf32, #tpu.memory_space<hbm>>) dst(%arg6 : memref<32x768xf32, #tpu.memory_space<vmem>>)
    %add3A_121 = arith.constant 128 : i32
    %add3A_122 = arith.addi %mul3A_2, %add3A_121 : i32
    %dma_start3A_123 = arith.constant 0 : i32
    %dma_start3A_124 = tpu.memref_slice %arg4[%add3A_122, %dma_start3A_123] : memref<32768x768xf32, #tpu.memory_space<hbm>> -> memref<32x768xf32, #tpu.memory_space<hbm>>
    %dma_start3A_125 = arith.constant 0 : i32
    %dma_start3A_126 = tpu.memref_slice %arg4[%add3A_122, %dma_start3A_125] : memref<32768x768xf32, #tpu.memory_space<hbm>> -> memref<32x768xf32, #tpu.memory_space<hbm>>
    tpu.enqueue_dma source(%arg6 : memref<32x768xf32, #tpu.memory_space<vmem>>) target(%dma_start3A_126 : memref<32x768xf32, #tpu.memory_space<hbm>>) target_semaphore(%arg14 : memref<!tpu.dma_semaphore, #tpu.memory_space<semaphore_mem>>)
    %dma_wait3A_127 = arith.constant 0 : i32
    %dma_wait3A_128 = tpu.memref_slice %arg4[%add3A_98, %dma_wait3A_127] : memref<32768x768xf32, #tpu.memory_space<hbm>> -> memref<32x768xf32, #tpu.memory_space<hbm>>
    %dma_wait3A_129 = arith.constant 0 : i32
    %dma_wait3A_130 = tpu.memref_slice %arg4[%add3A_98, %dma_wait3A_129] : memref<32768x768xf32, #tpu.memory_space<hbm>> -> memref<32x768xf32, #tpu.memory_space<hbm>>
    tpu.wait_dma2 semaphore(%arg17 : memref<!tpu.dma_semaphore, #tpu.memory_space<semaphore_mem>>) src(%arg9 : memref<32x768xf32, #tpu.memory_space<vmem>>) dst(%dma_wait3A_130 : memref<32x768xf32, #tpu.memory_space<hbm>>)
    %dma_start3A_131 = arith.constant 7 : i32
    %dma_start3A_132 = arith.constant 0 : i32
    %dma_start3A_133 = tpu.memref_slice %arg5[%dma_start3A_131, %dma_start3A_132] : memref<32x32xi32, #tpu.memory_space<vmem>> -> memref<1x32xi32, #tpu.memory_space<vmem>>
    %dma_start3A_134 = tpu.memref_squeeze %dma_start3A_133 : memref<1x32xi32, #tpu.memory_space<vmem>> -> memref<32xi32, #tpu.memory_space<vmem>>
    %dma_start3A_135 = arith.constant 0 : i32
    %dma_start3A_136 = arith.constant 0 : i32
    %dma_start3A_137 = tpu.memref_slice %arg3[%dma_start3A_135, %dma_start3A_136] : memref<8192x768xf32, #tpu.memory_space<hbm>> -> memref<8192x768xf32, #tpu.memory_space<hbm>>
    tpu.enqueue_indirect_dma source(%dma_start3A_137 : memref<8192x768xf32, #tpu.memory_space<hbm>>) target(%arg9 : memref<32x768xf32, #tpu.memory_space<vmem>>) offsets(%dma_start3A_134 : memref<32xi32, #tpu.memory_space<vmem>>) semaphore(%arg13 : memref<!tpu.dma_semaphore, #tpu.memory_space<semaphore_mem>>)
    %dma_wait3A_138 = arith.constant 5 : i32
    %dma_wait3A_139 = arith.constant 0 : i32
    %dma_wait3A_140 = tpu.memref_slice %arg5[%dma_wait3A_138, %dma_wait3A_139] : memref<32x32xi32, #tpu.memory_space<vmem>> -> memref<1x32xi32, #tpu.memory_space<vmem>>
    %dma_wait3A_141 = tpu.memref_squeeze %dma_wait3A_140 : memref<1x32xi32, #tpu.memory_space<vmem>> -> memref<32xi32, #tpu.memory_space<vmem>>
    %dma_wait3A_142 = arith.constant 0 : i32
    %dma_wait3A_143 = arith.constant 0 : i32
    %dma_wait3A_144 = tpu.memref_slice %arg3[%dma_wait3A_142, %dma_wait3A_143] : memref<8192x768xf32, #tpu.memory_space<hbm>> -> memref<8192x768xf32, #tpu.memory_space<hbm>>
    tpu.wait_indirect_dma semaphore(%arg11 : memref<!tpu.dma_semaphore, #tpu.memory_space<semaphore_mem>>) src(%dma_wait3A_144 : memref<8192x768xf32, #tpu.memory_space<hbm>>) dst(%arg7 : memref<32x768xf32, #tpu.memory_space<vmem>>)
    %add3A_145 = arith.constant 160 : i32
    %add3A_146 = arith.addi %mul3A_2, %add3A_145 : i32
    %dma_start3A_147 = arith.constant 0 : i32
    %dma_start3A_148 = tpu.memref_slice %arg4[%add3A_146, %dma_start3A_147] : memref<32768x768xf32, #tpu.memory_space<hbm>> -> memref<32x768xf32, #tpu.memory_space<hbm>>
    %dma_start3A_149 = arith.constant 0 : i32
    %dma_start3A_150 = tpu.memref_slice %arg4[%add3A_146, %dma_start3A_149] : memref<32768x768xf32, #tpu.memory_space<hbm>> -> memref<32x768xf32, #tpu.memory_space<hbm>>
    tpu.enqueue_dma source(%arg7 : memref<32x768xf32, #tpu.memory_space<vmem>>) target(%dma_start3A_150 : memref<32x768xf32, #tpu.memory_space<hbm>>) target_semaphore(%arg15 : memref<!tpu.dma_semaphore, #tpu.memory_space<semaphore_mem>>)
    %dma_wait3A_151 = arith.constant 0 : i32
    %dma_wait3A_152 = tpu.memref_slice %arg4[%add3A_122, %dma_wait3A_151] : memref<32768x768xf32, #tpu.memory_space<hbm>> -> memref<32x768xf32, #tpu.memory_space<hbm>>
    %dma_wait3A_153 = arith.constant 0 : i32
    %dma_wait3A_154 = tpu.memref_slice %arg4[%add3A_122, %dma_wait3A_153] : memref<32768x768xf32, #tpu.memory_space<hbm>> -> memref<32x768xf32, #tpu.memory_space<hbm>>
    tpu.wait_dma2 semaphore(%arg14 : memref<!tpu.dma_semaphore, #tpu.memory_space<semaphore_mem>>) src(%arg6 : memref<32x768xf32, #tpu.memory_space<vmem>>) dst(%dma_wait3A_154 : memref<32x768xf32, #tpu.memory_space<hbm>>)
    %dma_start3A_155 = arith.constant 8 : i32
    %dma_start3A_156 = arith.constant 0 : i32
    %dma_start3A_157 = tpu.memref_slice %arg5[%dma_start3A_155, %dma_start3A_156] : memref<32x32xi32, #tpu.memory_space<vmem>> -> memref<1x32xi32, #tpu.memory_space<vmem>>
    %dma_start3A_158 = tpu.memref_squeeze %dma_start3A_157 : memref<1x32xi32, #tpu.memory_space<vmem>> -> memref<32xi32, #tpu.memory_space<vmem>>
    %dma_start3A_159 = arith.constant 0 : i32
    %dma_start3A_160 = arith.constant 0 : i32
    %dma_start3A_161 = tpu.memref_slice %arg3[%dma_start3A_159, %dma_start3A_160] : memref<8192x768xf32, #tpu.memory_space<hbm>> -> memref<8192x768xf32, #tpu.memory_space<hbm>>
    tpu.enqueue_indirect_dma source(%dma_start3A_161 : memref<8192x768xf32, #tpu.memory_space<hbm>>) target(%arg6 : memref<32x768xf32, #tpu.memory_space<vmem>>) offsets(%dma_start3A_158 : memref<32xi32, #tpu.memory_space<vmem>>) semaphore(%arg10 : memref<!tpu.dma_semaphore, #tpu.memory_space<semaphore_mem>>)
    %dma_wait3A_162 = arith.constant 6 : i32
    %dma_wait3A_163 = arith.constant 0 : i32
    %dma_wait3A_164 = tpu.memref_slice %arg5[%dma_wait3A_162, %dma_wait3A_163] : memref<32x32xi32, #tpu.memory_space<vmem>> -> memref<1x32xi32, #tpu.memory_space<vmem>>
    %dma_wait3A_165 = tpu.memref_squeeze %dma_wait3A_164 : memref<1x32xi32, #tpu.memory_space<vmem>> -> memref<32xi32, #tpu.memory_space<vmem>>
    %dma_wait3A_166 = arith.constant 0 : i32
    %dma_wait3A_167 = arith.constant 0 : i32
    %dma_wait3A_168 = tpu.memref_slice %arg3[%dma_wait3A_166, %dma_wait3A_167] : memref<8192x768xf32, #tpu.memory_space<hbm>> -> memref<8192x768xf32, #tpu.memory_space<hbm>>
    tpu.wait_indirect_dma semaphore(%arg12 : memref<!tpu.dma_semaphore, #tpu.memory_space<semaphore_mem>>) src(%dma_wait3A_168 : memref<8192x768xf32, #tpu.memory_space<hbm>>) dst(%arg8 : memref<32x768xf32, #tpu.memory_space<vmem>>)
    %add3A_169 = arith.constant 192 : i32
    %add3A_170 = arith.addi %mul3A_2, %add3A_169 : i32
    %dma_start3A_171 = arith.constant 0 : i32
    %dma_start3A_172 = tpu.memref_slice %arg4[%add3A_170, %dma_start3A_171] : memref<32768x768xf32, #tpu.memory_space<hbm>> -> memref<32x768xf32, #tpu.memory_space<hbm>>
    %dma_start3A_173 = arith.constant 0 : i32
    %dma_start3A_174 = tpu.memref_slice %arg4[%add3A_170, %dma_start3A_173] : memref<32768x768xf32, #tpu.memory_space<hbm>> -> memref<32x768xf32, #tpu.memory_space<hbm>>
    tpu.enqueue_dma source(%arg8 : memref<32x768xf32, #tpu.memory_space<vmem>>) target(%dma_start3A_174 : memref<32x768xf32, #tpu.memory_space<hbm>>) target_semaphore(%arg16 : memref<!tpu.dma_semaphore, #tpu.memory_space<semaphore_mem>>)
    %dma_wait3A_175 = arith.constant 0 : i32
    %dma_wait3A_176 = tpu.memref_slice %arg4[%add3A_146, %dma_wait3A_175] : memref<32768x768xf32, #tpu.memory_space<hbm>> -> memref<32x768xf32, #tpu.memory_space<hbm>>
    %dma_wait3A_177 = arith.constant 0 : i32
    %dma_wait3A_178 = tpu.memref_slice %arg4[%add3A_146, %dma_wait3A_177] : memref<32768x768xf32, #tpu.memory_space<hbm>> -> memref<32x768xf32, #tpu.memory_space<hbm>>
    tpu.wait_dma2 semaphore(%arg15 : memref<!tpu.dma_semaphore, #tpu.memory_space<semaphore_mem>>) src(%arg7 : memref<32x768xf32, #tpu.memory_space<vmem>>) dst(%dma_wait3A_178 : memref<32x768xf32, #tpu.memory_space<hbm>>)
    %dma_start3A_179 = arith.constant 9 : i32
    %dma_start3A_180 = arith.constant 0 : i32
    %dma_start3A_181 = tpu.memref_slice %arg5[%dma_start3A_179, %dma_start3A_180] : memref<32x32xi32, #tpu.memory_space<vmem>> -> memref<1x32xi32, #tpu.memory_space<vmem>>
    %dma_start3A_182 = tpu.memref_squeeze %dma_start3A_181 : memref<1x32xi32, #tpu.memory_space<vmem>> -> memref<32xi32, #tpu.memory_space<vmem>>
    %dma_start3A_183 = arith.constant 0 : i32
    %dma_start3A_184 = arith.constant 0 : i32
    %dma_start3A_185 = tpu.memref_slice %arg3[%dma_start3A_183, %dma_start3A_184] : memref<8192x768xf32, #tpu.memory_space<hbm>> -> memref<8192x768xf32, #tpu.memory_space<hbm>>
    tpu.enqueue_indirect_dma source(%dma_start3A_185 : memref<8192x768xf32, #tpu.memory_space<hbm>>) target(%arg7 : memref<32x768xf32, #tpu.memory_space<vmem>>) offsets(%dma_start3A_182 : memref<32xi32, #tpu.memory_space<vmem>>) semaphore(%arg11 : memref<!tpu.dma_semaphore, #tpu.memory_space<semaphore_mem>>)
    %dma_wait3A_186 = arith.constant 7 : i32
    %dma_wait3A_187 = arith.constant 0 : i32
    %dma_wait3A_188 = tpu.memref_slice %arg5[%dma_wait3A_186, %dma_wait3A_187] : memref<32x32xi32, #tpu.memory_space<vmem>> -> memref<1x32xi32, #tpu.memory_space<vmem>>
    %dma_wait3A_189 = tpu.memref_squeeze %dma_wait3A_188 : memref<1x32xi32, #tpu.memory_space<vmem>> -> memref<32xi32, #tpu.memory_space<vmem>>
    %dma_wait3A_190 = arith.constant 0 : i32
    %dma_wait3A_191 = arith.constant 0 : i32
    %dma_wait3A_192 = tpu.memref_slice %arg3[%dma_wait3A_190, %dma_wait3A_191] : memref<8192x768xf32, #tpu.memory_space<hbm>> -> memref<8192x768xf32, #tpu.memory_space<hbm>>
    tpu.wait_indirect_dma semaphore(%arg13 : memref<!tpu.dma_semaphore, #tpu.memory_space<semaphore_mem>>) src(%dma_wait3A_192 : memref<8192x768xf32, #tpu.memory_space<hbm>>) dst(%arg9 : memref<32x768xf32, #tpu.memory_space<vmem>>)
    %add3A_193 = arith.constant 224 : i32
    %add3A_194 = arith.addi %mul3A_2, %add3A_193 : i32
    %dma_start3A_195 = arith.constant 0 : i32
    %dma_start3A_196 = tpu.memref_slice %arg4[%add3A_194, %dma_start3A_195] : memref<32768x768xf32, #tpu.memory_space<hbm>> -> memref<32x768xf32, #tpu.memory_space<hbm>>
    %dma_start3A_197 = arith.constant 0 : i32
    %dma_start3A_198 = tpu.memref_slice %arg4[%add3A_194, %dma_start3A_197] : memref<32768x768xf32, #tpu.memory_space<hbm>> -> memref<32x768xf32, #tpu.memory_space<hbm>>
    tpu.enqueue_dma source(%arg9 : memref<32x768xf32, #tpu.memory_space<vmem>>) target(%dma_start3A_198 : memref<32x768xf32, #tpu.memory_space<hbm>>) target_semaphore(%arg17 : memref<!tpu.dma_semaphore, #tpu.memory_space<semaphore_mem>>)
    %dma_wait3A_199 = arith.constant 0 : i32
    %dma_wait3A_200 = tpu.memref_slice %arg4[%add3A_170, %dma_wait3A_199] : memref<32768x768xf32, #tpu.memory_space<hbm>> -> memref<32x768xf32, #tpu.memory_space<hbm>>
    %dma_wait3A_201 = arith.constant 0 : i32
    %dma_wait3A_202 = tpu.memref_slice %arg4[%add3A_170, %dma_wait3A_201] : memref<32768x768xf32, #tpu.memory_space<hbm>> -> memref<32x768xf32, #tpu.memory_space<hbm>>
    tpu.wait_dma2 semaphore(%arg16 : memref<!tpu.dma_semaphore, #tpu.memory_space<semaphore_mem>>) src(%arg8 : memref<32x768xf32, #tpu.memory_space<vmem>>) dst(%dma_wait3A_202 : memref<32x768xf32, #tpu.memory_space<hbm>>)
    %dma_start3A_203 = arith.constant 10 : i32
    %dma_start3A_204 = arith.constant 0 : i32
    %dma_start3A_205 = tpu.memref_slice %arg5[%dma_start3A_203, %dma_start3A_204] : memref<32x32xi32, #tpu.memory_space<vmem>> -> memref<1x32xi32, #tpu.memory_space<vmem>>
    %dma_start3A_206 = tpu.memref_squeeze %dma_start3A_205 : memref<1x32xi32, #tpu.memory_space<vmem>> -> memref<32xi32, #tpu.memory_space<vmem>>
    %dma_start3A_207 = arith.constant 0 : i32
    %dma_start3A_208 = arith.constant 0 : i32
    %dma_start3A_209 = tpu.memref_slice %arg3[%dma_start3A_207, %dma_start3A_208] : memref<8192x768xf32, #tpu.memory_space<hbm>> -> memref<8192x768xf32, #tpu.memory_space<hbm>>
    tpu.enqueue_indirect_dma source(%dma_start3A_209 : memref<8192x768xf32, #tpu.memory_space<hbm>>) target(%arg8 : memref<32x768xf32, #tpu.memory_space<vmem>>) offsets(%dma_start3A_206 : memref<32xi32, #tpu.memory_space<vmem>>) semaphore(%arg12 : memref<!tpu.dma_semaphore, #tpu.memory_space<semaphore_mem>>)
    %dma_wait3A_210 = arith.constant 8 : i32
    %dma_wait3A_211 = arith.constant 0 : i32
    %dma_wait3A_212 = tpu.memref_slice %arg5[%dma_wait3A_210, %dma_wait3A_211] : memref<32x32xi32, #tpu.memory_space<vmem>> -> memref<1x32xi32, #tpu.memory_space<vmem>>
    %dma_wait3A_213 = tpu.memref_squeeze %dma_wait3A_212 : memref<1x32xi32, #tpu.memory_space<vmem>> -> memref<32xi32, #tpu.memory_space<vmem>>
    %dma_wait3A_214 = arith.constant 0 : i32
    %dma_wait3A_215 = arith.constant 0 : i32
    %dma_wait3A_216 = tpu.memref_slice %arg3[%dma_wait3A_214, %dma_wait3A_215] : memref<8192x768xf32, #tpu.memory_space<hbm>> -> memref<8192x768xf32, #tpu.memory_space<hbm>>
    tpu.wait_indirect_dma semaphore(%arg10 : memref<!tpu.dma_semaphore, #tpu.memory_space<semaphore_mem>>) src(%dma_wait3A_216 : memref<8192x768xf32, #tpu.memory_space<hbm>>) dst(%arg6 : memref<32x768xf32, #tpu.memory_space<vmem>>)
    %add3A_217 = arith.constant 256 : i32
    %add3A_218 = arith.addi %mul3A_2, %add3A_217 : i32
    %dma_start3A_219 = arith.constant 0 : i32
    %dma_start3A_220 = tpu.memref_slice %arg4[%add3A_218, %dma_start3A_219] : memref<32768x768xf32, #tpu.memory_space<hbm>> -> memref<32x768xf32, #tpu.memory_space<hbm>>
    %dma_start3A_221 = arith.constant 0 : i32
    %dma_start3A_222 = tpu.memref_slice %arg4[%add3A_218, %dma_start3A_221] : memref<32768x768xf32, #tpu.memory_space<hbm>> -> memref<32x768xf32, #tpu.memory_space<hbm>>
    tpu.enqueue_dma source(%arg6 : memref<32x768xf32, #tpu.memory_space<vmem>>) target(%dma_start3A_222 : memref<32x768xf32, #tpu.memory_space<hbm>>) target_semaphore(%arg14 : memref<!tpu.dma_semaphore, #tpu.memory_space<semaphore_mem>>)
    %dma_wait3A_223 = arith.constant 0 : i32
    %dma_wait3A_224 = tpu.memref_slice %arg4[%add3A_194, %dma_wait3A_223] : memref<32768x768xf32, #tpu.memory_space<hbm>> -> memref<32x768xf32, #tpu.memory_space<hbm>>
    %dma_wait3A_225 = arith.constant 0 : i32
    %dma_wait3A_226 = tpu.memref_slice %arg4[%add3A_194, %dma_wait3A_225] : memref<32768x768xf32, #tpu.memory_space<hbm>> -> memref<32x768xf32, #tpu.memory_space<hbm>>
    tpu.wait_dma2 semaphore(%arg17 : memref<!tpu.dma_semaphore, #tpu.memory_space<semaphore_mem>>) src(%arg9 : memref<32x768xf32, #tpu.memory_space<vmem>>) dst(%dma_wait3A_226 : memref<32x768xf32, #tpu.memory_space<hbm>>)
    %dma_start3A_227 = arith.constant 11 : i32
    %dma_start3A_228 = arith.constant 0 : i32
    %dma_start3A_229 = tpu.memref_slice %arg5[%dma_start3A_227, %dma_start3A_228] : memref<32x32xi32, #tpu.memory_space<vmem>> -> memref<1x32xi32, #tpu.memory_space<vmem>>
    %dma_start3A_230 = tpu.memref_squeeze %dma_start3A_229 : memref<1x32xi32, #tpu.memory_space<vmem>> -> memref<32xi32, #tpu.memory_space<vmem>>
    %dma_start3A_231 = arith.constant 0 : i32
    %dma_start3A_232 = arith.constant 0 : i32
    %dma_start3A_233 = tpu.memref_slice %arg3[%dma_start3A_231, %dma_start3A_232] : memref<8192x768xf32, #tpu.memory_space<hbm>> -> memref<8192x768xf32, #tpu.memory_space<hbm>>
    tpu.enqueue_indirect_dma source(%dma_start3A_233 : memref<8192x768xf32, #tpu.memory_space<hbm>>) target(%arg9 : memref<32x768xf32, #tpu.memory_space<vmem>>) offsets(%dma_start3A_230 : memref<32xi32, #tpu.memory_space<vmem>>) semaphore(%arg13 : memref<!tpu.dma_semaphore, #tpu.memory_space<semaphore_mem>>)
    %dma_wait3A_234 = arith.constant 9 : i32
    %dma_wait3A_235 = arith.constant 0 : i32
    %dma_wait3A_236 = tpu.memref_slice %arg5[%dma_wait3A_234, %dma_wait3A_235] : memref<32x32xi32, #tpu.memory_space<vmem>> -> memref<1x32xi32, #tpu.memory_space<vmem>>
    %dma_wait3A_237 = tpu.memref_squeeze %dma_wait3A_236 : memref<1x32xi32, #tpu.memory_space<vmem>> -> memref<32xi32, #tpu.memory_space<vmem>>
    %dma_wait3A_238 = arith.constant 0 : i32
    %dma_wait3A_239 = arith.constant 0 : i32
    %dma_wait3A_240 = tpu.memref_slice %arg3[%dma_wait3A_238, %dma_wait3A_239] : memref<8192x768xf32, #tpu.memory_space<hbm>> -> memref<8192x768xf32, #tpu.memory_space<hbm>>
    tpu.wait_indirect_dma semaphore(%arg11 : memref<!tpu.dma_semaphore, #tpu.memory_space<semaphore_mem>>) src(%dma_wait3A_240 : memref<8192x768xf32, #tpu.memory_space<hbm>>) dst(%arg7 : memref<32x768xf32, #tpu.memory_space<vmem>>)
    %add3A_241 = arith.constant 288 : i32
    %add3A_242 = arith.addi %mul3A_2, %add3A_241 : i32
    %dma_start3A_243 = arith.constant 0 : i32
    %dma_start3A_244 = tpu.memref_slice %arg4[%add3A_242, %dma_start3A_243] : memref<32768x768xf32, #tpu.memory_space<hbm>> -> memref<32x768xf32, #tpu.memory_space<hbm>>
    %dma_start3A_245 = arith.constant 0 : i32
    %dma_start3A_246 = tpu.memref_slice %arg4[%add3A_242, %dma_start3A_245] : memref<32768x768xf32, #tpu.memory_space<hbm>> -> memref<32x768xf32, #tpu.memory_space<hbm>>
    tpu.enqueue_dma source(%arg7 : memref<32x768xf32, #tpu.memory_space<vmem>>) target(%dma_start3A_246 : memref<32x768xf32, #tpu.memory_space<hbm>>) target_semaphore(%arg15 : memref<!tpu.dma_semaphore, #tpu.memory_space<semaphore_mem>>)
    %dma_wait3A_247 = arith.constant 0 : i32
    %dma_wait3A_248 = tpu.memref_slice %arg4[%add3A_218, %dma_wait3A_247] : memref<32768x768xf32, #tpu.memory_space<hbm>> -> memref<32x768xf32, #tpu.memory_space<hbm>>
    %dma_wait3A_249 = arith.constant 0 : i32
    %dma_wait3A_250 = tpu.memref_slice %arg4[%add3A_218, %dma_wait3A_249] : memref<32768x768xf32, #tpu.memory_space<hbm>> -> memref<32x768xf32, #tpu.memory_space<hbm>>
    tpu.wait_dma2 semaphore(%arg14 : memref<!tpu.dma_semaphore, #tpu.memory_space<semaphore_mem>>) src(%arg6 : memref<32x768xf32, #tpu.memory_space<vmem>>) dst(%dma_wait3A_250 : memref<32x768xf32, #tpu.memory_space<hbm>>)
    %dma_start3A_251 = arith.constant 12 : i32
    %dma_start3A_252 = arith.constant 0 : i32
    %dma_start3A_253 = tpu.memref_slice %arg5[%dma_start3A_251, %dma_start3A_252] : memref<32x32xi32, #tpu.memory_space<vmem>> -> memref<1x32xi32, #tpu.memory_space<vmem>>
    %dma_start3A_254 = tpu.memref_squeeze %dma_start3A_253 : memref<1x32xi32, #tpu.memory_space<vmem>> -> memref<32xi32, #tpu.memory_space<vmem>>
    %dma_start3A_255 = arith.constant 0 : i32
    %dma_start3A_256 = arith.constant 0 : i32
    %dma_start3A_257 = tpu.memref_slice %arg3[%dma_start3A_255, %dma_start3A_256] : memref<8192x768xf32, #tpu.memory_space<hbm>> -> memref<8192x768xf32, #tpu.memory_space<hbm>>
    tpu.enqueue_indirect_dma source(%dma_start3A_257 : memref<8192x768xf32, #tpu.memory_space<hbm>>) target(%arg6 : memref<32x768xf32, #tpu.memory_space<vmem>>) offsets(%dma_start3A_254 : memref<32xi32, #tpu.memory_space<vmem>>) semaphore(%arg10 : memref<!tpu.dma_semaphore, #tpu.memory_space<semaphore_mem>>)
    %dma_wait3A_258 = arith.constant 10 : i32
    %dma_wait3A_259 = arith.constant 0 : i32
    %dma_wait3A_260 = tpu.memref_slice %arg5[%dma_wait3A_258, %dma_wait3A_259] : memref<32x32xi32, #tpu.memory_space<vmem>> -> memref<1x32xi32, #tpu.memory_space<vmem>>
    %dma_wait3A_261 = tpu.memref_squeeze %dma_wait3A_260 : memref<1x32xi32, #tpu.memory_space<vmem>> -> memref<32xi32, #tpu.memory_space<vmem>>
    %dma_wait3A_262 = arith.constant 0 : i32
    %dma_wait3A_263 = arith.constant 0 : i32
    %dma_wait3A_264 = tpu.memref_slice %arg3[%dma_wait3A_262, %dma_wait3A_263] : memref<8192x768xf32, #tpu.memory_space<hbm>> -> memref<8192x768xf32, #tpu.memory_space<hbm>>
    tpu.wait_indirect_dma semaphore(%arg12 : memref<!tpu.dma_semaphore, #tpu.memory_space<semaphore_mem>>) src(%dma_wait3A_264 : memref<8192x768xf32, #tpu.memory_space<hbm>>) dst(%arg8 : memref<32x768xf32, #tpu.memory_space<vmem>>)
    %add3A_265 = arith.constant 320 : i32
    %add3A_266 = arith.addi %mul3A_2, %add3A_265 : i32
    %dma_start3A_267 = arith.constant 0 : i32
    %dma_start3A_268 = tpu.memref_slice %arg4[%add3A_266, %dma_start3A_267] : memref<32768x768xf32, #tpu.memory_space<hbm>> -> memref<32x768xf32, #tpu.memory_space<hbm>>
    %dma_start3A_269 = arith.constant 0 : i32
    %dma_start3A_270 = tpu.memref_slice %arg4[%add3A_266, %dma_start3A_269] : memref<32768x768xf32, #tpu.memory_space<hbm>> -> memref<32x768xf32, #tpu.memory_space<hbm>>
    tpu.enqueue_dma source(%arg8 : memref<32x768xf32, #tpu.memory_space<vmem>>) target(%dma_start3A_270 : memref<32x768xf32, #tpu.memory_space<hbm>>) target_semaphore(%arg16 : memref<!tpu.dma_semaphore, #tpu.memory_space<semaphore_mem>>)
    %dma_wait3A_271 = arith.constant 0 : i32
    %dma_wait3A_272 = tpu.memref_slice %arg4[%add3A_242, %dma_wait3A_271] : memref<32768x768xf32, #tpu.memory_space<hbm>> -> memref<32x768xf32, #tpu.memory_space<hbm>>
    %dma_wait3A_273 = arith.constant 0 : i32
    %dma_wait3A_274 = tpu.memref_slice %arg4[%add3A_242, %dma_wait3A_273] : memref<32768x768xf32, #tpu.memory_space<hbm>> -> memref<32x768xf32, #tpu.memory_space<hbm>>
    tpu.wait_dma2 semaphore(%arg15 : memref<!tpu.dma_semaphore, #tpu.memory_space<semaphore_mem>>) src(%arg7 : memref<32x768xf32, #tpu.memory_space<vmem>>) dst(%dma_wait3A_274 : memref<32x768xf32, #tpu.memory_space<hbm>>)
    %dma_start3A_275 = arith.constant 13 : i32
    %dma_start3A_276 = arith.constant 0 : i32
    %dma_start3A_277 = tpu.memref_slice %arg5[%dma_start3A_275, %dma_start3A_276] : memref<32x32xi32, #tpu.memory_space<vmem>> -> memref<1x32xi32, #tpu.memory_space<vmem>>
    %dma_start3A_278 = tpu.memref_squeeze %dma_start3A_277 : memref<1x32xi32, #tpu.memory_space<vmem>> -> memref<32xi32, #tpu.memory_space<vmem>>
    %dma_start3A_279 = arith.constant 0 : i32
    %dma_start3A_280 = arith.constant 0 : i32
    %dma_start3A_281 = tpu.memref_slice %arg3[%dma_start3A_279, %dma_start3A_280] : memref<8192x768xf32, #tpu.memory_space<hbm>> -> memref<8192x768xf32, #tpu.memory_space<hbm>>
    tpu.enqueue_indirect_dma source(%dma_start3A_281 : memref<8192x768xf32, #tpu.memory_space<hbm>>) target(%arg7 : memref<32x768xf32, #tpu.memory_space<vmem>>) offsets(%dma_start3A_278 : memref<32xi32, #tpu.memory_space<vmem>>) semaphore(%arg11 : memref<!tpu.dma_semaphore, #tpu.memory_space<semaphore_mem>>)
    %dma_wait3A_282 = arith.constant 11 : i32
    %dma_wait3A_283 = arith.constant 0 : i32
    %dma_wait3A_284 = tpu.memref_slice %arg5[%dma_wait3A_282, %dma_wait3A_283] : memref<32x32xi32, #tpu.memory_space<vmem>> -> memref<1x32xi32, #tpu.memory_space<vmem>>
    %dma_wait3A_285 = tpu.memref_squeeze %dma_wait3A_284 : memref<1x32xi32, #tpu.memory_space<vmem>> -> memref<32xi32, #tpu.memory_space<vmem>>
    %dma_wait3A_286 = arith.constant 0 : i32
    %dma_wait3A_287 = arith.constant 0 : i32
    %dma_wait3A_288 = tpu.memref_slice %arg3[%dma_wait3A_286, %dma_wait3A_287] : memref<8192x768xf32, #tpu.memory_space<hbm>> -> memref<8192x768xf32, #tpu.memory_space<hbm>>
    tpu.wait_indirect_dma semaphore(%arg13 : memref<!tpu.dma_semaphore, #tpu.memory_space<semaphore_mem>>) src(%dma_wait3A_288 : memref<8192x768xf32, #tpu.memory_space<hbm>>) dst(%arg9 : memref<32x768xf32, #tpu.memory_space<vmem>>)
    %add3A_289 = arith.constant 352 : i32
    %add3A_290 = arith.addi %mul3A_2, %add3A_289 : i32
    %dma_start3A_291 = arith.constant 0 : i32
    %dma_start3A_292 = tpu.memref_slice %arg4[%add3A_290, %dma_start3A_291] : memref<32768x768xf32, #tpu.memory_space<hbm>> -> memref<32x768xf32, #tpu.memory_space<hbm>>
    %dma_start3A_293 = arith.constant 0 : i32
    %dma_start3A_294 = tpu.memref_slice %arg4[%add3A_290, %dma_start3A_293] : memref<32768x768xf32, #tpu.memory_space<hbm>> -> memref<32x768xf32, #tpu.memory_space<hbm>>
    tpu.enqueue_dma source(%arg9 : memref<32x768xf32, #tpu.memory_space<vmem>>) target(%dma_start3A_294 : memref<32x768xf32, #tpu.memory_space<hbm>>) target_semaphore(%arg17 : memref<!tpu.dma_semaphore, #tpu.memory_space<semaphore_mem>>)
    %dma_wait3A_295 = arith.constant 0 : i32
    %dma_wait3A_296 = tpu.memref_slice %arg4[%add3A_266, %dma_wait3A_295] : memref<32768x768xf32, #tpu.memory_space<hbm>> -> memref<32x768xf32, #tpu.memory_space<hbm>>
    %dma_wait3A_297 = arith.constant 0 : i32
    %dma_wait3A_298 = tpu.memref_slice %arg4[%add3A_266, %dma_wait3A_297] : memref<32768x768xf32, #tpu.memory_space<hbm>> -> memref<32x768xf32, #tpu.memory_space<hbm>>
    tpu.wait_dma2 semaphore(%arg16 : memref<!tpu.dma_semaphore, #tpu.memory_space<semaphore_mem>>) src(%arg8 : memref<32x768xf32, #tpu.memory_space<vmem>>) dst(%dma_wait3A_298 : memref<32x768xf32, #tpu.memory_space<hbm>>)
    %dma_start3A_299 = arith.constant 14 : i32
    %dma_start3A_300 = arith.constant 0 : i32
    %dma_start3A_301 = tpu.memref_slice %arg5[%dma_start3A_299, %dma_start3A_300] : memref<32x32xi32, #tpu.memory_space<vmem>> -> memref<1x32xi32, #tpu.memory_space<vmem>>
    %dma_start3A_302 = tpu.memref_squeeze %dma_start3A_301 : memref<1x32xi32, #tpu.memory_space<vmem>> -> memref<32xi32, #tpu.memory_space<vmem>>
    %dma_start3A_303 = arith.constant 0 : i32
    %dma_start3A_304 = arith.constant 0 : i32
    %dma_start3A_305 = tpu.memref_slice %arg3[%dma_start3A_303, %dma_start3A_304] : memref<8192x768xf32, #tpu.memory_space<hbm>> -> memref<8192x768xf32, #tpu.memory_space<hbm>>
    tpu.enqueue_indirect_dma source(%dma_start3A_305 : memref<8192x768xf32, #tpu.memory_space<hbm>>) target(%arg8 : memref<32x768xf32, #tpu.memory_space<vmem>>) offsets(%dma_start3A_302 : memref<32xi32, #tpu.memory_space<vmem>>) semaphore(%arg12 : memref<!tpu.dma_semaphore, #tpu.memory_space<semaphore_mem>>)
    %dma_wait3A_306 = arith.constant 12 : i32
    %dma_wait3A_307 = arith.constant 0 : i32
    %dma_wait3A_308 = tpu.memref_slice %arg5[%dma_wait3A_306, %dma_wait3A_307] : memref<32x32xi32, #tpu.memory_space<vmem>> -> memref<1x32xi32, #tpu.memory_space<vmem>>
    %dma_wait3A_309 = tpu.memref_squeeze %dma_wait3A_308 : memref<1x32xi32, #tpu.memory_space<vmem>> -> memref<32xi32, #tpu.memory_space<vmem>>
    %dma_wait3A_310 = arith.constant 0 : i32
    %dma_wait3A_311 = arith.constant 0 : i32
    %dma_wait3A_312 = tpu.memref_slice %arg3[%dma_wait3A_310, %dma_wait3A_311] : memref<8192x768xf32, #tpu.memory_space<hbm>> -> memref<8192x768xf32, #tpu.memory_space<hbm>>
    tpu.wait_indirect_dma semaphore(%arg10 : memref<!tpu.dma_semaphore, #tpu.memory_space<semaphore_mem>>) src(%dma_wait3A_312 : memref<8192x768xf32, #tpu.memory_space<hbm>>) dst(%arg6 : memref<32x768xf32, #tpu.memory_space<vmem>>)
    %add3A_313 = arith.constant 384 : i32
    %add3A_314 = arith.addi %mul3A_2, %add3A_313 : i32
    %dma_start3A_315 = arith.constant 0 : i32
    %dma_start3A_316 = tpu.memref_slice %arg4[%add3A_314, %dma_start3A_315] : memref<32768x768xf32, #tpu.memory_space<hbm>> -> memref<32x768xf32, #tpu.memory_space<hbm>>
    %dma_start3A_317 = arith.constant 0 : i32
    %dma_start3A_318 = tpu.memref_slice %arg4[%add3A_314, %dma_start3A_317] : memref<32768x768xf32, #tpu.memory_space<hbm>> -> memref<32x768xf32, #tpu.memory_space<hbm>>
    tpu.enqueue_dma source(%arg6 : memref<32x768xf32, #tpu.memory_space<vmem>>) target(%dma_start3A_318 : memref<32x768xf32, #tpu.memory_space<hbm>>) target_semaphore(%arg14 : memref<!tpu.dma_semaphore, #tpu.memory_space<semaphore_mem>>)
    %dma_wait3A_319 = arith.constant 0 : i32
    %dma_wait3A_320 = tpu.memref_slice %arg4[%add3A_290, %dma_wait3A_319] : memref<32768x768xf32, #tpu.memory_space<hbm>> -> memref<32x768xf32, #tpu.memory_space<hbm>>
    %dma_wait3A_321 = arith.constant 0 : i32
    %dma_wait3A_322 = tpu.memref_slice %arg4[%add3A_290, %dma_wait3A_321] : memref<32768x768xf32, #tpu.memory_space<hbm>> -> memref<32x768xf32, #tpu.memory_space<hbm>>
    tpu.wait_dma2 semaphore(%arg17 : memref<!tpu.dma_semaphore, #tpu.memory_space<semaphore_mem>>) src(%arg9 : memref<32x768xf32, #tpu.memory_space<vmem>>) dst(%dma_wait3A_322 : memref<32x768xf32, #tpu.memory_space<hbm>>)
    %dma_start3A_323 = arith.constant 15 : i32
    %dma_start3A_324 = arith.constant 0 : i32
    %dma_start3A_325 = tpu.memref_slice %arg5[%dma_start3A_323, %dma_start3A_324] : memref<32x32xi32, #tpu.memory_space<vmem>> -> memref<1x32xi32, #tpu.memory_space<vmem>>
    %dma_start3A_326 = tpu.memref_squeeze %dma_start3A_325 : memref<1x32xi32, #tpu.memory_space<vmem>> -> memref<32xi32, #tpu.memory_space<vmem>>
    %dma_start3A_327 = arith.constant 0 : i32
    %dma_start3A_328 = arith.constant 0 : i32
    %dma_start3A_329 = tpu.memref_slice %arg3[%dma_start3A_327, %dma_start3A_328] : memref<8192x768xf32, #tpu.memory_space<hbm>> -> memref<8192x768xf32, #tpu.memory_space<hbm>>
    tpu.enqueue_indirect_dma source(%dma_start3A_329 : memref<8192x768xf32, #tpu.memory_space<hbm>>) target(%arg9 : memref<32x768xf32, #tpu.memory_space<vmem>>) offsets(%dma_start3A_326 : memref<32xi32, #tpu.memory_space<vmem>>) semaphore(%arg13 : memref<!tpu.dma_semaphore, #tpu.memory_space<semaphore_mem>>)
    %dma_wait3A_330 = arith.constant 13 : i32
    %dma_wait3A_331 = arith.constant 0 : i32
    %dma_wait3A_332 = tpu.memref_slice %arg5[%dma_wait3A_330, %dma_wait3A_331] : memref<32x32xi32, #tpu.memory_space<vmem>> -> memref<1x32xi32, #tpu.memory_space<vmem>>
    %dma_wait3A_333 = tpu.memref_squeeze %dma_wait3A_332 : memref<1x32xi32, #tpu.memory_space<vmem>> -> memref<32xi32, #tpu.memory_space<vmem>>
    %dma_wait3A_334 = arith.constant 0 : i32
    %dma_wait3A_335 = arith.constant 0 : i32
    %dma_wait3A_336 = tpu.memref_slice %arg3[%dma_wait3A_334, %dma_wait3A_335] : memref<8192x768xf32, #tpu.memory_space<hbm>> -> memref<8192x768xf32, #tpu.memory_space<hbm>>
    tpu.wait_indirect_dma semaphore(%arg11 : memref<!tpu.dma_semaphore, #tpu.memory_space<semaphore_mem>>) src(%dma_wait3A_336 : memref<8192x768xf32, #tpu.memory_space<hbm>>) dst(%arg7 : memref<32x768xf32, #tpu.memory_space<vmem>>)
    %add3A_337 = arith.constant 416 : i32
    %add3A_338 = arith.addi %mul3A_2, %add3A_337 : i32
    %dma_start3A_339 = arith.constant 0 : i32
    %dma_start3A_340 = tpu.memref_slice %arg4[%add3A_338, %dma_start3A_339] : memref<32768x768xf32, #tpu.memory_space<hbm>> -> memref<32x768xf32, #tpu.memory_space<hbm>>
    %dma_start3A_341 = arith.constant 0 : i32
    %dma_start3A_342 = tpu.memref_slice %arg4[%add3A_338, %dma_start3A_341] : memref<32768x768xf32, #tpu.memory_space<hbm>> -> memref<32x768xf32, #tpu.memory_space<hbm>>
    tpu.enqueue_dma source(%arg7 : memref<32x768xf32, #tpu.memory_space<vmem>>) target(%dma_start3A_342 : memref<32x768xf32, #tpu.memory_space<hbm>>) target_semaphore(%arg15 : memref<!tpu.dma_semaphore, #tpu.memory_space<semaphore_mem>>)
    %dma_wait3A_343 = arith.constant 0 : i32
    %dma_wait3A_344 = tpu.memref_slice %arg4[%add3A_314, %dma_wait3A_343] : memref<32768x768xf32, #tpu.memory_space<hbm>> -> memref<32x768xf32, #tpu.memory_space<hbm>>
    %dma_wait3A_345 = arith.constant 0 : i32
    %dma_wait3A_346 = tpu.memref_slice %arg4[%add3A_314, %dma_wait3A_345] : memref<32768x768xf32, #tpu.memory_space<hbm>> -> memref<32x768xf32, #tpu.memory_space<hbm>>
    tpu.wait_dma2 semaphore(%arg14 : memref<!tpu.dma_semaphore, #tpu.memory_space<semaphore_mem>>) src(%arg6 : memref<32x768xf32, #tpu.memory_space<vmem>>) dst(%dma_wait3A_346 : memref<32x768xf32, #tpu.memory_space<hbm>>)
    %dma_start3A_347 = arith.constant 16 : i32
    %dma_start3A_348 = arith.constant 0 : i32
    %dma_start3A_349 = tpu.memref_slice %arg5[%dma_start3A_347, %dma_start3A_348] : memref<32x32xi32, #tpu.memory_space<vmem>> -> memref<1x32xi32, #tpu.memory_space<vmem>>
    %dma_start3A_350 = tpu.memref_squeeze %dma_start3A_349 : memref<1x32xi32, #tpu.memory_space<vmem>> -> memref<32xi32, #tpu.memory_space<vmem>>
    %dma_start3A_351 = arith.constant 0 : i32
    %dma_start3A_352 = arith.constant 0 : i32
    %dma_start3A_353 = tpu.memref_slice %arg3[%dma_start3A_351, %dma_start3A_352] : memref<8192x768xf32, #tpu.memory_space<hbm>> -> memref<8192x768xf32, #tpu.memory_space<hbm>>
    tpu.enqueue_indirect_dma source(%dma_start3A_353 : memref<8192x768xf32, #tpu.memory_space<hbm>>) target(%arg6 : memref<32x768xf32, #tpu.memory_space<vmem>>) offsets(%dma_start3A_350 : memref<32xi32, #tpu.memory_space<vmem>>) semaphore(%arg10 : memref<!tpu.dma_semaphore, #tpu.memory_space<semaphore_mem>>)
    %dma_wait3A_354 = arith.constant 14 : i32
    %dma_wait3A_355 = arith.constant 0 : i32
    %dma_wait3A_356 = tpu.memref_slice %arg5[%dma_wait3A_354, %dma_wait3A_355] : memref<32x32xi32, #tpu.memory_space<vmem>> -> memref<1x32xi32, #tpu.memory_space<vmem>>
    %dma_wait3A_357 = tpu.memref_squeeze %dma_wait3A_356 : memref<1x32xi32, #tpu.memory_space<vmem>> -> memref<32xi32, #tpu.memory_space<vmem>>
    %dma_wait3A_358 = arith.constant 0 : i32
    %dma_wait3A_359 = arith.constant 0 : i32
    %dma_wait3A_360 = tpu.memref_slice %arg3[%dma_wait3A_358, %dma_wait3A_359] : memref<8192x768xf32, #tpu.memory_space<hbm>> -> memref<8192x768xf32, #tpu.memory_space<hbm>>
    tpu.wait_indirect_dma semaphore(%arg12 : memref<!tpu.dma_semaphore, #tpu.memory_space<semaphore_mem>>) src(%dma_wait3A_360 : memref<8192x768xf32, #tpu.memory_space<hbm>>) dst(%arg8 : memref<32x768xf32, #tpu.memory_space<vmem>>)
    %add3A_361 = arith.constant 448 : i32
    %add3A_362 = arith.addi %mul3A_2, %add3A_361 : i32
    %dma_start3A_363 = arith.constant 0 : i32
    %dma_start3A_364 = tpu.memref_slice %arg4[%add3A_362, %dma_start3A_363] : memref<32768x768xf32, #tpu.memory_space<hbm>> -> memref<32x768xf32, #tpu.memory_space<hbm>>
    %dma_start3A_365 = arith.constant 0 : i32
    %dma_start3A_366 = tpu.memref_slice %arg4[%add3A_362, %dma_start3A_365] : memref<32768x768xf32, #tpu.memory_space<hbm>> -> memref<32x768xf32, #tpu.memory_space<hbm>>
    tpu.enqueue_dma source(%arg8 : memref<32x768xf32, #tpu.memory_space<vmem>>) target(%dma_start3A_366 : memref<32x768xf32, #tpu.memory_space<hbm>>) target_semaphore(%arg16 : memref<!tpu.dma_semaphore, #tpu.memory_space<semaphore_mem>>)
    %dma_wait3A_367 = arith.constant 0 : i32
    %dma_wait3A_368 = tpu.memref_slice %arg4[%add3A_338, %dma_wait3A_367] : memref<32768x768xf32, #tpu.memory_space<hbm>> -> memref<32x768xf32, #tpu.memory_space<hbm>>
    %dma_wait3A_369 = arith.constant 0 : i32
    %dma_wait3A_370 = tpu.memref_slice %arg4[%add3A_338, %dma_wait3A_369] : memref<32768x768xf32, #tpu.memory_space<hbm>> -> memref<32x768xf32, #tpu.memory_space<hbm>>
    tpu.wait_dma2 semaphore(%arg15 : memref<!tpu.dma_semaphore, #tpu.memory_space<semaphore_mem>>) src(%arg7 : memref<32x768xf32, #tpu.memory_space<vmem>>) dst(%dma_wait3A_370 : memref<32x768xf32, #tpu.memory_space<hbm>>)
    %dma_start3A_371 = arith.constant 17 : i32
    %dma_start3A_372 = arith.constant 0 : i32
    %dma_start3A_373 = tpu.memref_slice %arg5[%dma_start3A_371, %dma_start3A_372] : memref<32x32xi32, #tpu.memory_space<vmem>> -> memref<1x32xi32, #tpu.memory_space<vmem>>
    %dma_start3A_374 = tpu.memref_squeeze %dma_start3A_373 : memref<1x32xi32, #tpu.memory_space<vmem>> -> memref<32xi32, #tpu.memory_space<vmem>>
    %dma_start3A_375 = arith.constant 0 : i32
    %dma_start3A_376 = arith.constant 0 : i32
    %dma_start3A_377 = tpu.memref_slice %arg3[%dma_start3A_375, %dma_start3A_376] : memref<8192x768xf32, #tpu.memory_space<hbm>> -> memref<8192x768xf32, #tpu.memory_space<hbm>>
    tpu.enqueue_indirect_dma source(%dma_start3A_377 : memref<8192x768xf32, #tpu.memory_space<hbm>>) target(%arg7 : memref<32x768xf32, #tpu.memory_space<vmem>>) offsets(%dma_start3A_374 : memref<32xi32, #tpu.memory_space<vmem>>) semaphore(%arg11 : memref<!tpu.dma_semaphore, #tpu.memory_space<semaphore_mem>>)
    %dma_wait3A_378 = arith.constant 15 : i32
    %dma_wait3A_379 = arith.constant 0 : i32
    %dma_wait3A_380 = tpu.memref_slice %arg5[%dma_wait3A_378, %dma_wait3A_379] : memref<32x32xi32, #tpu.memory_space<vmem>> -> memref<1x32xi32, #tpu.memory_space<vmem>>
    %dma_wait3A_381 = tpu.memref_squeeze %dma_wait3A_380 : memref<1x32xi32, #tpu.memory_space<vmem>> -> memref<32xi32, #tpu.memory_space<vmem>>
    %dma_wait3A_382 = arith.constant 0 : i32
    %dma_wait3A_383 = arith.constant 0 : i32
    %dma_wait3A_384 = tpu.memref_slice %arg3[%dma_wait3A_382, %dma_wait3A_383] : memref<8192x768xf32, #tpu.memory_space<hbm>> -> memref<8192x768xf32, #tpu.memory_space<hbm>>
    tpu.wait_indirect_dma semaphore(%arg13 : memref<!tpu.dma_semaphore, #tpu.memory_space<semaphore_mem>>) src(%dma_wait3A_384 : memref<8192x768xf32, #tpu.memory_space<hbm>>) dst(%arg9 : memref<32x768xf32, #tpu.memory_space<vmem>>)
    %add3A_385 = arith.constant 480 : i32
    %add3A_386 = arith.addi %mul3A_2, %add3A_385 : i32
    %dma_start3A_387 = arith.constant 0 : i32
    %dma_start3A_388 = tpu.memref_slice %arg4[%add3A_386, %dma_start3A_387] : memref<32768x768xf32, #tpu.memory_space<hbm>> -> memref<32x768xf32, #tpu.memory_space<hbm>>
    %dma_start3A_389 = arith.constant 0 : i32
    %dma_start3A_390 = tpu.memref_slice %arg4[%add3A_386, %dma_start3A_389] : memref<32768x768xf32, #tpu.memory_space<hbm>> -> memref<32x768xf32, #tpu.memory_space<hbm>>
    tpu.enqueue_dma source(%arg9 : memref<32x768xf32, #tpu.memory_space<vmem>>) target(%dma_start3A_390 : memref<32x768xf32, #tpu.memory_space<hbm>>) target_semaphore(%arg17 : memref<!tpu.dma_semaphore, #tpu.memory_space<semaphore_mem>>)
    %dma_wait3A_391 = arith.constant 0 : i32
    %dma_wait3A_392 = tpu.memref_slice %arg4[%add3A_362, %dma_wait3A_391] : memref<32768x768xf32, #tpu.memory_space<hbm>> -> memref<32x768xf32, #tpu.memory_space<hbm>>
    %dma_wait3A_393 = arith.constant 0 : i32
    %dma_wait3A_394 = tpu.memref_slice %arg4[%add3A_362, %dma_wait3A_393] : memref<32768x768xf32, #tpu.memory_space<hbm>> -> memref<32x768xf32, #tpu.memory_space<hbm>>
    tpu.wait_dma2 semaphore(%arg16 : memref<!tpu.dma_semaphore, #tpu.memory_space<semaphore_mem>>) src(%arg8 : memref<32x768xf32, #tpu.memory_space<vmem>>) dst(%dma_wait3A_394 : memref<32x768xf32, #tpu.memory_space<hbm>>)
    %dma_start3A_395 = arith.constant 18 : i32
    %dma_start3A_396 = arith.constant 0 : i32
    %dma_start3A_397 = tpu.memref_slice %arg5[%dma_start3A_395, %dma_start3A_396] : memref<32x32xi32, #tpu.memory_space<vmem>> -> memref<1x32xi32, #tpu.memory_space<vmem>>
    %dma_start3A_398 = tpu.memref_squeeze %dma_start3A_397 : memref<1x32xi32, #tpu.memory_space<vmem>> -> memref<32xi32, #tpu.memory_space<vmem>>
    %dma_start3A_399 = arith.constant 0 : i32
    %dma_start3A_400 = arith.constant 0 : i32
    %dma_start3A_401 = tpu.memref_slice %arg3[%dma_start3A_399, %dma_start3A_400] : memref<8192x768xf32, #tpu.memory_space<hbm>> -> memref<8192x768xf32, #tpu.memory_space<hbm>>
    tpu.enqueue_indirect_dma source(%dma_start3A_401 : memref<8192x768xf32, #tpu.memory_space<hbm>>) target(%arg8 : memref<32x768xf32, #tpu.memory_space<vmem>>) offsets(%dma_start3A_398 : memref<32xi32, #tpu.memory_space<vmem>>) semaphore(%arg12 : memref<!tpu.dma_semaphore, #tpu.memory_space<semaphore_mem>>)
    %dma_wait3A_402 = arith.constant 16 : i32
    %dma_wait3A_403 = arith.constant 0 : i32
    %dma_wait3A_404 = tpu.memref_slice %arg5[%dma_wait3A_402, %dma_wait3A_403] : memref<32x32xi32, #tpu.memory_space<vmem>> -> memref<1x32xi32, #tpu.memory_space<vmem>>
    %dma_wait3A_405 = tpu.memref_squeeze %dma_wait3A_404 : memref<1x32xi32, #tpu.memory_space<vmem>> -> memref<32xi32, #tpu.memory_space<vmem>>
    %dma_wait3A_406 = arith.constant 0 : i32
    %dma_wait3A_407 = arith.constant 0 : i32
    %dma_wait3A_408 = tpu.memref_slice %arg3[%dma_wait3A_406, %dma_wait3A_407] : memref<8192x768xf32, #tpu.memory_space<hbm>> -> memref<8192x768xf32, #tpu.memory_space<hbm>>
    tpu.wait_indirect_dma semaphore(%arg10 : memref<!tpu.dma_semaphore, #tpu.memory_space<semaphore_mem>>) src(%dma_wait3A_408 : memref<8192x768xf32, #tpu.memory_space<hbm>>) dst(%arg6 : memref<32x768xf32, #tpu.memory_space<vmem>>)
    %add3A_409 = arith.constant 512 : i32
    %add3A_410 = arith.addi %mul3A_2, %add3A_409 : i32
    %dma_start3A_411 = arith.constant 0 : i32
    %dma_start3A_412 = tpu.memref_slice %arg4[%add3A_410, %dma_start3A_411] : memref<32768x768xf32, #tpu.memory_space<hbm>> -> memref<32x768xf32, #tpu.memory_space<hbm>>
    %dma_start3A_413 = arith.constant 0 : i32
    %dma_start3A_414 = tpu.memref_slice %arg4[%add3A_410, %dma_start3A_413] : memref<32768x768xf32, #tpu.memory_space<hbm>> -> memref<32x768xf32, #tpu.memory_space<hbm>>
    tpu.enqueue_dma source(%arg6 : memref<32x768xf32, #tpu.memory_space<vmem>>) target(%dma_start3A_414 : memref<32x768xf32, #tpu.memory_space<hbm>>) target_semaphore(%arg14 : memref<!tpu.dma_semaphore, #tpu.memory_space<semaphore_mem>>)
    %dma_wait3A_415 = arith.constant 0 : i32
    %dma_wait3A_416 = tpu.memref_slice %arg4[%add3A_386, %dma_wait3A_415] : memref<32768x768xf32, #tpu.memory_space<hbm>> -> memref<32x768xf32, #tpu.memory_space<hbm>>
    %dma_wait3A_417 = arith.constant 0 : i32
    %dma_wait3A_418 = tpu.memref_slice %arg4[%add3A_386, %dma_wait3A_417] : memref<32768x768xf32, #tpu.memory_space<hbm>> -> memref<32x768xf32, #tpu.memory_space<hbm>>
    tpu.wait_dma2 semaphore(%arg17 : memref<!tpu.dma_semaphore, #tpu.memory_space<semaphore_mem>>) src(%arg9 : memref<32x768xf32, #tpu.memory_space<vmem>>) dst(%dma_wait3A_418 : memref<32x768xf32, #tpu.memory_space<hbm>>)
    %dma_start3A_419 = arith.constant 19 : i32
    %dma_start3A_420 = arith.constant 0 : i32
    %dma_start3A_421 = tpu.memref_slice %arg5[%dma_start3A_419, %dma_start3A_420] : memref<32x32xi32, #tpu.memory_space<vmem>> -> memref<1x32xi32, #tpu.memory_space<vmem>>
    %dma_start3A_422 = tpu.memref_squeeze %dma_start3A_421 : memref<1x32xi32, #tpu.memory_space<vmem>> -> memref<32xi32, #tpu.memory_space<vmem>>
    %dma_start3A_423 = arith.constant 0 : i32
    %dma_start3A_424 = arith.constant 0 : i32
    %dma_start3A_425 = tpu.memref_slice %arg3[%dma_start3A_423, %dma_start3A_424] : memref<8192x768xf32, #tpu.memory_space<hbm>> -> memref<8192x768xf32, #tpu.memory_space<hbm>>
    tpu.enqueue_indirect_dma source(%dma_start3A_425 : memref<8192x768xf32, #tpu.memory_space<hbm>>) target(%arg9 : memref<32x768xf32, #tpu.memory_space<vmem>>) offsets(%dma_start3A_422 : memref<32xi32, #tpu.memory_space<vmem>>) semaphore(%arg13 : memref<!tpu.dma_semaphore, #tpu.memory_space<semaphore_mem>>)
    %dma_wait3A_426 = arith.constant 17 : i32
    %dma_wait3A_427 = arith.constant 0 : i32
    %dma_wait3A_428 = tpu.memref_slice %arg5[%dma_wait3A_426, %dma_wait3A_427] : memref<32x32xi32, #tpu.memory_space<vmem>> -> memref<1x32xi32, #tpu.memory_space<vmem>>
    %dma_wait3A_429 = tpu.memref_squeeze %dma_wait3A_428 : memref<1x32xi32, #tpu.memory_space<vmem>> -> memref<32xi32, #tpu.memory_space<vmem>>
    %dma_wait3A_430 = arith.constant 0 : i32
    %dma_wait3A_431 = arith.constant 0 : i32
    %dma_wait3A_432 = tpu.memref_slice %arg3[%dma_wait3A_430, %dma_wait3A_431] : memref<8192x768xf32, #tpu.memory_space<hbm>> -> memref<8192x768xf32, #tpu.memory_space<hbm>>
    tpu.wait_indirect_dma semaphore(%arg11 : memref<!tpu.dma_semaphore, #tpu.memory_space<semaphore_mem>>) src(%dma_wait3A_432 : memref<8192x768xf32, #tpu.memory_space<hbm>>) dst(%arg7 : memref<32x768xf32, #tpu.memory_space<vmem>>)
    %add3A_433 = arith.constant 544 : i32
    %add3A_434 = arith.addi %mul3A_2, %add3A_433 : i32
    %dma_start3A_435 = arith.constant 0 : i32
    %dma_start3A_436 = tpu.memref_slice %arg4[%add3A_434, %dma_start3A_435] : memref<32768x768xf32, #tpu.memory_space<hbm>> -> memref<32x768xf32, #tpu.memory_space<hbm>>
    %dma_start3A_437 = arith.constant 0 : i32
    %dma_start3A_438 = tpu.memref_slice %arg4[%add3A_434, %dma_start3A_437] : memref<32768x768xf32, #tpu.memory_space<hbm>> -> memref<32x768xf32, #tpu.memory_space<hbm>>
    tpu.enqueue_dma source(%arg7 : memref<32x768xf32, #tpu.memory_space<vmem>>) target(%dma_start3A_438 : memref<32x768xf32, #tpu.memory_space<hbm>>) target_semaphore(%arg15 : memref<!tpu.dma_semaphore, #tpu.memory_space<semaphore_mem>>)
    %dma_wait3A_439 = arith.constant 0 : i32
    %dma_wait3A_440 = tpu.memref_slice %arg4[%add3A_410, %dma_wait3A_439] : memref<32768x768xf32, #tpu.memory_space<hbm>> -> memref<32x768xf32, #tpu.memory_space<hbm>>
    %dma_wait3A_441 = arith.constant 0 : i32
    %dma_wait3A_442 = tpu.memref_slice %arg4[%add3A_410, %dma_wait3A_441] : memref<32768x768xf32, #tpu.memory_space<hbm>> -> memref<32x768xf32, #tpu.memory_space<hbm>>
    tpu.wait_dma2 semaphore(%arg14 : memref<!tpu.dma_semaphore, #tpu.memory_space<semaphore_mem>>) src(%arg6 : memref<32x768xf32, #tpu.memory_space<vmem>>) dst(%dma_wait3A_442 : memref<32x768xf32, #tpu.memory_space<hbm>>)
    %dma_start3A_443 = arith.constant 20 : i32
    %dma_start3A_444 = arith.constant 0 : i32
    %dma_start3A_445 = tpu.memref_slice %arg5[%dma_start3A_443, %dma_start3A_444] : memref<32x32xi32, #tpu.memory_space<vmem>> -> memref<1x32xi32, #tpu.memory_space<vmem>>
    %dma_start3A_446 = tpu.memref_squeeze %dma_start3A_445 : memref<1x32xi32, #tpu.memory_space<vmem>> -> memref<32xi32, #tpu.memory_space<vmem>>
    %dma_start3A_447 = arith.constant 0 : i32
    %dma_start3A_448 = arith.constant 0 : i32
    %dma_start3A_449 = tpu.memref_slice %arg3[%dma_start3A_447, %dma_start3A_448] : memref<8192x768xf32, #tpu.memory_space<hbm>> -> memref<8192x768xf32, #tpu.memory_space<hbm>>
    tpu.enqueue_indirect_dma source(%dma_start3A_449 : memref<8192x768xf32, #tpu.memory_space<hbm>>) target(%arg6 : memref<32x768xf32, #tpu.memory_space<vmem>>) offsets(%dma_start3A_446 : memref<32xi32, #tpu.memory_space<vmem>>) semaphore(%arg10 : memref<!tpu.dma_semaphore, #tpu.memory_space<semaphore_mem>>)
    %dma_wait3A_450 = arith.constant 18 : i32
    %dma_wait3A_451 = arith.constant 0 : i32
    %dma_wait3A_452 = tpu.memref_slice %arg5[%dma_wait3A_450, %dma_wait3A_451] : memref<32x32xi32, #tpu.memory_space<vmem>> -> memref<1x32xi32, #tpu.memory_space<vmem>>
    %dma_wait3A_453 = tpu.memref_squeeze %dma_wait3A_452 : memref<1x32xi32, #tpu.memory_space<vmem>> -> memref<32xi32, #tpu.memory_space<vmem>>
    %dma_wait3A_454 = arith.constant 0 : i32
    %dma_wait3A_455 = arith.constant 0 : i32
    %dma_wait3A_456 = tpu.memref_slice %arg3[%dma_wait3A_454, %dma_wait3A_455] : memref<8192x768xf32, #tpu.memory_space<hbm>> -> memref<8192x768xf32, #tpu.memory_space<hbm>>
    tpu.wait_indirect_dma semaphore(%arg12 : memref<!tpu.dma_semaphore, #tpu.memory_space<semaphore_mem>>) src(%dma_wait3A_456 : memref<8192x768xf32, #tpu.memory_space<hbm>>) dst(%arg8 : memref<32x768xf32, #tpu.memory_space<vmem>>)
    %add3A_457 = arith.constant 576 : i32
    %add3A_458 = arith.addi %mul3A_2, %add3A_457 : i32
    %dma_start3A_459 = arith.constant 0 : i32
    %dma_start3A_460 = tpu.memref_slice %arg4[%add3A_458, %dma_start3A_459] : memref<32768x768xf32, #tpu.memory_space<hbm>> -> memref<32x768xf32, #tpu.memory_space<hbm>>
    %dma_start3A_461 = arith.constant 0 : i32
    %dma_start3A_462 = tpu.memref_slice %arg4[%add3A_458, %dma_start3A_461] : memref<32768x768xf32, #tpu.memory_space<hbm>> -> memref<32x768xf32, #tpu.memory_space<hbm>>
    tpu.enqueue_dma source(%arg8 : memref<32x768xf32, #tpu.memory_space<vmem>>) target(%dma_start3A_462 : memref<32x768xf32, #tpu.memory_space<hbm>>) target_semaphore(%arg16 : memref<!tpu.dma_semaphore, #tpu.memory_space<semaphore_mem>>)
    %dma_wait3A_463 = arith.constant 0 : i32
    %dma_wait3A_464 = tpu.memref_slice %arg4[%add3A_434, %dma_wait3A_463] : memref<32768x768xf32, #tpu.memory_space<hbm>> -> memref<32x768xf32, #tpu.memory_space<hbm>>
    %dma_wait3A_465 = arith.constant 0 : i32
    %dma_wait3A_466 = tpu.memref_slice %arg4[%add3A_434, %dma_wait3A_465] : memref<32768x768xf32, #tpu.memory_space<hbm>> -> memref<32x768xf32, #tpu.memory_space<hbm>>
    tpu.wait_dma2 semaphore(%arg15 : memref<!tpu.dma_semaphore, #tpu.memory_space<semaphore_mem>>) src(%arg7 : memref<32x768xf32, #tpu.memory_space<vmem>>) dst(%dma_wait3A_466 : memref<32x768xf32, #tpu.memory_space<hbm>>)
    %dma_start3A_467 = arith.constant 21 : i32
    %dma_start3A_468 = arith.constant 0 : i32
    %dma_start3A_469 = tpu.memref_slice %arg5[%dma_start3A_467, %dma_start3A_468] : memref<32x32xi32, #tpu.memory_space<vmem>> -> memref<1x32xi32, #tpu.memory_space<vmem>>
    %dma_start3A_470 = tpu.memref_squeeze %dma_start3A_469 : memref<1x32xi32, #tpu.memory_space<vmem>> -> memref<32xi32, #tpu.memory_space<vmem>>
    %dma_start3A_471 = arith.constant 0 : i32
    %dma_start3A_472 = arith.constant 0 : i32
    %dma_start3A_473 = tpu.memref_slice %arg3[%dma_start3A_471, %dma_start3A_472] : memref<8192x768xf32, #tpu.memory_space<hbm>> -> memref<8192x768xf32, #tpu.memory_space<hbm>>
    tpu.enqueue_indirect_dma source(%dma_start3A_473 : memref<8192x768xf32, #tpu.memory_space<hbm>>) target(%arg7 : memref<32x768xf32, #tpu.memory_space<vmem>>) offsets(%dma_start3A_470 : memref<32xi32, #tpu.memory_space<vmem>>) semaphore(%arg11 : memref<!tpu.dma_semaphore, #tpu.memory_space<semaphore_mem>>)
    %dma_wait3A_474 = arith.constant 19 : i32
    %dma_wait3A_475 = arith.constant 0 : i32
    %dma_wait3A_476 = tpu.memref_slice %arg5[%dma_wait3A_474, %dma_wait3A_475] : memref<32x32xi32, #tpu.memory_space<vmem>> -> memref<1x32xi32, #tpu.memory_space<vmem>>
    %dma_wait3A_477 = tpu.memref_squeeze %dma_wait3A_476 : memref<1x32xi32, #tpu.memory_space<vmem>> -> memref<32xi32, #tpu.memory_space<vmem>>
    %dma_wait3A_478 = arith.constant 0 : i32
    %dma_wait3A_479 = arith.constant 0 : i32
    %dma_wait3A_480 = tpu.memref_slice %arg3[%dma_wait3A_478, %dma_wait3A_479] : memref<8192x768xf32, #tpu.memory_space<hbm>> -> memref<8192x768xf32, #tpu.memory_space<hbm>>
    tpu.wait_indirect_dma semaphore(%arg13 : memref<!tpu.dma_semaphore, #tpu.memory_space<semaphore_mem>>) src(%dma_wait3A_480 : memref<8192x768xf32, #tpu.memory_space<hbm>>) dst(%arg9 : memref<32x768xf32, #tpu.memory_space<vmem>>)
    %add3A_481 = arith.constant 608 : i32
    %add3A_482 = arith.addi %mul3A_2, %add3A_481 : i32
    %dma_start3A_483 = arith.constant 0 : i32
    %dma_start3A_484 = tpu.memref_slice %arg4[%add3A_482, %dma_start3A_483] : memref<32768x768xf32, #tpu.memory_space<hbm>> -> memref<32x768xf32, #tpu.memory_space<hbm>>
    %dma_start3A_485 = arith.constant 0 : i32
    %dma_start3A_486 = tpu.memref_slice %arg4[%add3A_482, %dma_start3A_485] : memref<32768x768xf32, #tpu.memory_space<hbm>> -> memref<32x768xf32, #tpu.memory_space<hbm>>
    tpu.enqueue_dma source(%arg9 : memref<32x768xf32, #tpu.memory_space<vmem>>) target(%dma_start3A_486 : memref<32x768xf32, #tpu.memory_space<hbm>>) target_semaphore(%arg17 : memref<!tpu.dma_semaphore, #tpu.memory_space<semaphore_mem>>)
    %dma_wait3A_487 = arith.constant 0 : i32
    %dma_wait3A_488 = tpu.memref_slice %arg4[%add3A_458, %dma_wait3A_487] : memref<32768x768xf32, #tpu.memory_space<hbm>> -> memref<32x768xf32, #tpu.memory_space<hbm>>
    %dma_wait3A_489 = arith.constant 0 : i32
    %dma_wait3A_490 = tpu.memref_slice %arg4[%add3A_458, %dma_wait3A_489] : memref<32768x768xf32, #tpu.memory_space<hbm>> -> memref<32x768xf32, #tpu.memory_space<hbm>>
    tpu.wait_dma2 semaphore(%arg16 : memref<!tpu.dma_semaphore, #tpu.memory_space<semaphore_mem>>) src(%arg8 : memref<32x768xf32, #tpu.memory_space<vmem>>) dst(%dma_wait3A_490 : memref<32x768xf32, #tpu.memory_space<hbm>>)
    %dma_start3A_491 = arith.constant 22 : i32
    %dma_start3A_492 = arith.constant 0 : i32
    %dma_start3A_493 = tpu.memref_slice %arg5[%dma_start3A_491, %dma_start3A_492] : memref<32x32xi32, #tpu.memory_space<vmem>> -> memref<1x32xi32, #tpu.memory_space<vmem>>
    %dma_start3A_494 = tpu.memref_squeeze %dma_start3A_493 : memref<1x32xi32, #tpu.memory_space<vmem>> -> memref<32xi32, #tpu.memory_space<vmem>>
    %dma_start3A_495 = arith.constant 0 : i32
    %dma_start3A_496 = arith.constant 0 : i32
    %dma_start3A_497 = tpu.memref_slice %arg3[%dma_start3A_495, %dma_start3A_496] : memref<8192x768xf32, #tpu.memory_space<hbm>> -> memref<8192x768xf32, #tpu.memory_space<hbm>>
    tpu.enqueue_indirect_dma source(%dma_start3A_497 : memref<8192x768xf32, #tpu.memory_space<hbm>>) target(%arg8 : memref<32x768xf32, #tpu.memory_space<vmem>>) offsets(%dma_start3A_494 : memref<32xi32, #tpu.memory_space<vmem>>) semaphore(%arg12 : memref<!tpu.dma_semaphore, #tpu.memory_space<semaphore_mem>>)
    %dma_wait3A_498 = arith.constant 20 : i32
    %dma_wait3A_499 = arith.constant 0 : i32
    %dma_wait3A_500 = tpu.memref_slice %arg5[%dma_wait3A_498, %dma_wait3A_499] : memref<32x32xi32, #tpu.memory_space<vmem>> -> memref<1x32xi32, #tpu.memory_space<vmem>>
    %dma_wait3A_501 = tpu.memref_squeeze %dma_wait3A_500 : memref<1x32xi32, #tpu.memory_space<vmem>> -> memref<32xi32, #tpu.memory_space<vmem>>
    %dma_wait3A_502 = arith.constant 0 : i32
    %dma_wait3A_503 = arith.constant 0 : i32
    %dma_wait3A_504 = tpu.memref_slice %arg3[%dma_wait3A_502, %dma_wait3A_503] : memref<8192x768xf32, #tpu.memory_space<hbm>> -> memref<8192x768xf32, #tpu.memory_space<hbm>>
    tpu.wait_indirect_dma semaphore(%arg10 : memref<!tpu.dma_semaphore, #tpu.memory_space<semaphore_mem>>) src(%dma_wait3A_504 : memref<8192x768xf32, #tpu.memory_space<hbm>>) dst(%arg6 : memref<32x768xf32, #tpu.memory_space<vmem>>)
    %add3A_505 = arith.constant 640 : i32
    %add3A_506 = arith.addi %mul3A_2, %add3A_505 : i32
    %dma_start3A_507 = arith.constant 0 : i32
    %dma_start3A_508 = tpu.memref_slice %arg4[%add3A_506, %dma_start3A_507] : memref<32768x768xf32, #tpu.memory_space<hbm>> -> memref<32x768xf32, #tpu.memory_space<hbm>>
    %dma_start3A_509 = arith.constant 0 : i32
    %dma_start3A_510 = tpu.memref_slice %arg4[%add3A_506, %dma_start3A_509] : memref<32768x768xf32, #tpu.memory_space<hbm>> -> memref<32x768xf32, #tpu.memory_space<hbm>>
    tpu.enqueue_dma source(%arg6 : memref<32x768xf32, #tpu.memory_space<vmem>>) target(%dma_start3A_510 : memref<32x768xf32, #tpu.memory_space<hbm>>) target_semaphore(%arg14 : memref<!tpu.dma_semaphore, #tpu.memory_space<semaphore_mem>>)
    %dma_wait3A_511 = arith.constant 0 : i32
    %dma_wait3A_512 = tpu.memref_slice %arg4[%add3A_482, %dma_wait3A_511] : memref<32768x768xf32, #tpu.memory_space<hbm>> -> memref<32x768xf32, #tpu.memory_space<hbm>>
    %dma_wait3A_513 = arith.constant 0 : i32
    %dma_wait3A_514 = tpu.memref_slice %arg4[%add3A_482, %dma_wait3A_513] : memref<32768x768xf32, #tpu.memory_space<hbm>> -> memref<32x768xf32, #tpu.memory_space<hbm>>
    tpu.wait_dma2 semaphore(%arg17 : memref<!tpu.dma_semaphore, #tpu.memory_space<semaphore_mem>>) src(%arg9 : memref<32x768xf32, #tpu.memory_space<vmem>>) dst(%dma_wait3A_514 : memref<32x768xf32, #tpu.memory_space<hbm>>)
    %dma_start3A_515 = arith.constant 23 : i32
    %dma_start3A_516 = arith.constant 0 : i32
    %dma_start3A_517 = tpu.memref_slice %arg5[%dma_start3A_515, %dma_start3A_516] : memref<32x32xi32, #tpu.memory_space<vmem>> -> memref<1x32xi32, #tpu.memory_space<vmem>>
    %dma_start3A_518 = tpu.memref_squeeze %dma_start3A_517 : memref<1x32xi32, #tpu.memory_space<vmem>> -> memref<32xi32, #tpu.memory_space<vmem>>
    %dma_start3A_519 = arith.constant 0 : i32
    %dma_start3A_520 = arith.constant 0 : i32
    %dma_start3A_521 = tpu.memref_slice %arg3[%dma_start3A_519, %dma_start3A_520] : memref<8192x768xf32, #tpu.memory_space<hbm>> -> memref<8192x768xf32, #tpu.memory_space<hbm>>
    tpu.enqueue_indirect_dma source(%dma_start3A_521 : memref<8192x768xf32, #tpu.memory_space<hbm>>) target(%arg9 : memref<32x768xf32, #tpu.memory_space<vmem>>) offsets(%dma_start3A_518 : memref<32xi32, #tpu.memory_space<vmem>>) semaphore(%arg13 : memref<!tpu.dma_semaphore, #tpu.memory_space<semaphore_mem>>)
    %dma_wait3A_522 = arith.constant 21 : i32
    %dma_wait3A_523 = arith.constant 0 : i32
    %dma_wait3A_524 = tpu.memref_slice %arg5[%dma_wait3A_522, %dma_wait3A_523] : memref<32x32xi32, #tpu.memory_space<vmem>> -> memref<1x32xi32, #tpu.memory_space<vmem>>
    %dma_wait3A_525 = tpu.memref_squeeze %dma_wait3A_524 : memref<1x32xi32, #tpu.memory_space<vmem>> -> memref<32xi32, #tpu.memory_space<vmem>>
    %dma_wait3A_526 = arith.constant 0 : i32
    %dma_wait3A_527 = arith.constant 0 : i32
    %dma_wait3A_528 = tpu.memref_slice %arg3[%dma_wait3A_526, %dma_wait3A_527] : memref<8192x768xf32, #tpu.memory_space<hbm>> -> memref<8192x768xf32, #tpu.memory_space<hbm>>
    tpu.wait_indirect_dma semaphore(%arg11 : memref<!tpu.dma_semaphore, #tpu.memory_space<semaphore_mem>>) src(%dma_wait3A_528 : memref<8192x768xf32, #tpu.memory_space<hbm>>) dst(%arg7 : memref<32x768xf32, #tpu.memory_space<vmem>>)
    %add3A_529 = arith.constant 672 : i32
    %add3A_530 = arith.addi %mul3A_2, %add3A_529 : i32
    %dma_start3A_531 = arith.constant 0 : i32
    %dma_start3A_532 = tpu.memref_slice %arg4[%add3A_530, %dma_start3A_531] : memref<32768x768xf32, #tpu.memory_space<hbm>> -> memref<32x768xf32, #tpu.memory_space<hbm>>
    %dma_start3A_533 = arith.constant 0 : i32
    %dma_start3A_534 = tpu.memref_slice %arg4[%add3A_530, %dma_start3A_533] : memref<32768x768xf32, #tpu.memory_space<hbm>> -> memref<32x768xf32, #tpu.memory_space<hbm>>
    tpu.enqueue_dma source(%arg7 : memref<32x768xf32, #tpu.memory_space<vmem>>) target(%dma_start3A_534 : memref<32x768xf32, #tpu.memory_space<hbm>>) target_semaphore(%arg15 : memref<!tpu.dma_semaphore, #tpu.memory_space<semaphore_mem>>)
    %dma_wait3A_535 = arith.constant 0 : i32
    %dma_wait3A_536 = tpu.memref_slice %arg4[%add3A_506, %dma_wait3A_535] : memref<32768x768xf32, #tpu.memory_space<hbm>> -> memref<32x768xf32, #tpu.memory_space<hbm>>
    %dma_wait3A_537 = arith.constant 0 : i32
    %dma_wait3A_538 = tpu.memref_slice %arg4[%add3A_506, %dma_wait3A_537] : memref<32768x768xf32, #tpu.memory_space<hbm>> -> memref<32x768xf32, #tpu.memory_space<hbm>>
    tpu.wait_dma2 semaphore(%arg14 : memref<!tpu.dma_semaphore, #tpu.memory_space<semaphore_mem>>) src(%arg6 : memref<32x768xf32, #tpu.memory_space<vmem>>) dst(%dma_wait3A_538 : memref<32x768xf32, #tpu.memory_space<hbm>>)
    %dma_start3A_539 = arith.constant 24 : i32
    %dma_start3A_540 = arith.constant 0 : i32
    %dma_start3A_541 = tpu.memref_slice %arg5[%dma_start3A_539, %dma_start3A_540] : memref<32x32xi32, #tpu.memory_space<vmem>> -> memref<1x32xi32, #tpu.memory_space<vmem>>
    %dma_start3A_542 = tpu.memref_squeeze %dma_start3A_541 : memref<1x32xi32, #tpu.memory_space<vmem>> -> memref<32xi32, #tpu.memory_space<vmem>>
    %dma_start3A_543 = arith.constant 0 : i32
    %dma_start3A_544 = arith.constant 0 : i32
    %dma_start3A_545 = tpu.memref_slice %arg3[%dma_start3A_543, %dma_start3A_544] : memref<8192x768xf32, #tpu.memory_space<hbm>> -> memref<8192x768xf32, #tpu.memory_space<hbm>>
    tpu.enqueue_indirect_dma source(%dma_start3A_545 : memref<8192x768xf32, #tpu.memory_space<hbm>>) target(%arg6 : memref<32x768xf32, #tpu.memory_space<vmem>>) offsets(%dma_start3A_542 : memref<32xi32, #tpu.memory_space<vmem>>) semaphore(%arg10 : memref<!tpu.dma_semaphore, #tpu.memory_space<semaphore_mem>>)
    %dma_wait3A_546 = arith.constant 22 : i32
    %dma_wait3A_547 = arith.constant 0 : i32
    %dma_wait3A_548 = tpu.memref_slice %arg5[%dma_wait3A_546, %dma_wait3A_547] : memref<32x32xi32, #tpu.memory_space<vmem>> -> memref<1x32xi32, #tpu.memory_space<vmem>>
    %dma_wait3A_549 = tpu.memref_squeeze %dma_wait3A_548 : memref<1x32xi32, #tpu.memory_space<vmem>> -> memref<32xi32, #tpu.memory_space<vmem>>
    %dma_wait3A_550 = arith.constant 0 : i32
    %dma_wait3A_551 = arith.constant 0 : i32
    %dma_wait3A_552 = tpu.memref_slice %arg3[%dma_wait3A_550, %dma_wait3A_551] : memref<8192x768xf32, #tpu.memory_space<hbm>> -> memref<8192x768xf32, #tpu.memory_space<hbm>>
    tpu.wait_indirect_dma semaphore(%arg12 : memref<!tpu.dma_semaphore, #tpu.memory_space<semaphore_mem>>) src(%dma_wait3A_552 : memref<8192x768xf32, #tpu.memory_space<hbm>>) dst(%arg8 : memref<32x768xf32, #tpu.memory_space<vmem>>)
    %add3A_553 = arith.constant 704 : i32
    %add3A_554 = arith.addi %mul3A_2, %add3A_553 : i32
    %dma_start3A_555 = arith.constant 0 : i32
    %dma_start3A_556 = tpu.memref_slice %arg4[%add3A_554, %dma_start3A_555] : memref<32768x768xf32, #tpu.memory_space<hbm>> -> memref<32x768xf32, #tpu.memory_space<hbm>>
    %dma_start3A_557 = arith.constant 0 : i32
    %dma_start3A_558 = tpu.memref_slice %arg4[%add3A_554, %dma_start3A_557] : memref<32768x768xf32, #tpu.memory_space<hbm>> -> memref<32x768xf32, #tpu.memory_space<hbm>>
    tpu.enqueue_dma source(%arg8 : memref<32x768xf32, #tpu.memory_space<vmem>>) target(%dma_start3A_558 : memref<32x768xf32, #tpu.memory_space<hbm>>) target_semaphore(%arg16 : memref<!tpu.dma_semaphore, #tpu.memory_space<semaphore_mem>>)
    %dma_wait3A_559 = arith.constant 0 : i32
    %dma_wait3A_560 = tpu.memref_slice %arg4[%add3A_530, %dma_wait3A_559] : memref<32768x768xf32, #tpu.memory_space<hbm>> -> memref<32x768xf32, #tpu.memory_space<hbm>>
    %dma_wait3A_561 = arith.constant 0 : i32
    %dma_wait3A_562 = tpu.memref_slice %arg4[%add3A_530, %dma_wait3A_561] : memref<32768x768xf32, #tpu.memory_space<hbm>> -> memref<32x768xf32, #tpu.memory_space<hbm>>
    tpu.wait_dma2 semaphore(%arg15 : memref<!tpu.dma_semaphore, #tpu.memory_space<semaphore_mem>>) src(%arg7 : memref<32x768xf32, #tpu.memory_space<vmem>>) dst(%dma_wait3A_562 : memref<32x768xf32, #tpu.memory_space<hbm>>)
    %dma_start3A_563 = arith.constant 25 : i32
    %dma_start3A_564 = arith.constant 0 : i32
    %dma_start3A_565 = tpu.memref_slice %arg5[%dma_start3A_563, %dma_start3A_564] : memref<32x32xi32, #tpu.memory_space<vmem>> -> memref<1x32xi32, #tpu.memory_space<vmem>>
    %dma_start3A_566 = tpu.memref_squeeze %dma_start3A_565 : memref<1x32xi32, #tpu.memory_space<vmem>> -> memref<32xi32, #tpu.memory_space<vmem>>
    %dma_start3A_567 = arith.constant 0 : i32
    %dma_start3A_568 = arith.constant 0 : i32
    %dma_start3A_569 = tpu.memref_slice %arg3[%dma_start3A_567, %dma_start3A_568] : memref<8192x768xf32, #tpu.memory_space<hbm>> -> memref<8192x768xf32, #tpu.memory_space<hbm>>
    tpu.enqueue_indirect_dma source(%dma_start3A_569 : memref<8192x768xf32, #tpu.memory_space<hbm>>) target(%arg7 : memref<32x768xf32, #tpu.memory_space<vmem>>) offsets(%dma_start3A_566 : memref<32xi32, #tpu.memory_space<vmem>>) semaphore(%arg11 : memref<!tpu.dma_semaphore, #tpu.memory_space<semaphore_mem>>)
    %dma_wait3A_570 = arith.constant 23 : i32
    %dma_wait3A_571 = arith.constant 0 : i32
    %dma_wait3A_572 = tpu.memref_slice %arg5[%dma_wait3A_570, %dma_wait3A_571] : memref<32x32xi32, #tpu.memory_space<vmem>> -> memref<1x32xi32, #tpu.memory_space<vmem>>
    %dma_wait3A_573 = tpu.memref_squeeze %dma_wait3A_572 : memref<1x32xi32, #tpu.memory_space<vmem>> -> memref<32xi32, #tpu.memory_space<vmem>>
    %dma_wait3A_574 = arith.constant 0 : i32
    %dma_wait3A_575 = arith.constant 0 : i32
    %dma_wait3A_576 = tpu.memref_slice %arg3[%dma_wait3A_574, %dma_wait3A_575] : memref<8192x768xf32, #tpu.memory_space<hbm>> -> memref<8192x768xf32, #tpu.memory_space<hbm>>
    tpu.wait_indirect_dma semaphore(%arg13 : memref<!tpu.dma_semaphore, #tpu.memory_space<semaphore_mem>>) src(%dma_wait3A_576 : memref<8192x768xf32, #tpu.memory_space<hbm>>) dst(%arg9 : memref<32x768xf32, #tpu.memory_space<vmem>>)
    %add3A_577 = arith.constant 736 : i32
    %add3A_578 = arith.addi %mul3A_2, %add3A_577 : i32
    %dma_start3A_579 = arith.constant 0 : i32
    %dma_start3A_580 = tpu.memref_slice %arg4[%add3A_578, %dma_start3A_579] : memref<32768x768xf32, #tpu.memory_space<hbm>> -> memref<32x768xf32, #tpu.memory_space<hbm>>
    %dma_start3A_581 = arith.constant 0 : i32
    %dma_start3A_582 = tpu.memref_slice %arg4[%add3A_578, %dma_start3A_581] : memref<32768x768xf32, #tpu.memory_space<hbm>> -> memref<32x768xf32, #tpu.memory_space<hbm>>
    tpu.enqueue_dma source(%arg9 : memref<32x768xf32, #tpu.memory_space<vmem>>) target(%dma_start3A_582 : memref<32x768xf32, #tpu.memory_space<hbm>>) target_semaphore(%arg17 : memref<!tpu.dma_semaphore, #tpu.memory_space<semaphore_mem>>)
    %dma_wait3A_583 = arith.constant 0 : i32
    %dma_wait3A_584 = tpu.memref_slice %arg4[%add3A_554, %dma_wait3A_583] : memref<32768x768xf32, #tpu.memory_space<hbm>> -> memref<32x768xf32, #tpu.memory_space<hbm>>
    %dma_wait3A_585 = arith.constant 0 : i32
    %dma_wait3A_586 = tpu.memref_slice %arg4[%add3A_554, %dma_wait3A_585] : memref<32768x768xf32, #tpu.memory_space<hbm>> -> memref<32x768xf32, #tpu.memory_space<hbm>>
    tpu.wait_dma2 semaphore(%arg16 : memref<!tpu.dma_semaphore, #tpu.memory_space<semaphore_mem>>) src(%arg8 : memref<32x768xf32, #tpu.memory_space<vmem>>) dst(%dma_wait3A_586 : memref<32x768xf32, #tpu.memory_space<hbm>>)
    %dma_start3A_587 = arith.constant 26 : i32
    %dma_start3A_588 = arith.constant 0 : i32
    %dma_start3A_589 = tpu.memref_slice %arg5[%dma_start3A_587, %dma_start3A_588] : memref<32x32xi32, #tpu.memory_space<vmem>> -> memref<1x32xi32, #tpu.memory_space<vmem>>
    %dma_start3A_590 = tpu.memref_squeeze %dma_start3A_589 : memref<1x32xi32, #tpu.memory_space<vmem>> -> memref<32xi32, #tpu.memory_space<vmem>>
    %dma_start3A_591 = arith.constant 0 : i32
    %dma_start3A_592 = arith.constant 0 : i32
    %dma_start3A_593 = tpu.memref_slice %arg3[%dma_start3A_591, %dma_start3A_592] : memref<8192x768xf32, #tpu.memory_space<hbm>> -> memref<8192x768xf32, #tpu.memory_space<hbm>>
    tpu.enqueue_indirect_dma source(%dma_start3A_593 : memref<8192x768xf32, #tpu.memory_space<hbm>>) target(%arg8 : memref<32x768xf32, #tpu.memory_space<vmem>>) offsets(%dma_start3A_590 : memref<32xi32, #tpu.memory_space<vmem>>) semaphore(%arg12 : memref<!tpu.dma_semaphore, #tpu.memory_space<semaphore_mem>>)
    %dma_wait3A_594 = arith.constant 24 : i32
    %dma_wait3A_595 = arith.constant 0 : i32
    %dma_wait3A_596 = tpu.memref_slice %arg5[%dma_wait3A_594, %dma_wait3A_595] : memref<32x32xi32, #tpu.memory_space<vmem>> -> memref<1x32xi32, #tpu.memory_space<vmem>>
    %dma_wait3A_597 = tpu.memref_squeeze %dma_wait3A_596 : memref<1x32xi32, #tpu.memory_space<vmem>> -> memref<32xi32, #tpu.memory_space<vmem>>
    %dma_wait3A_598 = arith.constant 0 : i32
    %dma_wait3A_599 = arith.constant 0 : i32
    %dma_wait3A_600 = tpu.memref_slice %arg3[%dma_wait3A_598, %dma_wait3A_599] : memref<8192x768xf32, #tpu.memory_space<hbm>> -> memref<8192x768xf32, #tpu.memory_space<hbm>>
    tpu.wait_indirect_dma semaphore(%arg10 : memref<!tpu.dma_semaphore, #tpu.memory_space<semaphore_mem>>) src(%dma_wait3A_600 : memref<8192x768xf32, #tpu.memory_space<hbm>>) dst(%arg6 : memref<32x768xf32, #tpu.memory_space<vmem>>)
    %add3A_601 = arith.constant 768 : i32
    %add3A_602 = arith.addi %mul3A_2, %add3A_601 : i32
    %dma_start3A_603 = arith.constant 0 : i32
    %dma_start3A_604 = tpu.memref_slice %arg4[%add3A_602, %dma_start3A_603] : memref<32768x768xf32, #tpu.memory_space<hbm>> -> memref<32x768xf32, #tpu.memory_space<hbm>>
    %dma_start3A_605 = arith.constant 0 : i32
    %dma_start3A_606 = tpu.memref_slice %arg4[%add3A_602, %dma_start3A_605] : memref<32768x768xf32, #tpu.memory_space<hbm>> -> memref<32x768xf32, #tpu.memory_space<hbm>>
    tpu.enqueue_dma source(%arg6 : memref<32x768xf32, #tpu.memory_space<vmem>>) target(%dma_start3A_606 : memref<32x768xf32, #tpu.memory_space<hbm>>) target_semaphore(%arg14 : memref<!tpu.dma_semaphore, #tpu.memory_space<semaphore_mem>>)
    %dma_wait3A_607 = arith.constant 0 : i32
    %dma_wait3A_608 = tpu.memref_slice %arg4[%add3A_578, %dma_wait3A_607] : memref<32768x768xf32, #tpu.memory_space<hbm>> -> memref<32x768xf32, #tpu.memory_space<hbm>>
    %dma_wait3A_609 = arith.constant 0 : i32
    %dma_wait3A_610 = tpu.memref_slice %arg4[%add3A_578, %dma_wait3A_609] : memref<32768x768xf32, #tpu.memory_space<hbm>> -> memref<32x768xf32, #tpu.memory_space<hbm>>
    tpu.wait_dma2 semaphore(%arg17 : memref<!tpu.dma_semaphore, #tpu.memory_space<semaphore_mem>>) src(%arg9 : memref<32x768xf32, #tpu.memory_space<vmem>>) dst(%dma_wait3A_610 : memref<32x768xf32, #tpu.memory_space<hbm>>)
    %dma_start3A_611 = arith.constant 27 : i32
    %dma_start3A_612 = arith.constant 0 : i32
    %dma_start3A_613 = tpu.memref_slice %arg5[%dma_start3A_611, %dma_start3A_612] : memref<32x32xi32, #tpu.memory_space<vmem>> -> memref<1x32xi32, #tpu.memory_space<vmem>>
    %dma_start3A_614 = tpu.memref_squeeze %dma_start3A_613 : memref<1x32xi32, #tpu.memory_space<vmem>> -> memref<32xi32, #tpu.memory_space<vmem>>
    %dma_start3A_615 = arith.constant 0 : i32
    %dma_start3A_616 = arith.constant 0 : i32
    %dma_start3A_617 = tpu.memref_slice %arg3[%dma_start3A_615, %dma_start3A_616] : memref<8192x768xf32, #tpu.memory_space<hbm>> -> memref<8192x768xf32, #tpu.memory_space<hbm>>
    tpu.enqueue_indirect_dma source(%dma_start3A_617 : memref<8192x768xf32, #tpu.memory_space<hbm>>) target(%arg9 : memref<32x768xf32, #tpu.memory_space<vmem>>) offsets(%dma_start3A_614 : memref<32xi32, #tpu.memory_space<vmem>>) semaphore(%arg13 : memref<!tpu.dma_semaphore, #tpu.memory_space<semaphore_mem>>)
    %dma_wait3A_618 = arith.constant 25 : i32
    %dma_wait3A_619 = arith.constant 0 : i32
    %dma_wait3A_620 = tpu.memref_slice %arg5[%dma_wait3A_618, %dma_wait3A_619] : memref<32x32xi32, #tpu.memory_space<vmem>> -> memref<1x32xi32, #tpu.memory_space<vmem>>
    %dma_wait3A_621 = tpu.memref_squeeze %dma_wait3A_620 : memref<1x32xi32, #tpu.memory_space<vmem>> -> memref<32xi32, #tpu.memory_space<vmem>>
    %dma_wait3A_622 = arith.constant 0 : i32
    %dma_wait3A_623 = arith.constant 0 : i32
    %dma_wait3A_624 = tpu.memref_slice %arg3[%dma_wait3A_622, %dma_wait3A_623] : memref<8192x768xf32, #tpu.memory_space<hbm>> -> memref<8192x768xf32, #tpu.memory_space<hbm>>
    tpu.wait_indirect_dma semaphore(%arg11 : memref<!tpu.dma_semaphore, #tpu.memory_space<semaphore_mem>>) src(%dma_wait3A_624 : memref<8192x768xf32, #tpu.memory_space<hbm>>) dst(%arg7 : memref<32x768xf32, #tpu.memory_space<vmem>>)
    %add3A_625 = arith.constant 800 : i32
    %add3A_626 = arith.addi %mul3A_2, %add3A_625 : i32
    %dma_start3A_627 = arith.constant 0 : i32
    %dma_start3A_628 = tpu.memref_slice %arg4[%add3A_626, %dma_start3A_627] : memref<32768x768xf32, #tpu.memory_space<hbm>> -> memref<32x768xf32, #tpu.memory_space<hbm>>
    %dma_start3A_629 = arith.constant 0 : i32
    %dma_start3A_630 = tpu.memref_slice %arg4[%add3A_626, %dma_start3A_629] : memref<32768x768xf32, #tpu.memory_space<hbm>> -> memref<32x768xf32, #tpu.memory_space<hbm>>
    tpu.enqueue_dma source(%arg7 : memref<32x768xf32, #tpu.memory_space<vmem>>) target(%dma_start3A_630 : memref<32x768xf32, #tpu.memory_space<hbm>>) target_semaphore(%arg15 : memref<!tpu.dma_semaphore, #tpu.memory_space<semaphore_mem>>)
    %dma_wait3A_631 = arith.constant 0 : i32
    %dma_wait3A_632 = tpu.memref_slice %arg4[%add3A_602, %dma_wait3A_631] : memref<32768x768xf32, #tpu.memory_space<hbm>> -> memref<32x768xf32, #tpu.memory_space<hbm>>
    %dma_wait3A_633 = arith.constant 0 : i32
    %dma_wait3A_634 = tpu.memref_slice %arg4[%add3A_602, %dma_wait3A_633] : memref<32768x768xf32, #tpu.memory_space<hbm>> -> memref<32x768xf32, #tpu.memory_space<hbm>>
    tpu.wait_dma2 semaphore(%arg14 : memref<!tpu.dma_semaphore, #tpu.memory_space<semaphore_mem>>) src(%arg6 : memref<32x768xf32, #tpu.memory_space<vmem>>) dst(%dma_wait3A_634 : memref<32x768xf32, #tpu.memory_space<hbm>>)
    %dma_start3A_635 = arith.constant 28 : i32
    %dma_start3A_636 = arith.constant 0 : i32
    %dma_start3A_637 = tpu.memref_slice %arg5[%dma_start3A_635, %dma_start3A_636] : memref<32x32xi32, #tpu.memory_space<vmem>> -> memref<1x32xi32, #tpu.memory_space<vmem>>
    %dma_start3A_638 = tpu.memref_squeeze %dma_start3A_637 : memref<1x32xi32, #tpu.memory_space<vmem>> -> memref<32xi32, #tpu.memory_space<vmem>>
    %dma_start3A_639 = arith.constant 0 : i32
    %dma_start3A_640 = arith.constant 0 : i32
    %dma_start3A_641 = tpu.memref_slice %arg3[%dma_start3A_639, %dma_start3A_640] : memref<8192x768xf32, #tpu.memory_space<hbm>> -> memref<8192x768xf32, #tpu.memory_space<hbm>>
    tpu.enqueue_indirect_dma source(%dma_start3A_641 : memref<8192x768xf32, #tpu.memory_space<hbm>>) target(%arg6 : memref<32x768xf32, #tpu.memory_space<vmem>>) offsets(%dma_start3A_638 : memref<32xi32, #tpu.memory_space<vmem>>) semaphore(%arg10 : memref<!tpu.dma_semaphore, #tpu.memory_space<semaphore_mem>>)
    %dma_wait3A_642 = arith.constant 26 : i32
    %dma_wait3A_643 = arith.constant 0 : i32
    %dma_wait3A_644 = tpu.memref_slice %arg5[%dma_wait3A_642, %dma_wait3A_643] : memref<32x32xi32, #tpu.memory_space<vmem>> -> memref<1x32xi32, #tpu.memory_space<vmem>>
    %dma_wait3A_645 = tpu.memref_squeeze %dma_wait3A_644 : memref<1x32xi32, #tpu.memory_space<vmem>> -> memref<32xi32, #tpu.memory_space<vmem>>
    %dma_wait3A_646 = arith.constant 0 : i32
    %dma_wait3A_647 = arith.constant 0 : i32
    %dma_wait3A_648 = tpu.memref_slice %arg3[%dma_wait3A_646, %dma_wait3A_647] : memref<8192x768xf32, #tpu.memory_space<hbm>> -> memref<8192x768xf32, #tpu.memory_space<hbm>>
    tpu.wait_indirect_dma semaphore(%arg12 : memref<!tpu.dma_semaphore, #tpu.memory_space<semaphore_mem>>) src(%dma_wait3A_648 : memref<8192x768xf32, #tpu.memory_space<hbm>>) dst(%arg8 : memref<32x768xf32, #tpu.memory_space<vmem>>)
    %add3A_649 = arith.constant 832 : i32
    %add3A_650 = arith.addi %mul3A_2, %add3A_649 : i32
    %dma_start3A_651 = arith.constant 0 : i32
    %dma_start3A_652 = tpu.memref_slice %arg4[%add3A_650, %dma_start3A_651] : memref<32768x768xf32, #tpu.memory_space<hbm>> -> memref<32x768xf32, #tpu.memory_space<hbm>>
    %dma_start3A_653 = arith.constant 0 : i32
    %dma_start3A_654 = tpu.memref_slice %arg4[%add3A_650, %dma_start3A_653] : memref<32768x768xf32, #tpu.memory_space<hbm>> -> memref<32x768xf32, #tpu.memory_space<hbm>>
    tpu.enqueue_dma source(%arg8 : memref<32x768xf32, #tpu.memory_space<vmem>>) target(%dma_start3A_654 : memref<32x768xf32, #tpu.memory_space<hbm>>) target_semaphore(%arg16 : memref<!tpu.dma_semaphore, #tpu.memory_space<semaphore_mem>>)
    %dma_wait3A_655 = arith.constant 0 : i32
    %dma_wait3A_656 = tpu.memref_slice %arg4[%add3A_626, %dma_wait3A_655] : memref<32768x768xf32, #tpu.memory_space<hbm>> -> memref<32x768xf32, #tpu.memory_space<hbm>>
    %dma_wait3A_657 = arith.constant 0 : i32
    %dma_wait3A_658 = tpu.memref_slice %arg4[%add3A_626, %dma_wait3A_657] : memref<32768x768xf32, #tpu.memory_space<hbm>> -> memref<32x768xf32, #tpu.memory_space<hbm>>
    tpu.wait_dma2 semaphore(%arg15 : memref<!tpu.dma_semaphore, #tpu.memory_space<semaphore_mem>>) src(%arg7 : memref<32x768xf32, #tpu.memory_space<vmem>>) dst(%dma_wait3A_658 : memref<32x768xf32, #tpu.memory_space<hbm>>)
    %dma_start3A_659 = arith.constant 29 : i32
    %dma_start3A_660 = arith.constant 0 : i32
    %dma_start3A_661 = tpu.memref_slice %arg5[%dma_start3A_659, %dma_start3A_660] : memref<32x32xi32, #tpu.memory_space<vmem>> -> memref<1x32xi32, #tpu.memory_space<vmem>>
    %dma_start3A_662 = tpu.memref_squeeze %dma_start3A_661 : memref<1x32xi32, #tpu.memory_space<vmem>> -> memref<32xi32, #tpu.memory_space<vmem>>
    %dma_start3A_663 = arith.constant 0 : i32
    %dma_start3A_664 = arith.constant 0 : i32
    %dma_start3A_665 = tpu.memref_slice %arg3[%dma_start3A_663, %dma_start3A_664] : memref<8192x768xf32, #tpu.memory_space<hbm>> -> memref<8192x768xf32, #tpu.memory_space<hbm>>
    tpu.enqueue_indirect_dma source(%dma_start3A_665 : memref<8192x768xf32, #tpu.memory_space<hbm>>) target(%arg7 : memref<32x768xf32, #tpu.memory_space<vmem>>) offsets(%dma_start3A_662 : memref<32xi32, #tpu.memory_space<vmem>>) semaphore(%arg11 : memref<!tpu.dma_semaphore, #tpu.memory_space<semaphore_mem>>)
    %dma_wait3A_666 = arith.constant 27 : i32
    %dma_wait3A_667 = arith.constant 0 : i32
    %dma_wait3A_668 = tpu.memref_slice %arg5[%dma_wait3A_666, %dma_wait3A_667] : memref<32x32xi32, #tpu.memory_space<vmem>> -> memref<1x32xi32, #tpu.memory_space<vmem>>
    %dma_wait3A_669 = tpu.memref_squeeze %dma_wait3A_668 : memref<1x32xi32, #tpu.memory_space<vmem>> -> memref<32xi32, #tpu.memory_space<vmem>>
    %dma_wait3A_670 = arith.constant 0 : i32
    %dma_wait3A_671 = arith.constant 0 : i32
    %dma_wait3A_672 = tpu.memref_slice %arg3[%dma_wait3A_670, %dma_wait3A_671] : memref<8192x768xf32, #tpu.memory_space<hbm>> -> memref<8192x768xf32, #tpu.memory_space<hbm>>
    tpu.wait_indirect_dma semaphore(%arg13 : memref<!tpu.dma_semaphore, #tpu.memory_space<semaphore_mem>>) src(%dma_wait3A_672 : memref<8192x768xf32, #tpu.memory_space<hbm>>) dst(%arg9 : memref<32x768xf32, #tpu.memory_space<vmem>>)
    %add3A_673 = arith.constant 864 : i32
    %add3A_674 = arith.addi %mul3A_2, %add3A_673 : i32
    %dma_start3A_675 = arith.constant 0 : i32
    %dma_start3A_676 = tpu.memref_slice %arg4[%add3A_674, %dma_start3A_675] : memref<32768x768xf32, #tpu.memory_space<hbm>> -> memref<32x768xf32, #tpu.memory_space<hbm>>
    %dma_start3A_677 = arith.constant 0 : i32
    %dma_start3A_678 = tpu.memref_slice %arg4[%add3A_674, %dma_start3A_677] : memref<32768x768xf32, #tpu.memory_space<hbm>> -> memref<32x768xf32, #tpu.memory_space<hbm>>
    tpu.enqueue_dma source(%arg9 : memref<32x768xf32, #tpu.memory_space<vmem>>) target(%dma_start3A_678 : memref<32x768xf32, #tpu.memory_space<hbm>>) target_semaphore(%arg17 : memref<!tpu.dma_semaphore, #tpu.memory_space<semaphore_mem>>)
    %dma_wait3A_679 = arith.constant 0 : i32
    %dma_wait3A_680 = tpu.memref_slice %arg4[%add3A_650, %dma_wait3A_679] : memref<32768x768xf32, #tpu.memory_space<hbm>> -> memref<32x768xf32, #tpu.memory_space<hbm>>
    %dma_wait3A_681 = arith.constant 0 : i32
    %dma_wait3A_682 = tpu.memref_slice %arg4[%add3A_650, %dma_wait3A_681] : memref<32768x768xf32, #tpu.memory_space<hbm>> -> memref<32x768xf32, #tpu.memory_space<hbm>>
    tpu.wait_dma2 semaphore(%arg16 : memref<!tpu.dma_semaphore, #tpu.memory_space<semaphore_mem>>) src(%arg8 : memref<32x768xf32, #tpu.memory_space<vmem>>) dst(%dma_wait3A_682 : memref<32x768xf32, #tpu.memory_space<hbm>>)
    %dma_start3A_683 = arith.constant 30 : i32
    %dma_start3A_684 = arith.constant 0 : i32
    %dma_start3A_685 = tpu.memref_slice %arg5[%dma_start3A_683, %dma_start3A_684] : memref<32x32xi32, #tpu.memory_space<vmem>> -> memref<1x32xi32, #tpu.memory_space<vmem>>
    %dma_start3A_686 = tpu.memref_squeeze %dma_start3A_685 : memref<1x32xi32, #tpu.memory_space<vmem>> -> memref<32xi32, #tpu.memory_space<vmem>>
    %dma_start3A_687 = arith.constant 0 : i32
    %dma_start3A_688 = arith.constant 0 : i32
    %dma_start3A_689 = tpu.memref_slice %arg3[%dma_start3A_687, %dma_start3A_688] : memref<8192x768xf32, #tpu.memory_space<hbm>> -> memref<8192x768xf32, #tpu.memory_space<hbm>>
    tpu.enqueue_indirect_dma source(%dma_start3A_689 : memref<8192x768xf32, #tpu.memory_space<hbm>>) target(%arg8 : memref<32x768xf32, #tpu.memory_space<vmem>>) offsets(%dma_start3A_686 : memref<32xi32, #tpu.memory_space<vmem>>) semaphore(%arg12 : memref<!tpu.dma_semaphore, #tpu.memory_space<semaphore_mem>>)
    %dma_wait3A_690 = arith.constant 28 : i32
    %dma_wait3A_691 = arith.constant 0 : i32
    %dma_wait3A_692 = tpu.memref_slice %arg5[%dma_wait3A_690, %dma_wait3A_691] : memref<32x32xi32, #tpu.memory_space<vmem>> -> memref<1x32xi32, #tpu.memory_space<vmem>>
    %dma_wait3A_693 = tpu.memref_squeeze %dma_wait3A_692 : memref<1x32xi32, #tpu.memory_space<vmem>> -> memref<32xi32, #tpu.memory_space<vmem>>
    %dma_wait3A_694 = arith.constant 0 : i32
    %dma_wait3A_695 = arith.constant 0 : i32
    %dma_wait3A_696 = tpu.memref_slice %arg3[%dma_wait3A_694, %dma_wait3A_695] : memref<8192x768xf32, #tpu.memory_space<hbm>> -> memref<8192x768xf32, #tpu.memory_space<hbm>>
    tpu.wait_indirect_dma semaphore(%arg10 : memref<!tpu.dma_semaphore, #tpu.memory_space<semaphore_mem>>) src(%dma_wait3A_696 : memref<8192x768xf32, #tpu.memory_space<hbm>>) dst(%arg6 : memref<32x768xf32, #tpu.memory_space<vmem>>)
    %add3A_697 = arith.constant 896 : i32
    %add3A_698 = arith.addi %mul3A_2, %add3A_697 : i32
    %dma_start3A_699 = arith.constant 0 : i32
    %dma_start3A_700 = tpu.memref_slice %arg4[%add3A_698, %dma_start3A_699] : memref<32768x768xf32, #tpu.memory_space<hbm>> -> memref<32x768xf32, #tpu.memory_space<hbm>>
    %dma_start3A_701 = arith.constant 0 : i32
    %dma_start3A_702 = tpu.memref_slice %arg4[%add3A_698, %dma_start3A_701] : memref<32768x768xf32, #tpu.memory_space<hbm>> -> memref<32x768xf32, #tpu.memory_space<hbm>>
    tpu.enqueue_dma source(%arg6 : memref<32x768xf32, #tpu.memory_space<vmem>>) target(%dma_start3A_702 : memref<32x768xf32, #tpu.memory_space<hbm>>) target_semaphore(%arg14 : memref<!tpu.dma_semaphore, #tpu.memory_space<semaphore_mem>>)
    %dma_wait3A_703 = arith.constant 0 : i32
    %dma_wait3A_704 = tpu.memref_slice %arg4[%add3A_674, %dma_wait3A_703] : memref<32768x768xf32, #tpu.memory_space<hbm>> -> memref<32x768xf32, #tpu.memory_space<hbm>>
    %dma_wait3A_705 = arith.constant 0 : i32
    %dma_wait3A_706 = tpu.memref_slice %arg4[%add3A_674, %dma_wait3A_705] : memref<32768x768xf32, #tpu.memory_space<hbm>> -> memref<32x768xf32, #tpu.memory_space<hbm>>
    tpu.wait_dma2 semaphore(%arg17 : memref<!tpu.dma_semaphore, #tpu.memory_space<semaphore_mem>>) src(%arg9 : memref<32x768xf32, #tpu.memory_space<vmem>>) dst(%dma_wait3A_706 : memref<32x768xf32, #tpu.memory_space<hbm>>)
    %dma_start3A_707 = arith.constant 31 : i32
    %dma_start3A_708 = arith.constant 0 : i32
    %dma_start3A_709 = tpu.memref_slice %arg5[%dma_start3A_707, %dma_start3A_708] : memref<32x32xi32, #tpu.memory_space<vmem>> -> memref<1x32xi32, #tpu.memory_space<vmem>>
    %dma_start3A_710 = tpu.memref_squeeze %dma_start3A_709 : memref<1x32xi32, #tpu.memory_space<vmem>> -> memref<32xi32, #tpu.memory_space<vmem>>
    %dma_start3A_711 = arith.constant 0 : i32
    %dma_start3A_712 = arith.constant 0 : i32
    %dma_start3A_713 = tpu.memref_slice %arg3[%dma_start3A_711, %dma_start3A_712] : memref<8192x768xf32, #tpu.memory_space<hbm>> -> memref<8192x768xf32, #tpu.memory_space<hbm>>
    tpu.enqueue_indirect_dma source(%dma_start3A_713 : memref<8192x768xf32, #tpu.memory_space<hbm>>) target(%arg9 : memref<32x768xf32, #tpu.memory_space<vmem>>) offsets(%dma_start3A_710 : memref<32xi32, #tpu.memory_space<vmem>>) semaphore(%arg13 : memref<!tpu.dma_semaphore, #tpu.memory_space<semaphore_mem>>)
    %dma_wait3A_714 = arith.constant 29 : i32
    %dma_wait3A_715 = arith.constant 0 : i32
    %dma_wait3A_716 = tpu.memref_slice %arg5[%dma_wait3A_714, %dma_wait3A_715] : memref<32x32xi32, #tpu.memory_space<vmem>> -> memref<1x32xi32, #tpu.memory_space<vmem>>
    %dma_wait3A_717 = tpu.memref_squeeze %dma_wait3A_716 : memref<1x32xi32, #tpu.memory_space<vmem>> -> memref<32xi32, #tpu.memory_space<vmem>>
    %dma_wait3A_718 = arith.constant 0 : i32
    %dma_wait3A_719 = arith.constant 0 : i32
    %dma_wait3A_720 = tpu.memref_slice %arg3[%dma_wait3A_718, %dma_wait3A_719] : memref<8192x768xf32, #tpu.memory_space<hbm>> -> memref<8192x768xf32, #tpu.memory_space<hbm>>
    tpu.wait_indirect_dma semaphore(%arg11 : memref<!tpu.dma_semaphore, #tpu.memory_space<semaphore_mem>>) src(%dma_wait3A_720 : memref<8192x768xf32, #tpu.memory_space<hbm>>) dst(%arg7 : memref<32x768xf32, #tpu.memory_space<vmem>>)
    %add3A_721 = arith.constant 928 : i32
    %add3A_722 = arith.addi %mul3A_2, %add3A_721 : i32
    %dma_start3A_723 = arith.constant 0 : i32
    %dma_start3A_724 = tpu.memref_slice %arg4[%add3A_722, %dma_start3A_723] : memref<32768x768xf32, #tpu.memory_space<hbm>> -> memref<32x768xf32, #tpu.memory_space<hbm>>
    %dma_start3A_725 = arith.constant 0 : i32
    %dma_start3A_726 = tpu.memref_slice %arg4[%add3A_722, %dma_start3A_725] : memref<32768x768xf32, #tpu.memory_space<hbm>> -> memref<32x768xf32, #tpu.memory_space<hbm>>
    tpu.enqueue_dma source(%arg7 : memref<32x768xf32, #tpu.memory_space<vmem>>) target(%dma_start3A_726 : memref<32x768xf32, #tpu.memory_space<hbm>>) target_semaphore(%arg15 : memref<!tpu.dma_semaphore, #tpu.memory_space<semaphore_mem>>)
    %dma_wait3A_727 = arith.constant 30 : i32
    %dma_wait3A_728 = arith.constant 0 : i32
    %dma_wait3A_729 = tpu.memref_slice %arg5[%dma_wait3A_727, %dma_wait3A_728] : memref<32x32xi32, #tpu.memory_space<vmem>> -> memref<1x32xi32, #tpu.memory_space<vmem>>
    %dma_wait3A_730 = tpu.memref_squeeze %dma_wait3A_729 : memref<1x32xi32, #tpu.memory_space<vmem>> -> memref<32xi32, #tpu.memory_space<vmem>>
    %dma_wait3A_731 = arith.constant 0 : i32
    %dma_wait3A_732 = arith.constant 0 : i32
    %dma_wait3A_733 = tpu.memref_slice %arg3[%dma_wait3A_731, %dma_wait3A_732] : memref<8192x768xf32, #tpu.memory_space<hbm>> -> memref<8192x768xf32, #tpu.memory_space<hbm>>
    tpu.wait_indirect_dma semaphore(%arg12 : memref<!tpu.dma_semaphore, #tpu.memory_space<semaphore_mem>>) src(%dma_wait3A_733 : memref<8192x768xf32, #tpu.memory_space<hbm>>) dst(%arg8 : memref<32x768xf32, #tpu.memory_space<vmem>>)
    %add3A_734 = arith.constant 960 : i32
    %add3A_735 = arith.addi %mul3A_2, %add3A_734 : i32
    %dma_start3A_736 = arith.constant 0 : i32
    %dma_start3A_737 = tpu.memref_slice %arg4[%add3A_735, %dma_start3A_736] : memref<32768x768xf32, #tpu.memory_space<hbm>> -> memref<32x768xf32, #tpu.memory_space<hbm>>
    %dma_start3A_738 = arith.constant 0 : i32
    %dma_start3A_739 = tpu.memref_slice %arg4[%add3A_735, %dma_start3A_738] : memref<32768x768xf32, #tpu.memory_space<hbm>> -> memref<32x768xf32, #tpu.memory_space<hbm>>
    tpu.enqueue_dma source(%arg8 : memref<32x768xf32, #tpu.memory_space<vmem>>) target(%dma_start3A_739 : memref<32x768xf32, #tpu.memory_space<hbm>>) target_semaphore(%arg16 : memref<!tpu.dma_semaphore, #tpu.memory_space<semaphore_mem>>)
    %dma_wait3A_740 = arith.constant 31 : i32
    %dma_wait3A_741 = arith.constant 0 : i32
    %dma_wait3A_742 = tpu.memref_slice %arg5[%dma_wait3A_740, %dma_wait3A_741] : memref<32x32xi32, #tpu.memory_space<vmem>> -> memref<1x32xi32, #tpu.memory_space<vmem>>
    %dma_wait3A_743 = tpu.memref_squeeze %dma_wait3A_742 : memref<1x32xi32, #tpu.memory_space<vmem>> -> memref<32xi32, #tpu.memory_space<vmem>>
    %dma_wait3A_744 = arith.constant 0 : i32
    %dma_wait3A_745 = arith.constant 0 : i32
    %dma_wait3A_746 = tpu.memref_slice %arg3[%dma_wait3A_744, %dma_wait3A_745] : memref<8192x768xf32, #tpu.memory_space<hbm>> -> memref<8192x768xf32, #tpu.memory_space<hbm>>
    tpu.wait_indirect_dma semaphore(%arg13 : memref<!tpu.dma_semaphore, #tpu.memory_space<semaphore_mem>>) src(%dma_wait3A_746 : memref<8192x768xf32, #tpu.memory_space<hbm>>) dst(%arg9 : memref<32x768xf32, #tpu.memory_space<vmem>>)
    %add3A_747 = arith.constant 992 : i32
    %add3A_748 = arith.addi %mul3A_2, %add3A_747 : i32
    %dma_start3A_749 = arith.constant 0 : i32
    %dma_start3A_750 = tpu.memref_slice %arg4[%add3A_748, %dma_start3A_749] : memref<32768x768xf32, #tpu.memory_space<hbm>> -> memref<32x768xf32, #tpu.memory_space<hbm>>
    %dma_start3A_751 = arith.constant 0 : i32
    %dma_start3A_752 = tpu.memref_slice %arg4[%add3A_748, %dma_start3A_751] : memref<32768x768xf32, #tpu.memory_space<hbm>> -> memref<32x768xf32, #tpu.memory_space<hbm>>
    tpu.enqueue_dma source(%arg9 : memref<32x768xf32, #tpu.memory_space<vmem>>) target(%dma_start3A_752 : memref<32x768xf32, #tpu.memory_space<hbm>>) target_semaphore(%arg17 : memref<!tpu.dma_semaphore, #tpu.memory_space<semaphore_mem>>)
    %dma_wait3A_753 = arith.constant 0 : i32
    %dma_wait3A_754 = tpu.memref_slice %arg4[%add3A_698, %dma_wait3A_753] : memref<32768x768xf32, #tpu.memory_space<hbm>> -> memref<32x768xf32, #tpu.memory_space<hbm>>
    %dma_wait3A_755 = arith.constant 0 : i32
    %dma_wait3A_756 = tpu.memref_slice %arg4[%add3A_698, %dma_wait3A_755] : memref<32768x768xf32, #tpu.memory_space<hbm>> -> memref<32x768xf32, #tpu.memory_space<hbm>>
    tpu.wait_dma2 semaphore(%arg14 : memref<!tpu.dma_semaphore, #tpu.memory_space<semaphore_mem>>) src(%arg6 : memref<32x768xf32, #tpu.memory_space<vmem>>) dst(%dma_wait3A_756 : memref<32x768xf32, #tpu.memory_space<hbm>>)
    %dma_wait3A_757 = arith.constant 0 : i32
    %dma_wait3A_758 = tpu.memref_slice %arg4[%add3A_722, %dma_wait3A_757] : memref<32768x768xf32, #tpu.memory_space<hbm>> -> memref<32x768xf32, #tpu.memory_space<hbm>>
    %dma_wait3A_759 = arith.constant 0 : i32
    %dma_wait3A_760 = tpu.memref_slice %arg4[%add3A_722, %dma_wait3A_759] : memref<32768x768xf32, #tpu.memory_space<hbm>> -> memref<32x768xf32, #tpu.memory_space<hbm>>
    tpu.wait_dma2 semaphore(%arg15 : memref<!tpu.dma_semaphore, #tpu.memory_space<semaphore_mem>>) src(%arg7 : memref<32x768xf32, #tpu.memory_space<vmem>>) dst(%dma_wait3A_760 : memref<32x768xf32, #tpu.memory_space<hbm>>)
    %dma_wait3A_761 = arith.constant 0 : i32
    %dma_wait3A_762 = tpu.memref_slice %arg4[%add3A_735, %dma_wait3A_761] : memref<32768x768xf32, #tpu.memory_space<hbm>> -> memref<32x768xf32, #tpu.memory_space<hbm>>
    %dma_wait3A_763 = arith.constant 0 : i32
    %dma_wait3A_764 = tpu.memref_slice %arg4[%add3A_735, %dma_wait3A_763] : memref<32768x768xf32, #tpu.memory_space<hbm>> -> memref<32x768xf32, #tpu.memory_space<hbm>>
    tpu.wait_dma2 semaphore(%arg16 : memref<!tpu.dma_semaphore, #tpu.memory_space<semaphore_mem>>) src(%arg8 : memref<32x768xf32, #tpu.memory_space<vmem>>) dst(%dma_wait3A_764 : memref<32x768xf32, #tpu.memory_space<hbm>>)
    %dma_wait3A_765 = arith.constant 0 : i32
    %dma_wait3A_766 = tpu.memref_slice %arg4[%add3A_748, %dma_wait3A_765] : memref<32768x768xf32, #tpu.memory_space<hbm>> -> memref<32x768xf32, #tpu.memory_space<hbm>>
    %dma_wait3A_767 = arith.constant 0 : i32
    %dma_wait3A_768 = tpu.memref_slice %arg4[%add3A_748, %dma_wait3A_767] : memref<32768x768xf32, #tpu.memory_space<hbm>> -> memref<32x768xf32, #tpu.memory_space<hbm>>
    tpu.wait_dma2 semaphore(%arg17 : memref<!tpu.dma_semaphore, #tpu.memory_space<semaphore_mem>>) src(%arg9 : memref<32x768xf32, #tpu.memory_space<vmem>>) dst(%dma_wait3A_768 : memref<32x768xf32, #tpu.memory_space<hbm>>)
    return
  }
}

</mosaic_0001>

<sc_bundles>
// kernel: kernel.3.cloned.1.call-start
scs
__scs_entry_jumppad:
0x0: {  	(pc) =	sbr.rel $0x88, $3  }
0x1: {  	(tag) =	ssettag $0x0;
	lr =	simm.s32 $0x1  }
0x2: {  	[smem:$0x3F9F] =	sst lr;
	_ =	strace $0xD0000000  }
0x3: {  	_ = 	snop  }
0x4: {  	_ = 	snop  }
0x5: {  	_ = 	snop  }
0x6: {  	_ = 	snop  }
0x7: {  	_ = 	snop  }
__scs_overlays_trampoline_lowered:
0x8: {  	[smem:$0x3FAE] =	sst s0  }
0x9: {  	[smem:$0x3FAF] =	sst s1  }
0xa: {  	[smem:$0x3FB0] =	sst s2  }
0xb: {  	[smem:$0x3FB1] =	sst s3  }
0xc: {  	[smem:$0x3FB2] =	sst s4  }
0xd: {  	[smem:$0x3FB3] =	sst s5  }
0xe: {  	[smem:$0x3FB4] =	sst s6  }
0xf: {  	[smem:$0x3FB5] =	sst s7  }
0x10: {  	[smem:$0x3FB6] =	sst s8  }
0x11: {  	[smem:$0x3FB7] =	sst s9;
	s0 =	simm.s32 @!p0 $0x0  }
0x12: {  	s1 =	sld [smem:$0x3F9D];
	s0 =	simm.s32 @p0 $0x1  }
0x13: {  	[smem:$0x3FB8] =	sst s0;
	s0 =	simm.s32 @!p1 $0x0  }
0x14: {  	s2 =	sld [smem:$0x3F9C];
	s0 =	simm.s32 @p1 $0x1  }
0x15: {  	[smem:$0x3FB9] =	sst s0;
	s0 =	simm.s32 @!p2 $0x0  }
0x16: {  	s3 =	sld [smem:$0x3FDB];
	s0 =	simm.s32 @p2 $0x1  }
0x17: {  	s4 =	simm.s32 $0x1BF5;
	[smem:$0x3FBB] =	sst s0  }
0x18: {  	s0 =	sld [smem:$0x3F9E];
	_ =	swait.ge [sflag:s4], $0x0  }
0x19: {  	s7 =	sld [smem:$0x3F9F]  }
0x1a: {  	s8 =	sadd.s32 $0xFFFFE003, lr  }
0x1b: {  	s9 =	sadd.s32 $0xFFFFFEF7, lr;
	s5 =	simm.s32 $0xFFFFFFFF;
	p2 =	slt.u32 s8, $0xFFFFF086  }
0x1c: {  	p1 =	slt.u32 s9, $0xF7A;
	s5 =	simm.s32 @!p2 $0x0  }
0x1d: {  	s5 =	simm.s32 @p1 $0x1;
	p0 =	seq.s32 s7, s2  }
0x1e: {  	s7 =	smul.u32 @!p0 $0xF7A, s2;
	p2 =	seq.s32 @!p0 s5, $0x0  }
0x1f: {  	s9 =	smul.u32 $0xF7A, s1;
	s8 =	simm.s32 @!p0 $0x1BF5;
	p2 =	por !p2, p0  }
0x20: {  	[sflag:s8] =	ssyncset.s32 @!p0 $0xFFFFF086;
	s6 =	sadd.s32 @!p0 s3, s7;
	s7 =	simm.s32 @!p0 $0x108  }
0x21: {  	s3 =	sadd.s32 s3, s9;
	s6 =	sadd.s32 @!p0 $0x88, s6;
	s7 =	simm.s32 @p2 $0x1082  }
0x22: {  	[simem:s7], [sflag:s8] =	dma.local @!p0 [hbm:s6], $0xF7A  }
0x23: {  	s9 =	sor.u32 $0xD0000000, s2;
	s6 =	simm.s32 $0x108;
	_ =	swait.ge @!p0 [sflag:s8], $0x0  }
0x24: {  	s3 =	sadd.s32 $0x88, s3;
	s6 =	simm.s32 @!p1 $0x1082;
	[sflag:s4] =	ssyncset.s32 $0xFFFFF086  }
0x25: {  	[simem:s6], [sflag:s4] =	dma.local [hbm:s3], $0xF7A  }
0x26: {  	[smem:$0x3F9F] =	sst s1;
	(tag) =	ssettag s2;
	_ =	strace s9  }
0x27: {  	s1 =	sld [smem:$0x3FAF]  }
0x28: {  	s2 =	sld [smem:$0x3FB0]  }
0x29: {  	s4 =	sld [smem:$0x3FB2]  }
0x2a: {  	p0 =	seq.s32 s5, $0x0;
	s5 =	sld [smem:$0x3FB3]  }
0x2b: {  	s6 =	sld [smem:$0x3FB4]  }
0x2c: {  	s7 =	sld [smem:$0x3FB5]  }
0x2d: {  	s3 =	simm.s32 $0x108;
	s8 =	sld [smem:$0x3FB6]  }
0x2e: {  	s3 =	simm.s32 @!p0 $0x1082;
	s9 =	sld [smem:$0x3FB7]  }
0x2f: {  	lr =	sadd.s32 s0, s3;
	s0 =	sld [smem:$0x3FAE]  }
0x30: {  	s3 =	sld [smem:$0x3FB1]  }
0x31: {  	[smem:$0x3FBA] =	sst s10  }
0x32: {  	s10 =	sld [smem:$0x3FB8];
	_ =	sdelay $0x3  }
0x33: {  	p0 =	seq.s32 s10, $0x1;
	s10 =	sld [smem:$0x3FBA];
	_ =	sdelay $0x3  }
0x34: {  	[smem:$0x3FBA] =	sst s10  }
0x35: {  	s10 =	sld [smem:$0x3FB9];
	_ =	sdelay $0x3  }
0x36: {  	p1 =	seq.s32 s10, $0x1;
	s10 =	sld [smem:$0x3FBA];
	_ =	sdelay $0x3  }
0x37: {  	[smem:$0x3FBA] =	sst s10  }
0x38: {  	s10 =	sld [smem:$0x3FBB]  }
0x39: {  	_ = 	snop;
	(pc) =	sbr.ind lr, $3  }
0x3a: {  	_ = 	snop  }
0x3b: {  	_ = 	snop  }
0x3c: {  	p2 =	seq.s32 s10, $0x1;
	s10 =	sld [smem:$0x3FBA]  }
0x3d: {  	_ =	shalt  }
0x3e: {  	_ =	shalt  }
0x3f: {  	_ =	shalt  }
0x40: {  	_ =	shalt  }
0x41: {  	_ =	shalt  }
0x42: {  	_ =	shalt  }
0x43: {  	_ =	shalt  }
0x44: {  	_ =	shalt  }
0x45: {  	_ =	shalt  }
0x46: {  	_ =	shalt  }
0x47: {  	_ =	shalt  }
0x48: {  	_ =	shalt  }
0x49: {  	_ =	shalt  }
0x4a: {  	_ =	shalt  }
0x4b: {  	_ =	shalt  }
0x4c: {  	_ =	shalt  }
0x4d: {  	_ =	shalt  }
0x4e: {  	_ =	shalt  }
0x4f: {  	_ =	shalt  }
0x50: {  	_ =	shalt  }
0x51: {  	_ =	shalt  }
0x52: {  	_ =	shalt  }
0x53: {  	_ =	shalt  }
0x54: {  	_ =	shalt  }
0x55: {  	_ =	shalt  }
0x56: {  	_ =	shalt  }
0x57: {  	_ =	shalt  }
0x58: {  	_ =	shalt  }
0x59: {  	_ =	shalt  }
0x5a: {  	_ =	shalt  }
0x5b: {  	_ =	shalt  }
0x5c: {  	_ =	shalt  }
0x5d: {  	_ =	shalt  }
0x5e: {  	_ =	shalt  }
0x5f: {  	_ =	shalt  }
0x60: {  	_ =	shalt  }
0x61: {  	_ =	shalt  }
0x62: {  	_ =	shalt  }
0x63: {  	_ =	shalt  }
0x64: {  	_ =	shalt  }
0x65: {  	_ =	shalt  }
0x66: {  	_ =	shalt  }
0x67: {  	_ =	shalt  }
0x68: {  	_ =	shalt  }
0x69: {  	_ =	shalt  }
0x6a: {  	_ =	shalt  }
0x6b: {  	_ =	shalt  }
0x6c: {  	_ =	shalt  }
0x6d: {  	_ =	shalt  }
0x6e: {  	_ =	shalt  }
0x6f: {  	_ =	shalt  }
0x70: {  	_ =	shalt  }
0x71: {  	_ =	shalt  }
0x72: {  	_ =	shalt  }
0x73: {  	_ =	shalt  }
0x74: {  	_ =	shalt  }
0x75: {  	_ =	shalt  }
0x76: {  	_ =	shalt  }
0x77: {  	_ =	shalt  }
0x78: {  	_ =	shalt  }
0x79: {  	_ =	shalt  }
0x7a: {  	_ =	shalt  }
0x7b: {  	_ =	shalt  }
0x7c: {  	_ =	shalt  }
0x7d: {  	_ =	shalt  }
0x7e: {  	_ =	shalt  }
0x7f: {  	_ =	shalt  }
0x80: {  	_ =	shalt  }
0x81: {  	_ =	shalt  }
0x82: {  	_ =	shalt  }
0x83: {  	_ =	shalt  }
0x84: {  	_ =	shalt  }
0x85: {  	_ =	shalt  }
0x86: {  	_ =	shalt  }
0x87: {  	_ =	shalt  }
.Lfunc_end0:
.L_simem_size_0:
called_computation_lowered:
.L_overlay_start_0:
0x88: {  	s2 =	sld [smem:$0x3FD9]  }
0x89: {  	s3 =	sld [smem:$0x3FFE];
	_ =	sdelay $0x1  }
0x8a: {  	s1 =	srdreg.scid  }
0x8b: {  	s0 =	sand.u32 $0x1, s1  }
0x8c: {  	s17 =	sshll.u32 s0, $0xA;
	s2 =	sadd.s32 s3, s2  }
0x8d: {  	s2 =	sadd.s32 s2, s17  }
0x8e: {  	[smem:$0x3FC6] =	sst s2  }
0x8f: {  	_ = 	snop  }
0x90: {  	s2 =	sld [smem:$0x3FC8]  }
0x91: {  	s18 =	sld [smem:$0x3FD0];
	(tm) =	ssettm $0x1  }
0x92: {  	s4 =	sld [smem:$0x3FFB];
	_ =	sdelay $0x3  }
0x93: {  	_ =	strace s4  }
0x94: {  	s4 =	sld [smem:$0x3FFC];
	_ =	sdelay $0x3  }
0x95: {  	_ =	strace s4  }
0x96: {  	s4 =	sld [smem:$0x3FFD];
	_ =	sdelay $0x3  }
0x97: {  	_ =	strace s4  }
0x98: {  	_ =	strace $0x8FFFFFFF  }
0x99: {  	s19 =	sld [smem:$0x3FDB];
	_ =	sdelay $0x1  }
0x9a: {  	s5 =	simm.s32 $_scs_section_size  }
0x9b: {  	s6 =	simm.s32 $_size__tile_overlayer_lowered;
	s7 =	simm.s32 $_tile_overlayer_lowered  }
0x9c: {  	s22 =	simm.s32 $0x1BFF;
	s21 =	sshll.u32 s7, $0x1;
	s4 =	sadd.s32 s5, s19  }
0x9d: {  	s8 =	simm.s32 $0x0;
	s20 =	sshll.u32 s6, $0x1;
	s6 =	sadd.s32 s21, s4  }
0x9e: {  	[timem:s8], [sflag:s22] =	dma.local [hbm:s6], s20  }
0x9f: {  	_ =	swait.ge [sflag:s22], s20  }
0xa0: {  	s5 =	ssub.s32 $0x0, s20;
	[sflag:s22] =	ssyncset.done $0x0  }
0xa1: {  	[sflag:s22] =	ssyncadd.s32 s5;
	_ =	sdelay $0x1  }
0xa2: {  	s23 =	simm.s32 $0x1B8B  }
0xa3: {  	_ =	swait.ge [sflag:s23], $0x1  }
0xa4: {  	[sflag:s23] =	ssyncset.done $0x0  }
0xa5: {  	s25 =	simm.s32 $0x1B8E;
	s24 =	sld [smem:$0x3FFE];
	[sflag:s23] =	ssyncadd.s32 $0xFFFFFFFF  }
0xa6: {  	s26 =	simm.s32 $execute0_lowered;
	[smem:$0x3FD2] =	sst s25  }
0xa7: {  	s6 =	sshll.u32 s26, $0x1;
	_ =	strace $0x80000046;
	[dreg:$0x1] =	wrdreg $0xFFFFFFFF  }
0xa8: {  	s28 =	simm.s32 $_size_execute0_lowered;
	s4 =	sadd.s32 s4, s6;
	[dreg:$0x0] =	wrdreg $0x0  }
0xa9: {  	s6 =	sshll.u32 s28, $0x1;
	[dreg:$0x2] =	wrdreg s4  }
0xaa: {  	[dreg:$0x3] =	wrdreg s6  }
0xab: {  	[dreg:$0x4] =	wrdreg $0xC0  }
0xac: {  	_ =	task [dreg:s8], $0x5FFFF  }
0xad: {  	[dreg:$0x1] =	wrdreg $0xFFFFFFFF  }
0xae: {  	[dreg:$0x0] =	wrdreg $0x60  }
0xaf: {  	[dreg:$0x2] =	wrdreg s24  }
0xb0: {  	[dreg:$0x3] =	wrdreg s2  }
0xb1: {  	[dreg:$0x4] =	wrdreg s18  }
0xb2: {  	[dreg:$0x5] =	wrdreg $0x9  }
0xb3: {  	_ =	task.clear_ibuf [dreg:s8], $0x6FFFF;
	_ =	strace $0x90000046  }
0xb4: {  	s29 =	simm.s32 $0x9;
	_ =	strace $0x80000048  }
0xb5: {  	_ =	swait.ge [sflag:s29], $0x1  }
0xb6: {  	[sflag:s29] =	ssyncadd.s32 $0xFFFFFFFF  }
0xb7: {  	_ =	strace $0x90000048  }
0xb8: {  	_ =	sfence  }
0xb9: {  	s30 =	sld [smem:$0x0];
	_ =	sdelay $0x2  }
0xba: {  	s31 =	sshll.u32 s1, $0xD;
	s1 =	sshrl.u32 s1, $0x2  }
0xbb: {  	s3 =	sand.u32 $0x4000, s31;
	s1 =	sadd.s32 s1, s30  }
0xbc: {  	s0 =	sor.u32 s3, s0;
	s1 =	sshll.u32 s1, $0x11  }
0xbd: {  	s0 =	sor.u32 s1, s0  }
0xbe: {  	s0 =	sadd.s32 $0x8F2B, s0  }
0xbf: {  	[sflag:s0] =	ssyncadd.remote.s32 $0x1  }
0xc0: {  	_ =	sfence.sel $0xFFFF  }
0xc1: {  	[dreg:$0x0] =	wrdreg $0xFFFFFFFF;
	(pc) =	sbr.abs _section_cstart, $3  }
0xc2: {  	[dreg:$0x1] =	wrdreg $0xFFFFFFFF  }
0xc3: {  	_ =	task.clear_ibuf [dreg:s8], $0x2FFFF;
	_ =	strace $0x9FFFFFFF  }
0xc4: {  	(tm) =	ssettm $0x7FFFFFFF  }
0xc5: {  	_ =	shalt  }
tec
execute0_lowered:
.L_overlay_start_1:
0x0: {  	(tag) =	ssettag $0x1  }
0x1: {  	s0 =	srdreg.scid;
	s3 =	stileid.u32  }
0x2: {  	s1 =	rddreg [dreg:$0x0];
	s0 =	sand.u32 $0x1, s0;
	s3 =	sshll.u32 s3, $0x1  }
0x3: {  	s2 =	rddreg [dreg:$0x1];
	s5 =	sor.u32 s0, s3  }
0x4: {  	s4 =	rddreg [dreg:$0x2];
	s6 =	sshll.u32 s5, $0x9  }
0x5: {  	s3 =	simm.s32 $0x0;
	s7 =	smul.u32 $0x18000, s5;
	s1 =	sadd.s32 s6, s1  }
0x6: {  	[smem:$0x7FF] =	sst s3;
	s1 =	sadd.s32 $0x400, s1  }
0x7: {  	_ =	strace $0x80000047;
	s22 =	sadd.s32 s4, s7;
	[dreg:$0x4] =	wrdreg s1  }
0x8: {  	s23 =	sadd.s32 $0xC00, s22;
	[smem:$0x7F9] =	sst s22  }
0x9: {  	s24 =	sadd.s32 $0x1800, s22;
	[dreg:$0x5] =	wrdreg s23  }
0xa: {  	s25 =	sadd.s32 $0x2400, s22;
	[dreg:$0x6] =	wrdreg s24  }
0xb: {  	s26 =	sadd.s32 $0x3000, s22;
	[dreg:$0x7] =	wrdreg s25  }
0xc: {  	s28 =	sadd.s32 $0x3C00, s22;
	[dreg:$0x8] =	wrdreg s26  }
0xd: {  	s29 =	sadd.s32 $0x4800, s22;
	[dreg:$0x9] =	wrdreg s28  }
0xe: {  	s5 =	smul.u32 $0xC0000, s5;
	s30 =	sadd.s32 $0x5400, s22;
	[dreg:$0xa] =	wrdreg s29  }
0xf: {  	s31 =	sadd.s32 $0x6000, s22;
	[dreg:$0xb] =	wrdreg s30  }
0x10: {  	s5 =	sshrl.u32 s5, $0x3;
	s7 =	sadd.s32 $0x6C00, s22;
	[dreg:$0xc] =	wrdreg s31  }
0x11: {  	s8 =	sadd.s32 $0x7800, s22;
	s4 =	sadd.s32 s4, s5;
	[dreg:$0xd] =	wrdreg s7  }
0x12: {  	[dreg:$0xe] =	wrdreg s8;
	s9 =	sadd.s32 $0x8400, s4  }
0x13: {  	s10 =	sadd.s32 $0x9000, s4;
	[dreg:$0xf] =	wrdreg s9  }
0x14: {  	s11 =	sadd.s32 $0x9C00, s4;
	[dreg:$0x10] =	wrdreg s10  }
0x15: {  	s12 =	sadd.s32 $0xA800, s4;
	[dreg:$0x11] =	wrdreg s11  }
0x16: {  	s13 =	sadd.s32 $0xB400, s4;
	[dreg:$0x12] =	wrdreg s12  }
0x17: {  	s14 =	sadd.s32 $0xC000, s4;
	[dreg:$0x13] =	wrdreg s13  }
0x18: {  	s15 =	sadd.s32 $0xCC00, s4;
	[dreg:$0x14] =	wrdreg s14  }
0x19: {  	s16 =	sadd.s32 $0xD800, s4;
	[dreg:$0x15] =	wrdreg s15  }
0x1a: {  	s17 =	sadd.s32 $0xE400, s4;
	[dreg:$0x16] =	wrdreg s16  }
0x1b: {  	s18 =	sadd.s32 $0xF000, s4;
	[dreg:$0x17] =	wrdreg s17  }
0x1c: {  	s19 =	sadd.s32 $0xFC00, s4;
	[dreg:$0x18] =	wrdreg s18  }
0x1d: {  	s20 =	sadd.s32 $0x10800, s4;
	[dreg:$0x19] =	wrdreg s19  }
0x1e: {  	s21 =	sadd.s32 $0x11400, s4;
	[dreg:$0x1a] =	wrdreg s20  }
0x1f: {  	s22 =	sadd.s32 $0x12000, s4;
	[dreg:$0x1b] =	wrdreg s21  }
0x20: {  	s23 =	sadd.s32 $0x12C00, s4;
	[dreg:$0x1c] =	wrdreg s22  }
0x21: {  	s0 =	ssub.s32 $0x2, s0;
	s24 =	sadd.s32 $0x13800, s4;
	[dreg:$0x1d] =	wrdreg s23  }
0x22: {  	s6 =	sadd.s32 $0x200, s2;
	s25 =	sadd.s32 $0x14400, s4;
	[dreg:$0x1e] =	wrdreg s24  }
0x23: {  	s5 =	sadd.s32 $0x100, s2;
	s26 =	sadd.s32 $0x15000, s4;
	[dreg:$0x1f] =	wrdreg s25  }
0x24: {  	s28 =	sshrl.u32 s0, $0x1;
	s29 =	sadd.s32 $0x15C00, s4;
	[smem:$0x7FA] =	sst s26  }
0x25: {  	s30 =	sadd.s32 $0x16800, s4;
	s31 =	sadd.s32 $0x17400, s4;
	[smem:$0x7FB] =	sst s29  }
0x26: {  	s8 =	simm.s32 $0x1;
	s0 =	ssub.s32 s0, s28;
	[smem:$0x7FC] =	sst s30  }
0x27: {  	v2 =	vlaneseq.u32;
	[smem:$0x7FD] =	sst s31;
	s10 =	simm.s32 $0x2;
	s11 =	simm.s32 $0x5  }
0x28: {  	vm0 =	vmmov $0xffff;
	v1 =	vshrl.u32 v2, $0x3;
	s12 =	simm.s32 $0x3;
	s13 =	simm.s32 $0x6;
	s14 =	simm.s32 $0x4  }
0x29: {  	v0 =	vand.u32 $0x7, v2;
	v2 =	vor.u32 $0x8, v2;
	v1 =	vmul.u32 $0x8, v1;
	s15 =	simm.s32 $0x7;
	s16 =	simm.s32 $0x8;
	s0 =	smax.u32 s0, $0x1  }
.LBB2_1:
0x2a: {  	[smem:$0x7F8] =	sst s0  }
0x2b: {  	s17 =	rddreg [dreg:$0x4];
	s7 =	simm.s32 $0x9  }
0x2c: {  	[tilespmem:s3], [sflag:$0x9] =	stream.linear.gather [hbm4b:s17+s3], $0x1000, $0x38;
	[tilespmem:$0x19000] =	vst v63  }
0x2d: {  	_ =	swait.ge [sflag:s7], $0x1000  }
0x2e: {  	[sflag:s7] =	ssyncset.done $0x0  }
0x2f: {  	[sflag:s7] =	ssyncadd.s32 $0xFFFFF000  }
0x30: {  	v3 =	vld [tilespmem:$0x0];
	_ =	sdelay $0x4  }
0x31: {  	v4 =	vshrl.u32 v3, $0x3  }
0x32: {  	v4 =	vmul.u32 $0x30, v4  }
0x33: {  	v3 =	vand.u32 $0x7, v3  }
0x34: {  	v3 =	vor.u32 v3, v4  }
0x35: {  	v4 =	vperm.xlane v3, v0;
	_ =	sdelay $0x1  }
0x36: {  	v4 =	vadd.s32 v1, v4;
	_ =	sdelay $0x3  }
0x37: {  	s9 =	simm.s32 $0x1000;
	v3 =	vperm.xlane v3, v2  }
0x38: {  	[tilespmem:s9], [sflag:$0x1] =	stream.indirect_vreg.gather [hbm4b:s2+s3], $0x80, v4, vm0, $0xb8;
	[tilespmem:$0x19000] =	vst v63  }
0x39: {  	s17 =	simm.s32 $0x1800;
	v3 =	vadd.s32 v1, v3  }
0x3a: {  	[tilespmem:s17], [sflag:$0x1] =	stream.indirect_vreg.gather [hbm4b:s5+s3], $0x80, v4, vm0, $0xb8;
	[tilespmem:$0x19000] =	vst v63  }
0x3b: {  	s18 =	simm.s32 $0x2000  }
0x3c: {  	[tilespmem:s18], [sflag:$0x1] =	stream.indirect_vreg.gather [hbm4b:s6+s3], $0x80, v4, vm0, $0xb8;
	[tilespmem:$0x19000] =	vst v63  }
0x3d: {  	s19 =	simm.s32 $0x2800  }
0x3e: {  	[tilespmem:s19], [sflag:$0x1] =	stream.indirect_vreg.gather [hbm4b:s2+s3], $0x80, v3, vm0, $0xb8;
	[tilespmem:$0x19000] =	vst v63  }
0x3f: {  	s20 =	simm.s32 $0x3000  }
0x40: {  	[tilespmem:s20], [sflag:$0x1] =	stream.indirect_vreg.gather [hbm4b:s5+s3], $0x80, v3, vm0, $0xb8;
	[tilespmem:$0x19000] =	vst v63  }
0x41: {  	s21 =	simm.s32 $0x3800  }
0x42: {  	[tilespmem:s21], [sflag:$0x1] =	stream.indirect_vreg.gather [hbm4b:s6+s3], $0x80, v3, vm0, $0xb8;
	[tilespmem:$0x19000] =	vst v63  }
0x43: {  	v3 =	vld [tilespmem:$0x10];
	_ =	sdelay $0x4  }
0x44: {  	v57 =	vshrl.u32 v3, $0x3  }
0x45: {  	v4 =	vmul.u32 $0x30, v57  }
0x46: {  	v3 =	vand.u32 $0x7, v3  }
0x47: {  	v3 =	vor.u32 v3, v4  }
0x48: {  	v4 =	vperm.xlane v3, v0;
	_ =	sdelay $0x1  }
0x49: {  	v4 =	vadd.s32 v1, v4;
	_ =	sdelay $0x3  }
0x4a: {  	s22 =	simm.s32 $0x4000;
	v3 =	vperm.xlane v3, v2  }
0x4b: {  	[tilespmem:s22], [sflag:$0x1] =	stream.indirect_vreg.gather [hbm4b:s2+s3], $0x80, v4, vm0, $0xb8;
	[tilespmem:$0x19000] =	vst v63  }
0x4c: {  	s23 =	simm.s32 $0x4800;
	v3 =	vadd.s32 v1, v3  }
0x4d: {  	[tilespmem:s23], [sflag:$0x1] =	stream.indirect_vreg.gather [hbm4b:s5+s3], $0x80, v4, vm0, $0xb8;
	[tilespmem:$0x19000] =	vst v63  }
0x4e: {  	s26 =	simm.s32 $0x5000  }
0x4f: {  	[tilespmem:s26], [sflag:$0x1] =	stream.indirect_vreg.gather [hbm4b:s6+s3], $0x80, v4, vm0, $0xb8;
	[tilespmem:$0x19000] =	vst v63  }
0x50: {  	s28 =	simm.s32 $0x5800  }
0x51: {  	[tilespmem:s28], [sflag:$0x1] =	stream.indirect_vreg.gather [hbm4b:s2+s3], $0x80, v3, vm0, $0xb8;
	[tilespmem:$0x19000] =	vst v63  }
0x52: {  	s29 =	simm.s32 $0x6000  }
0x53: {  	[tilespmem:s29], [sflag:$0x1] =	stream.indirect_vreg.gather [hbm4b:s5+s3], $0x80, v3, vm0, $0xb8;
	[tilespmem:$0x19000] =	vst v63  }
0x54: {  	s30 =	simm.s32 $0x6800  }
0x55: {  	[tilespmem:s30], [sflag:$0x1] =	stream.indirect_vreg.gather [hbm4b:s6+s3], $0x80, v3, vm0, $0xb8;
	[tilespmem:$0x19000] =	vst v63  }
0x56: {  	v3 =	vld [tilespmem:$0x80];
	_ =	sdelay $0x4  }
0x57: {  	v58 =	vshrl.u32 v3, $0x3  }
0x58: {  	v4 =	vmul.u32 $0x30, v58  }
0x59: {  	v3 =	vand.u32 $0x7, v3  }
0x5a: {  	v3 =	vor.u32 v3, v4  }
0x5b: {  	v4 =	vperm.xlane v3, v0;
	_ =	sdelay $0x1  }
0x5c: {  	v4 =	vadd.s32 v1, v4;
	_ =	sdelay $0x3  }
0x5d: {  	s31 =	simm.s32 $0x7000;
	v3 =	vperm.xlane v3, v2  }
0x5e: {  	[tilespmem:s31], [sflag:$0x2] =	stream.indirect_vreg.gather [hbm4b:s2+s3], $0x80, v4, vm0, $0xb8;
	[tilespmem:$0x19000] =	vst v63  }
0x5f: {  	s4 =	simm.s32 $0x7800;
	v3 =	vadd.s32 v1, v3  }
0x60: {  	[tilespmem:s4], [sflag:$0x2] =	stream.indirect_vreg.gather [hbm4b:s5+s3], $0x80, v4, vm0, $0xb8;
	[tilespmem:$0x19000] =	vst v63  }
0x61: {  	s9 =	simm.s32 $0x8000  }
0x62: {  	[tilespmem:s9], [sflag:$0x2] =	stream.indirect_vreg.gather [hbm4b:s6+s3], $0x80, v4, vm0, $0xb8;
	[tilespmem:$0x19000] =	vst v63  }
0x63: {  	s17 =	simm.s32 $0x8800  }
0x64: {  	[tilespmem:s17], [sflag:$0x2] =	stream.indirect_vreg.gather [hbm4b:s2+s3], $0x80, v3, vm0, $0xb8;
	[tilespmem:$0x19000] =	vst v63  }
0x65: {  	s18 =	simm.s32 $0x9000  }
0x66: {  	[tilespmem:s18], [sflag:$0x2] =	stream.indirect_vreg.gather [hbm4b:s5+s3], $0x80, v3, vm0, $0xb8;
	[tilespmem:$0x19000] =	vst v63  }
0x67: {  	s19 =	simm.s32 $0x9800  }
0x68: {  	[tilespmem:s19], [sflag:$0x2] =	stream.indirect_vreg.gather [hbm4b:s6+s3], $0x80, v3, vm0, $0xb8;
	[tilespmem:$0x19000] =	vst v63  }
0x69: {  	v3 =	vld [tilespmem:$0x90];
	_ =	sdelay $0x4  }
0x6a: {  	v59 =	vshrl.u32 v3, $0x3  }
0x6b: {  	v4 =	vmul.u32 $0x30, v59  }
0x6c: {  	v3 =	vand.u32 $0x7, v3  }
0x6d: {  	v3 =	vor.u32 v3, v4  }
0x6e: {  	v4 =	vperm.xlane v3, v0;
	_ =	sdelay $0x1  }
0x6f: {  	v4 =	vadd.s32 v1, v4;
	_ =	sdelay $0x3  }
0x70: {  	s20 =	simm.s32 $0xA000;
	v3 =	vperm.xlane v3, v2  }
0x71: {  	[tilespmem:s20], [sflag:$0x2] =	stream.indirect_vreg.gather [hbm4b:s2+s3], $0x80, v4, vm0, $0xb8;
	[tilespmem:$0x19000] =	vst v63  }
0x72: {  	s22 =	simm.s32 $0xA800;
	v3 =	vadd.s32 v1, v3  }
0x73: {  	[tilespmem:s22], [sflag:$0x2] =	stream.indirect_vreg.gather [hbm4b:s5+s3], $0x80, v4, vm0, $0xb8;
	[tilespmem:$0x19000] =	vst v63  }
0x74: {  	s26 =	simm.s32 $0xB000  }
0x75: {  	[tilespmem:s26], [sflag:$0x2] =	stream.indirect_vreg.gather [hbm4b:s6+s3], $0x80, v4, vm0, $0xb8;
	[tilespmem:$0x19000] =	vst v63  }
0x76: {  	s28 =	simm.s32 $0xB800  }
0x77: {  	[tilespmem:s28], [sflag:$0x2] =	stream.indirect_vreg.gather [hbm4b:s2+s3], $0x80, v3, vm0, $0xb8;
	[tilespmem:$0x19000] =	vst v63  }
0x78: {  	s17 =	simm.s32 $0xC000  }
0x79: {  	[tilespmem:s17], [sflag:$0x2] =	stream.indirect_vreg.gather [hbm4b:s5+s3], $0x80, v3, vm0, $0xb8;
	[tilespmem:$0x19000] =	vst v63  }
0x7a: {  	s19 =	simm.s32 $0xC800  }
0x7b: {  	[tilespmem:s19], [sflag:$0x2] =	stream.indirect_vreg.gather [hbm4b:s6+s3], $0x80, v3, vm0, $0xb8;
	[tilespmem:$0x19000] =	vst v63  }
0x7c: {  	v3 =	vld [tilespmem:$0x100];
	_ =	sdelay $0x4  }
0x7d: {  	v60 =	vshrl.u32 v3, $0x3  }
0x7e: {  	v4 =	vmul.u32 $0x30, v60  }
0x7f: {  	v3 =	vand.u32 $0x7, v3  }
0x80: {  	v3 =	vor.u32 v3, v4  }
0x81: {  	v4 =	vperm.xlane v3, v0;
	_ =	sdelay $0x1  }
0x82: {  	v4 =	vadd.s32 v1, v4;
	_ =	sdelay $0x3  }
0x83: {  	s20 =	simm.s32 $0xD000;
	v3 =	vperm.xlane v3, v2  }
0x84: {  	[tilespmem:s20], [sflag:$0x3] =	stream.indirect_vreg.gather [hbm4b:s2+s3], $0x80, v4, vm0, $0xb8;
	[tilespmem:$0x19000] =	vst v63  }
0x85: {  	s22 =	simm.s32 $0xD800;
	v3 =	vadd.s32 v1, v3  }
0x86: {  	[tilespmem:s22], [sflag:$0x3] =	stream.indirect_vreg.gather [hbm4b:s5+s3], $0x80, v4, vm0, $0xb8;
	[tilespmem:$0x19000] =	vst v63  }
0x87: {  	s26 =	simm.s32 $0xE000  }
0x88: {  	[tilespmem:s26], [sflag:$0x3] =	stream.indirect_vreg.gather [hbm4b:s6+s3], $0x80, v4, vm0, $0xb8;
	[tilespmem:$0x19000] =	vst v63  }
0x89: {  	s28 =	simm.s32 $0xE800  }
0x8a: {  	[tilespmem:s28], [sflag:$0x3] =	stream.indirect_vreg.gather [hbm4b:s2+s3], $0x80, v3, vm0, $0xb8;
	[tilespmem:$0x19000] =	vst v63  }
0x8b: {  	s17 =	simm.s32 $0xF000  }
0x8c: {  	[tilespmem:s17], [sflag:$0x3] =	stream.indirect_vreg.gather [hbm4b:s5+s3], $0x80, v3, vm0, $0xb8;
	[tilespmem:$0x19000] =	vst v63  }
0x8d: {  	s19 =	simm.s32 $0xF800  }
0x8e: {  	[tilespmem:s19], [sflag:$0x3] =	stream.indirect_vreg.gather [hbm4b:s6+s3], $0x80, v3, vm0, $0xb8;
	[tilespmem:$0x19000] =	vst v63  }
0x8f: {  	v3 =	vld [tilespmem:$0x110];
	_ =	sdelay $0x4  }
0x90: {  	v61 =	vshrl.u32 v3, $0x3  }
0x91: {  	v4 =	vmul.u32 $0x30, v61  }
0x92: {  	v3 =	vand.u32 $0x7, v3  }
0x93: {  	v3 =	vor.u32 v3, v4  }
0x94: {  	v4 =	vperm.xlane v3, v0;
	_ =	sdelay $0x1  }
0x95: {  	v4 =	vadd.s32 v1, v4;
	_ =	sdelay $0x3  }
0x96: {  	s20 =	simm.s32 $0x10000;
	v3 =	vperm.xlane v3, v2  }
0x97: {  	[tilespmem:s20], [sflag:$0x3] =	stream.indirect_vreg.gather [hbm4b:s2+s3], $0x80, v4, vm0, $0xb8;
	[tilespmem:$0x19000] =	vst v63  }
0x98: {  	s22 =	simm.s32 $0x10800;
	v3 =	vadd.s32 v1, v3  }
0x99: {  	[tilespmem:s22], [sflag:$0x3] =	stream.indirect_vreg.gather [hbm4b:s5+s3], $0x80, v4, vm0, $0xb8;
	[tilespmem:$0x19000] =	vst v63  }
0x9a: {  	s26 =	simm.s32 $0x11000  }
0x9b: {  	[tilespmem:s26], [sflag:$0x3] =	stream.indirect_vreg.gather [hbm4b:s6+s3], $0x80, v4, vm0, $0xb8;
	[tilespmem:$0x19000] =	vst v63  }
0x9c: {  	s28 =	simm.s32 $0x11800  }
0x9d: {  	[tilespmem:s28], [sflag:$0x3] =	stream.indirect_vreg.gather [hbm4b:s2+s3], $0x80, v3, vm0, $0xb8;
	[tilespmem:$0x19000] =	vst v63  }
0x9e: {  	s17 =	simm.s32 $0x12000  }
0x9f: {  	[tilespmem:s17], [sflag:$0x3] =	stream.indirect_vreg.gather [hbm4b:s5+s3], $0x80, v3, vm0, $0xb8;
	[tilespmem:$0x19000] =	vst v63  }
0xa0: {  	s19 =	simm.s32 $0x12800  }
0xa1: {  	[tilespmem:s19], [sflag:$0x3] =	stream.indirect_vreg.gather [hbm4b:s6+s3], $0x80, v3, vm0, $0xb8;
	[tilespmem:$0x19000] =	vst v63  }
0xa2: {  	_ =	swait.ge [sflag:s8], $0x6000  }
0xa3: {  	s20 =	sld [smem:$0x7F9]  }
0xa4: {  	[sflag:s8] =	ssyncset.done $0x0  }
0xa5: {  	s19 =	simm.s32 $0x1000;
	[sflag:s8] =	ssyncadd.s32 $0xFFFFA000  }
0xa6: {  	[hbm4b:s20+s3] =	stream.linear.scatter [tilespmem:s19], [sflag:$0x5], $0x6000, $0x38;
	[tilespmem:$0x19000] =	vst v63  }
0xa7: {  	v3 =	vld [tilespmem:$0x180];
	_ =	sdelay $0x4  }
0xa8: {  	v62 =	vshrl.u32 v3, $0x3  }
0xa9: {  	v4 =	vmul.u32 $0x30, v62  }
0xaa: {  	v3 =	vand.u32 $0x7, v3  }
0xab: {  	v3 =	vor.u32 v3, v4  }
0xac: {  	v4 =	vperm.xlane v3, v0;
	_ =	sdelay $0x1  }
0xad: {  	v4 =	vadd.s32 v1, v4;
	_ =	sdelay $0x3  }
0xae: {  	s22 =	simm.s32 $0x13000;
	v3 =	vperm.xlane v3, v2  }
0xaf: {  	[tilespmem:s22], [sflag:$0x4] =	stream.indirect_vreg.gather [hbm4b:s2+s3], $0x80, v4, vm0, $0xb8;
	[tilespmem:$0x19000] =	vst v63  }
0xb0: {  	s26 =	simm.s32 $0x13800;
	v3 =	vadd.s32 v1, v3  }
0xb1: {  	[tilespmem:s26], [sflag:$0x4] =	stream.indirect_vreg.gather [hbm4b:s5+s3], $0x80, v4, vm0, $0xb8;
	[tilespmem:$0x19000] =	vst v63  }
0xb2: {  	s28 =	simm.s32 $0x14000  }
0xb3: {  	[tilespmem:s28], [sflag:$0x4] =	stream.indirect_vreg.gather [hbm4b:s6+s3], $0x80, v4, vm0, $0xb8;
	[tilespmem:$0x19000] =	vst v63  }
0xb4: {  	s0 =	simm.s32 $0x14800  }
0xb5: {  	[tilespmem:s0], [sflag:$0x4] =	stream.indirect_vreg.gather [hbm4b:s2+s3], $0x80, v3, vm0, $0xb8;
	[tilespmem:$0x19000] =	vst v63  }
0xb6: {  	s20 =	simm.s32 $0x15000  }
0xb7: {  	[tilespmem:s20], [sflag:$0x4] =	stream.indirect_vreg.gather [hbm4b:s5+s3], $0x80, v3, vm0, $0xb8;
	[tilespmem:$0x19000] =	vst v63  }
0xb8: {  	s22 =	simm.s32 $0x15800  }
0xb9: {  	[tilespmem:s22], [sflag:$0x4] =	stream.indirect_vreg.gather [hbm4b:s6+s3], $0x80, v3, vm0, $0xb8;
	[tilespmem:$0x19000] =	vst v63  }
0xba: {  	v3 =	vld [tilespmem:$0x190];
	_ =	sdelay $0x4  }
0xbb: {  	v63 =	vshrl.u32 v3, $0x3  }
0xbc: {  	v4 =	vmul.u32 $0x30, v63  }
0xbd: {  	v3 =	vand.u32 $0x7, v3  }
0xbe: {  	v3 =	vor.u32 v3, v4  }
0xbf: {  	v4 =	vperm.xlane v3, v0;
	_ =	sdelay $0x1  }
0xc0: {  	v4 =	vadd.s32 v1, v4;
	_ =	sdelay $0x3  }
0xc1: {  	s26 =	simm.s32 $0x16000;
	v3 =	vperm.xlane v3, v2  }
0xc2: {  	[tilespmem:s26], [sflag:$0x4] =	stream.indirect_vreg.gather [hbm4b:s2+s3], $0x80, v4, vm0, $0xb8;
	[tilespmem:$0x19000] =	vst v63  }
0xc3: {  	s28 =	simm.s32 $0x16800;
	v3 =	vadd.s32 v1, v3  }
0xc4: {  	[tilespmem:s28], [sflag:$0x4] =	stream.indirect_vreg.gather [hbm4b:s5+s3], $0x80, v4, vm0, $0xb8;
	[tilespmem:$0x19000] =	vst v63  }
0xc5: {  	s0 =	simm.s32 $0x17000  }
0xc6: {  	[tilespmem:s0], [sflag:$0x4] =	stream.indirect_vreg.gather [hbm4b:s6+s3], $0x80, v4, vm0, $0xb8;
	[tilespmem:$0x19000] =	vst v63  }
0xc7: {  	s20 =	simm.s32 $0x17800  }
0xc8: {  	[tilespmem:s20], [sflag:$0x4] =	stream.indirect_vreg.gather [hbm4b:s2+s3], $0x80, v3, vm0, $0xb8;
	[tilespmem:$0x19000] =	vst v63  }
0xc9: {  	s22 =	simm.s32 $0x18000  }
0xca: {  	[tilespmem:s22], [sflag:$0x4] =	stream.indirect_vreg.gather [hbm4b:s5+s3], $0x80, v3, vm0, $0xb8;
	[tilespmem:$0x19000] =	vst v63  }
0xcb: {  	s26 =	simm.s32 $0x18800  }
0xcc: {  	[tilespmem:s26], [sflag:$0x4] =	stream.indirect_vreg.gather [hbm4b:s6+s3], $0x80, v3, vm0, $0xb8;
	[tilespmem:$0x19000] =	vst v63  }
0xcd: {  	_ =	swait.ge [sflag:s10], $0x6000  }
0xce: {  	[sflag:s10] =	ssyncset.done $0x0  }
0xcf: {  	s0 =	simm.s32 $0x7000;
	s28 =	rddreg [dreg:$0x5];
	[sflag:s10] =	ssyncadd.s32 $0xFFFFA000  }
0xd0: {  	[hbm4b:s28+s3] =	stream.linear.scatter [tilespmem:s0], [sflag:$0x6], $0x6000, $0x38;
	[tilespmem:$0x19000] =	vst v63  }
0xd1: {  	_ =	swait.ge [sflag:s11], $0x6000  }
0xd2: {  	[sflag:s11] =	ssyncset.done $0x0  }
0xd3: {  	[sflag:s11] =	ssyncadd.s32 $0xFFFFA000  }
0xd4: {  	v3 =	vld [tilespmem:$0x200];
	_ =	sdelay $0x4  }
0xd5: {  	v8 =	vshrl.u32 v3, $0x3  }
0xd6: {  	v4 =	vmul.u32 $0x30, v8  }
0xd7: {  	v3 =	vand.u32 $0x7, v3  }
0xd8: {  	v3 =	vor.u32 v3, v4  }
0xd9: {  	v4 =	vperm.xlane v3, v0;
	_ =	sdelay $0x1  }
0xda: {  	v4 =	vadd.s32 v1, v4;
	_ =	sdelay $0x3  }
0xdb: {  	v3 =	vperm.xlane v3, v2  }
0xdc: {  	[tilespmem:s19], [sflag:$0x1] =	stream.indirect_vreg.gather [hbm4b:s2+s3], $0x80, v4, vm0, $0xb8;
	[tilespmem:$0x19000] =	vst v63  }
0xdd: {  	s24 =	simm.s32 $0x1800;
	v3 =	vadd.s32 v1, v3  }
0xde: {  	[tilespmem:s24], [sflag:$0x1] =	stream.indirect_vreg.gather [hbm4b:s5+s3], $0x80, v4, vm0, $0xb8;
	[tilespmem:$0x19000] =	vst v63  }
0xdf: {  	s25 =	simm.s32 $0x2000  }
0xe0: {  	[tilespmem:s25], [sflag:$0x1] =	stream.indirect_vreg.gather [hbm4b:s6+s3], $0x80, v4, vm0, $0xb8;
	[tilespmem:$0x19000] =	vst v63  }
0xe1: {  	s26 =	simm.s32 $0x2800  }
0xe2: {  	[tilespmem:s26], [sflag:$0x1] =	stream.indirect_vreg.gather [hbm4b:s2+s3], $0x80, v3, vm0, $0xb8;
	[tilespmem:$0x19000] =	vst v63  }
0xe3: {  	s28 =	simm.s32 $0x3000  }
0xe4: {  	[tilespmem:s28], [sflag:$0x1] =	stream.indirect_vreg.gather [hbm4b:s5+s3], $0x80, v3, vm0, $0xb8;
	[tilespmem:$0x19000] =	vst v63  }
0xe5: {  	s21 =	simm.s32 $0x3800  }
0xe6: {  	[tilespmem:s21], [sflag:$0x1] =	stream.indirect_vreg.gather [hbm4b:s6+s3], $0x80, v3, vm0, $0xb8;
	[tilespmem:$0x19000] =	vst v63  }
0xe7: {  	v3 =	vld [tilespmem:$0x210];
	_ =	sdelay $0x4  }
0xe8: {  	v9 =	vshrl.u32 v3, $0x3  }
0xe9: {  	v4 =	vmul.u32 $0x30, v9  }
0xea: {  	v3 =	vand.u32 $0x7, v3  }
0xeb: {  	v3 =	vor.u32 v3, v4  }
0xec: {  	v4 =	vperm.xlane v3, v0;
	_ =	sdelay $0x1  }
0xed: {  	v4 =	vadd.s32 v1, v4;
	_ =	sdelay $0x3  }
0xee: {  	s20 =	simm.s32 $0x4000;
	v3 =	vperm.xlane v3, v2  }
0xef: {  	[tilespmem:s20], [sflag:$0x1] =	stream.indirect_vreg.gather [hbm4b:s2+s3], $0x80, v4, vm0, $0xb8;
	[tilespmem:$0x19000] =	vst v63  }
0xf0: {  	s19 =	simm.s32 $0x4800;
	v3 =	vadd.s32 v1, v3  }
0xf1: {  	[tilespmem:s19], [sflag:$0x1] =	stream.indirect_vreg.gather [hbm4b:s5+s3], $0x80, v4, vm0, $0xb8;
	[tilespmem:$0x19000] =	vst v63  }
0xf2: {  	s1 =	simm.s32 $0x5000  }
0xf3: {  	[tilespmem:s1], [sflag:$0x1] =	stream.indirect_vreg.gather [hbm4b:s6+s3], $0x80, v4, vm0, $0xb8;
	[tilespmem:$0x19000] =	vst v63  }
0xf4: {  	s7 =	simm.s32 $0x5800  }
0xf5: {  	[tilespmem:s7], [sflag:$0x1] =	stream.indirect_vreg.gather [hbm4b:s2+s3], $0x80, v3, vm0, $0xb8;
	[tilespmem:$0x19000] =	vst v63  }
0xf6: {  	s21 =	simm.s32 $0x6000  }
0xf7: {  	[tilespmem:s21], [sflag:$0x1] =	stream.indirect_vreg.gather [hbm4b:s5+s3], $0x80, v3, vm0, $0xb8;
	[tilespmem:$0x19000] =	vst v63  }
0xf8: {  	s22 =	simm.s32 $0x6800  }
0xf9: {  	[tilespmem:s22], [sflag:$0x1] =	stream.indirect_vreg.gather [hbm4b:s6+s3], $0x80, v3, vm0, $0xb8;
	[tilespmem:$0x19000] =	vst v63  }
0xfa: {  	_ =	swait.ge [sflag:s12], $0x6000  }
0xfb: {  	[sflag:s12] =	ssyncset.done $0x0  }
0xfc: {  	s7 =	simm.s32 $0xD000;
	s1 =	rddreg [dreg:$0x6];
	[sflag:s12] =	ssyncadd.s32 $0xFFFFA000  }
0xfd: {  	[hbm4b:s1+s3] =	stream.linear.scatter [tilespmem:s7], [sflag:$0x7], $0x6000, $0x38;
	[tilespmem:$0x19000] =	vst v63  }
0xfe: {  	_ =	swait.ge [sflag:s13], $0x6000  }
0xff: {  	[sflag:s13] =	ssyncset.done $0x0  }
0x100: {  	[sflag:s13] =	ssyncadd.s32 $0xFFFFA000  }
0x101: {  	v3 =	vld [tilespmem:$0x280];
	_ =	sdelay $0x4  }
0x102: {  	v10 =	vshrl.u32 v3, $0x3  }
0x103: {  	v4 =	vmul.u32 $0x30, v10  }
0x104: {  	v3 =	vand.u32 $0x7, v3  }
0x105: {  	v3 =	vor.u32 v3, v4  }
0x106: {  	v4 =	vperm.xlane v3, v0;
	_ =	sdelay $0x1  }
0x107: {  	v4 =	vadd.s32 v1, v4;
	_ =	sdelay $0x3  }
0x108: {  	v3 =	vperm.xlane v3, v2  }
0x109: {  	[tilespmem:s0], [sflag:$0x2] =	stream.indirect_vreg.gather [hbm4b:s2+s3], $0x80, v4, vm0, $0xb8;
	[tilespmem:$0x19000] =	vst v63  }
0x10a: {  	s4 =	simm.s32 $0x7800;
	v3 =	vadd.s32 v1, v3  }
0x10b: {  	[tilespmem:s4], [sflag:$0x2] =	stream.indirect_vreg.gather [hbm4b:s5+s3], $0x80, v4, vm0, $0xb8;
	[tilespmem:$0x19000] =	vst v63  }
0x10c: {  	s9 =	simm.s32 $0x8000  }
0x10d: {  	[tilespmem:s9], [sflag:$0x2] =	stream.indirect_vreg.gather [hbm4b:s6+s3], $0x80, v4, vm0, $0xb8;
	[tilespmem:$0x19000] =	vst v63  }
0x10e: {  	s29 =	simm.s32 $0x8800  }
0x10f: {  	[tilespmem:s29], [sflag:$0x2] =	stream.indirect_vreg.gather [hbm4b:s2+s3], $0x80, v3, vm0, $0xb8;
	[tilespmem:$0x19000] =	vst v63  }
0x110: {  	s30 =	simm.s32 $0x9000  }
0x111: {  	[tilespmem:s30], [sflag:$0x2] =	stream.indirect_vreg.gather [hbm4b:s5+s3], $0x80, v3, vm0, $0xb8;
	[tilespmem:$0x19000] =	vst v63  }
0x112: {  	s18 =	simm.s32 $0x9800  }
0x113: {  	[tilespmem:s18], [sflag:$0x2] =	stream.indirect_vreg.gather [hbm4b:s6+s3], $0x80, v3, vm0, $0xb8;
	[tilespmem:$0x19000] =	vst v63  }
0x114: {  	v3 =	vld [tilespmem:$0x290];
	_ =	sdelay $0x4  }
0x115: {  	v11 =	vshrl.u32 v3, $0x3  }
0x116: {  	v4 =	vmul.u32 $0x30, v11  }
0x117: {  	v3 =	vand.u32 $0x7, v3  }
0x118: {  	v3 =	vor.u32 v3, v4  }
0x119: {  	v4 =	vperm.xlane v3, v0;
	_ =	sdelay $0x1  }
0x11a: {  	v4 =	vadd.s32 v1, v4;
	_ =	sdelay $0x3  }
0x11b: {  	s23 =	simm.s32 $0xA000;
	v3 =	vperm.xlane v3, v2  }
0x11c: {  	[tilespmem:s23], [sflag:$0x2] =	stream.indirect_vreg.gather [hbm4b:s2+s3], $0x80, v4, vm0, $0xb8;
	[tilespmem:$0x19000] =	vst v63  }
0x11d: {  	s31 =	simm.s32 $0xA800;
	v3 =	vadd.s32 v1, v3  }
0x11e: {  	[tilespmem:s31], [sflag:$0x2] =	stream.indirect_vreg.gather [hbm4b:s5+s3], $0x80, v4, vm0, $0xb8;
	[tilespmem:$0x19000] =	vst v63  }
0x11f: {  	s18 =	simm.s32 $0xB000  }
0x120: {  	[tilespmem:s18], [sflag:$0x2] =	stream.indirect_vreg.gather [hbm4b:s6+s3], $0x80, v4, vm0, $0xb8;
	[tilespmem:$0x19000] =	vst v63  }
0x121: {  	s23 =	simm.s32 $0xB800  }
0x122: {  	[tilespmem:s23], [sflag:$0x2] =	stream.indirect_vreg.gather [hbm4b:s2+s3], $0x80, v3, vm0, $0xb8;
	[tilespmem:$0x19000] =	vst v63  }
0x123: {  	s24 =	simm.s32 $0xC000  }
0x124: {  	[tilespmem:s24], [sflag:$0x2] =	stream.indirect_vreg.gather [hbm4b:s5+s3], $0x80, v3, vm0, $0xb8;
	[tilespmem:$0x19000] =	vst v63  }
0x125: {  	s25 =	simm.s32 $0xC800  }
0x126: {  	[tilespmem:s25], [sflag:$0x2] =	stream.indirect_vreg.gather [hbm4b:s6+s3], $0x80, v3, vm0, $0xb8;
	[tilespmem:$0x19000] =	vst v63  }
0x127: {  	_ =	swait.ge [sflag:s14], $0x6000  }
0x128: {  	[sflag:s14] =	ssyncset.done $0x0  }
0x129: {  	s0 =	simm.s32 $0x13000;
	s4 =	rddreg [dreg:$0x7];
	[sflag:s14] =	ssyncadd.s32 $0xFFFFA000  }
0x12a: {  	[hbm4b:s4+s3] =	stream.linear.scatter [tilespmem:s0], [sflag:$0x8], $0x6000, $0x38;
	[tilespmem:$0x19000] =	vst v63  }
0x12b: {  	_ =	swait.ge [sflag:s15], $0x6000  }
0x12c: {  	[sflag:s15] =	ssyncset.done $0x0  }
0x12d: {  	[sflag:s15] =	ssyncadd.s32 $0xFFFFA000  }
0x12e: {  	v3 =	vld [tilespmem:$0x300];
	_ =	sdelay $0x4  }
0x12f: {  	v12 =	vshrl.u32 v3, $0x3  }
0x130: {  	v4 =	vmul.u32 $0x30, v12  }
0x131: {  	v3 =	vand.u32 $0x7, v3  }
0x132: {  	v3 =	vor.u32 v3, v4  }
0x133: {  	v4 =	vperm.xlane v3, v0;
	_ =	sdelay $0x1  }
0x134: {  	v4 =	vadd.s32 v1, v4;
	_ =	sdelay $0x3  }
0x135: {  	v3 =	vperm.xlane v3, v2  }
0x136: {  	[tilespmem:s7], [sflag:$0x3] =	stream.indirect_vreg.gather [hbm4b:s2+s3], $0x80, v4, vm0, $0xb8;
	[tilespmem:$0x19000] =	vst v63  }
0x137: {  	s29 =	simm.s32 $0xD800;
	v3 =	vadd.s32 v1, v3  }
0x138: {  	[tilespmem:s29], [sflag:$0x3] =	stream.indirect_vreg.gather [hbm4b:s5+s3], $0x80, v4, vm0, $0xb8;
	[tilespmem:$0x19000] =	vst v63  }
0x139: {  	s30 =	simm.s32 $0xE000  }
0x13a: {  	[tilespmem:s30], [sflag:$0x3] =	stream.indirect_vreg.gather [hbm4b:s6+s3], $0x80, v4, vm0, $0xb8;
	[tilespmem:$0x19000] =	vst v63  }
0x13b: {  	s31 =	simm.s32 $0xE800  }
0x13c: {  	[tilespmem:s31], [sflag:$0x3] =	stream.indirect_vreg.gather [hbm4b:s2+s3], $0x80, v3, vm0, $0xb8;
	[tilespmem:$0x19000] =	vst v63  }
0x13d: {  	s7 =	simm.s32 $0xF000  }
0x13e: {  	[tilespmem:s7], [sflag:$0x3] =	stream.indirect_vreg.gather [hbm4b:s5+s3], $0x80, v3, vm0, $0xb8;
	[tilespmem:$0x19000] =	vst v63  }
0x13f: {  	s9 =	simm.s32 $0xF800  }
0x140: {  	[tilespmem:s9], [sflag:$0x3] =	stream.indirect_vreg.gather [hbm4b:s6+s3], $0x80, v3, vm0, $0xb8;
	[tilespmem:$0x19000] =	vst v63  }
0x141: {  	v3 =	vld [tilespmem:$0x310];
	_ =	sdelay $0x4  }
0x142: {  	v13 =	vshrl.u32 v3, $0x3  }
0x143: {  	v4 =	vmul.u32 $0x30, v13  }
0x144: {  	v3 =	vand.u32 $0x7, v3  }
0x145: {  	v3 =	vor.u32 v3, v4  }
0x146: {  	v4 =	vperm.xlane v3, v0;
	_ =	sdelay $0x1  }
0x147: {  	v4 =	vadd.s32 v1, v4;
	_ =	sdelay $0x3  }
0x148: {  	s17 =	simm.s32 $0x10000;
	v3 =	vperm.xlane v3, v2  }
0x149: {  	[tilespmem:s17], [sflag:$0x3] =	stream.indirect_vreg.gather [hbm4b:s2+s3], $0x80, v4, vm0, $0xb8;
	[tilespmem:$0x19000] =	vst v63  }
0x14a: {  	s4 =	simm.s32 $0x10800;
	v3 =	vadd.s32 v1, v3  }
0x14b: {  	[tilespmem:s4], [sflag:$0x3] =	stream.indirect_vreg.gather [hbm4b:s5+s3], $0x80, v4, vm0, $0xb8;
	[tilespmem:$0x19000] =	vst v63  }
0x14c: {  	s9 =	simm.s32 $0x11000  }
0x14d: {  	[tilespmem:s9], [sflag:$0x3] =	stream.indirect_vreg.gather [hbm4b:s6+s3], $0x80, v4, vm0, $0xb8;
	[tilespmem:$0x19000] =	vst v63  }
0x14e: {  	s7 =	simm.s32 $0x11800  }
0x14f: {  	[tilespmem:s7], [sflag:$0x3] =	stream.indirect_vreg.gather [hbm4b:s2+s3], $0x80, v3, vm0, $0xb8;
	[tilespmem:$0x19000] =	vst v63  }
0x150: {  	s17 =	simm.s32 $0x12000  }
0x151: {  	[tilespmem:s17], [sflag:$0x3] =	stream.indirect_vreg.gather [hbm4b:s5+s3], $0x80, v3, vm0, $0xb8;
	[tilespmem:$0x19000] =	vst v63  }
0x152: {  	s4 =	simm.s32 $0x12800  }
0x153: {  	[tilespmem:s4], [sflag:$0x3] =	stream.indirect_vreg.gather [hbm4b:s6+s3], $0x80, v3, vm0, $0xb8;
	[tilespmem:$0x19000] =	vst v63  }
0x154: {  	_ =	swait.ge [sflag:s8], $0x6000  }
0x155: {  	[sflag:s8] =	ssyncset.done $0x0  }
0x156: {  	s4 =	simm.s32 $0x1000;
	s7 =	rddreg [dreg:$0x8];
	[sflag:s8] =	ssyncadd.s32 $0xFFFFA000  }
0x157: {  	[hbm4b:s7+s3] =	stream.linear.scatter [tilespmem:s4], [sflag:$0x5], $0x6000, $0x38;
	[tilespmem:$0x19000] =	vst v63  }
0x158: {  	_ =	swait.ge [sflag:s16], $0x6000  }
0x159: {  	[sflag:s16] =	ssyncset.done $0x0  }
0x15a: {  	[sflag:s16] =	ssyncadd.s32 $0xFFFFA000  }
0x15b: {  	v3 =	vld [tilespmem:$0x380];
	_ =	sdelay $0x4  }
0x15c: {  	v14 =	vshrl.u32 v3, $0x3  }
0x15d: {  	v4 =	vmul.u32 $0x30, v14  }
0x15e: {  	v3 =	vand.u32 $0x7, v3  }
0x15f: {  	v3 =	vor.u32 v3, v4  }
0x160: {  	v4 =	vperm.xlane v3, v0;
	_ =	sdelay $0x1  }
0x161: {  	v4 =	vadd.s32 v1, v4;
	_ =	sdelay $0x3  }
0x162: {  	v3 =	vperm.xlane v3, v2  }
0x163: {  	[tilespmem:s0], [sflag:$0x4] =	stream.indirect_vreg.gather [hbm4b:s2+s3], $0x80, v4, vm0, $0xb8;
	[tilespmem:$0x19000] =	vst v63  }
0x164: {  	s17 =	simm.s32 $0x13800;
	v3 =	vadd.s32 v1, v3  }
0x165: {  	[tilespmem:s17], [sflag:$0x4] =	stream.indirect_vreg.gather [hbm4b:s5+s3], $0x80, v4, vm0, $0xb8;
	[tilespmem:$0x19000] =	vst v63  }
0x166: {  	s7 =	simm.s32 $0x14000  }
0x167: {  	[tilespmem:s7], [sflag:$0x4] =	stream.indirect_vreg.gather [hbm4b:s6+s3], $0x80, v4, vm0, $0xb8;
	[tilespmem:$0x19000] =	vst v63  }
0x168: {  	s17 =	simm.s32 $0x14800  }
0x169: {  	[tilespmem:s17], [sflag:$0x4] =	stream.indirect_vreg.gather [hbm4b:s2+s3], $0x80, v3, vm0, $0xb8;
	[tilespmem:$0x19000] =	vst v63  }
0x16a: {  	s7 =	simm.s32 $0x15000  }
0x16b: {  	[tilespmem:s7], [sflag:$0x4] =	stream.indirect_vreg.gather [hbm4b:s5+s3], $0x80, v3, vm0, $0xb8;
	[tilespmem:$0x19000] =	vst v63  }
0x16c: {  	s17 =	simm.s32 $0x15800  }
0x16d: {  	[tilespmem:s17], [sflag:$0x4] =	stream.indirect_vreg.gather [hbm4b:s6+s3], $0x80, v3, vm0, $0xb8;
	[tilespmem:$0x19000] =	vst v63  }
0x16e: {  	v3 =	vld [tilespmem:$0x390];
	_ =	sdelay $0x4  }
0x16f: {  	v15 =	vshrl.u32 v3, $0x3  }
0x170: {  	v4 =	vmul.u32 $0x30, v15  }
0x171: {  	v3 =	vand.u32 $0x7, v3  }
0x172: {  	v3 =	vor.u32 v3, v4  }
0x173: {  	v4 =	vperm.xlane v3, v0;
	_ =	sdelay $0x1  }
0x174: {  	v4 =	vadd.s32 v1, v4;
	_ =	sdelay $0x3  }
0x175: {  	s7 =	simm.s32 $0x16000;
	v3 =	vperm.xlane v3, v2  }
0x176: {  	[tilespmem:s7], [sflag:$0x4] =	stream.indirect_vreg.gather [hbm4b:s2+s3], $0x80, v4, vm0, $0xb8;
	[tilespmem:$0x19000] =	vst v63  }
0x177: {  	s17 =	simm.s32 $0x16800;
	v3 =	vadd.s32 v1, v3  }
0x178: {  	[tilespmem:s17], [sflag:$0x4] =	stream.indirect_vreg.gather [hbm4b:s5+s3], $0x80, v4, vm0, $0xb8;
	[tilespmem:$0x19000] =	vst v63  }
0x179: {  	s7 =	simm.s32 $0x17000  }
0x17a: {  	[tilespmem:s7], [sflag:$0x4] =	stream.indirect_vreg.gather [hbm4b:s6+s3], $0x80, v4, vm0, $0xb8;
	[tilespmem:$0x19000] =	vst v63  }
0x17b: {  	s17 =	simm.s32 $0x17800  }
0x17c: {  	[tilespmem:s17], [sflag:$0x4] =	stream.indirect_vreg.gather [hbm4b:s2+s3], $0x80, v3, vm0, $0xb8;
	[tilespmem:$0x19000] =	vst v63  }
0x17d: {  	s7 =	simm.s32 $0x18000  }
0x17e: {  	[tilespmem:s7], [sflag:$0x4] =	stream.indirect_vreg.gather [hbm4b:s5+s3], $0x80, v3, vm0, $0xb8;
	[tilespmem:$0x19000] =	vst v63  }
0x17f: {  	s17 =	simm.s32 $0x18800  }
0x180: {  	[tilespmem:s17], [sflag:$0x4] =	stream.indirect_vreg.gather [hbm4b:s6+s3], $0x80, v3, vm0, $0xb8;
	[tilespmem:$0x19000] =	vst v63  }
0x181: {  	_ =	swait.ge [sflag:s10], $0x6000  }
0x182: {  	[sflag:s10] =	ssyncset.done $0x0  }
0x183: {  	s1 =	simm.s32 $0x7000;
	s7 =	rddreg [dreg:$0x9];
	[sflag:s10] =	ssyncadd.s32 $0xFFFFA000  }
0x184: {  	[hbm4b:s7+s3] =	stream.linear.scatter [tilespmem:s1], [sflag:$0x6], $0x6000, $0x38;
	[tilespmem:$0x19000] =	vst v63  }
0x185: {  	_ =	swait.ge [sflag:s11], $0x6000  }
0x186: {  	[sflag:s11] =	ssyncset.done $0x0  }
0x187: {  	[sflag:s11] =	ssyncadd.s32 $0xFFFFA000  }
0x188: {  	v3 =	vld [tilespmem:$0x400];
	_ =	sdelay $0x4  }
0x189: {  	v16 =	vshrl.u32 v3, $0x3  }
0x18a: {  	v4 =	vmul.u32 $0x30, v16  }
0x18b: {  	v3 =	vand.u32 $0x7, v3  }
0x18c: {  	v3 =	vor.u32 v3, v4  }
0x18d: {  	v4 =	vperm.xlane v3, v0;
	_ =	sdelay $0x1  }
0x18e: {  	v4 =	vadd.s32 v1, v4;
	_ =	sdelay $0x3  }
0x18f: {  	v3 =	vperm.xlane v3, v2  }
0x190: {  	[tilespmem:s4], [sflag:$0x1] =	stream.indirect_vreg.gather [hbm4b:s2+s3], $0x80, v4, vm0, $0xb8;
	[tilespmem:$0x19000] =	vst v63  }
0x191: {  	s17 =	simm.s32 $0x1800;
	v3 =	vadd.s32 v1, v3  }
0x192: {  	[tilespmem:s17], [sflag:$0x1] =	stream.indirect_vreg.gather [hbm4b:s5+s3], $0x80, v4, vm0, $0xb8;
	[tilespmem:$0x19000] =	vst v63  }
0x193: {  	s17 =	simm.s32 $0x2000  }
0x194: {  	[tilespmem:s17], [sflag:$0x1] =	stream.indirect_vreg.gather [hbm4b:s6+s3], $0x80, v4, vm0, $0xb8;
	[tilespmem:$0x19000] =	vst v63  }
0x195: {  	_ = 	snop  }
0x196: {  	[tilespmem:s26], [sflag:$0x1] =	stream.indirect_vreg.gather [hbm4b:s2+s3], $0x80, v3, vm0, $0xb8;
	[tilespmem:$0x19000] =	vst v63  }
0x197: {  	_ = 	snop  }
0x198: {  	[tilespmem:s28], [sflag:$0x1] =	stream.indirect_vreg.gather [hbm4b:s5+s3], $0x80, v3, vm0, $0xb8;
	[tilespmem:$0x19000] =	vst v63  }
0x199: {  	s7 =	simm.s32 $0x3800  }
0x19a: {  	[tilespmem:s7], [sflag:$0x1] =	stream.indirect_vreg.gather [hbm4b:s6+s3], $0x80, v3, vm0, $0xb8;
	[tilespmem:$0x19000] =	vst v63  }
0x19b: {  	v3 =	vld [tilespmem:$0x410];
	_ =	sdelay $0x4  }
0x19c: {  	v17 =	vshrl.u32 v3, $0x3  }
0x19d: {  	v4 =	vmul.u32 $0x30, v17  }
0x19e: {  	v3 =	vand.u32 $0x7, v3  }
0x19f: {  	v3 =	vor.u32 v3, v4  }
0x1a0: {  	v4 =	vperm.xlane v3, v0;
	_ =	sdelay $0x1  }
0x1a1: {  	v4 =	vadd.s32 v1, v4;
	_ =	sdelay $0x3  }
0x1a2: {  	v3 =	vperm.xlane v3, v2  }
0x1a3: {  	[tilespmem:s20], [sflag:$0x1] =	stream.indirect_vreg.gather [hbm4b:s2+s3], $0x80, v4, vm0, $0xb8;
	[tilespmem:$0x19000] =	vst v63  }
0x1a4: {  	v3 =	vadd.s32 v1, v3  }
0x1a5: {  	[tilespmem:s19], [sflag:$0x1] =	stream.indirect_vreg.gather [hbm4b:s5+s3], $0x80, v4, vm0, $0xb8;
	[tilespmem:$0x19000] =	vst v63  }
0x1a6: {  	s19 =	simm.s32 $0x5000  }
0x1a7: {  	[tilespmem:s19], [sflag:$0x1] =	stream.indirect_vreg.gather [hbm4b:s6+s3], $0x80, v4, vm0, $0xb8;
	[tilespmem:$0x19000] =	vst v63  }
0x1a8: {  	s26 =	simm.s32 $0x5800  }
0x1a9: {  	[tilespmem:s26], [sflag:$0x1] =	stream.indirect_vreg.gather [hbm4b:s2+s3], $0x80, v3, vm0, $0xb8;
	[tilespmem:$0x19000] =	vst v63  }
0x1aa: {  	_ = 	snop  }
0x1ab: {  	[tilespmem:s21], [sflag:$0x1] =	stream.indirect_vreg.gather [hbm4b:s5+s3], $0x80, v3, vm0, $0xb8;
	[tilespmem:$0x19000] =	vst v63  }
0x1ac: {  	_ = 	snop  }
0x1ad: {  	[tilespmem:s22], [sflag:$0x1] =	stream.indirect_vreg.gather [hbm4b:s6+s3], $0x80, v3, vm0, $0xb8;
	[tilespmem:$0x19000] =	vst v63  }
0x1ae: {  	_ =	swait.ge [sflag:s12], $0x6000  }
0x1af: {  	[sflag:s12] =	ssyncset.done $0x0  }
0x1b0: {  	s22 =	simm.s32 $0xD000;
	s21 =	rddreg [dreg:$0xa];
	[sflag:s12] =	ssyncadd.s32 $0xFFFFA000  }
0x1b1: {  	[hbm4b:s21+s3] =	stream.linear.scatter [tilespmem:s22], [sflag:$0x7], $0x6000, $0x38;
	[tilespmem:$0x19000] =	vst v63  }
0x1b2: {  	_ =	swait.ge [sflag:s13], $0x6000  }
0x1b3: {  	[sflag:s13] =	ssyncset.done $0x0  }
0x1b4: {  	[sflag:s13] =	ssyncadd.s32 $0xFFFFA000  }
0x1b5: {  	v3 =	vld [tilespmem:$0x480];
	_ =	sdelay $0x4  }
0x1b6: {  	v18 =	vshrl.u32 v3, $0x3  }
0x1b7: {  	v4 =	vmul.u32 $0x30, v18  }
0x1b8: {  	v3 =	vand.u32 $0x7, v3  }
0x1b9: {  	v3 =	vor.u32 v3, v4  }
0x1ba: {  	v4 =	vperm.xlane v3, v0;
	_ =	sdelay $0x1  }
0x1bb: {  	v4 =	vadd.s32 v1, v4;
	_ =	sdelay $0x3  }
0x1bc: {  	v3 =	vperm.xlane v3, v2  }
0x1bd: {  	[tilespmem:s1], [sflag:$0x2] =	stream.indirect_vreg.gather [hbm4b:s2+s3], $0x80, v4, vm0, $0xb8;
	[tilespmem:$0x19000] =	vst v63  }
0x1be: {  	s21 =	simm.s32 $0x7800;
	v3 =	vadd.s32 v1, v3  }
0x1bf: {  	[tilespmem:s21], [sflag:$0x2] =	stream.indirect_vreg.gather [hbm4b:s5+s3], $0x80, v4, vm0, $0xb8;
	[tilespmem:$0x19000] =	vst v63  }
0x1c0: {  	s22 =	simm.s32 $0x8000  }
0x1c1: {  	[tilespmem:s22], [sflag:$0x2] =	stream.indirect_vreg.gather [hbm4b:s6+s3], $0x80, v4, vm0, $0xb8;
	[tilespmem:$0x19000] =	vst v63  }
0x1c2: {  	s28 =	simm.s32 $0x8800  }
0x1c3: {  	[tilespmem:s28], [sflag:$0x2] =	stream.indirect_vreg.gather [hbm4b:s2+s3], $0x80, v3, vm0, $0xb8;
	[tilespmem:$0x19000] =	vst v63  }
0x1c4: {  	s17 =	simm.s32 $0x9000  }
0x1c5: {  	[tilespmem:s17], [sflag:$0x2] =	stream.indirect_vreg.gather [hbm4b:s5+s3], $0x80, v3, vm0, $0xb8;
	[tilespmem:$0x19000] =	vst v63  }
0x1c6: {  	s17 =	simm.s32 $0x9800  }
0x1c7: {  	[tilespmem:s17], [sflag:$0x2] =	stream.indirect_vreg.gather [hbm4b:s6+s3], $0x80, v3, vm0, $0xb8;
	[tilespmem:$0x19000] =	vst v63  }
0x1c8: {  	v3 =	vld [tilespmem:$0x490];
	_ =	sdelay $0x4  }
0x1c9: {  	v19 =	vshrl.u32 v3, $0x3  }
0x1ca: {  	v4 =	vmul.u32 $0x30, v19  }
0x1cb: {  	v3 =	vand.u32 $0x7, v3  }
0x1cc: {  	v3 =	vor.u32 v3, v4  }
0x1cd: {  	v4 =	vperm.xlane v3, v0;
	_ =	sdelay $0x1  }
0x1ce: {  	v4 =	vadd.s32 v1, v4;
	_ =	sdelay $0x3  }
0x1cf: {  	s17 =	simm.s32 $0xA000;
	v3 =	vperm.xlane v3, v2  }
0x1d0: {  	[tilespmem:s17], [sflag:$0x2] =	stream.indirect_vreg.gather [hbm4b:s2+s3], $0x80, v4, vm0, $0xb8;
	[tilespmem:$0x19000] =	vst v63  }
0x1d1: {  	v3 =	vadd.s32 v1, v3;
	s17 =	simm.s32 $0xA800  }
0x1d2: {  	[tilespmem:s17], [sflag:$0x2] =	stream.indirect_vreg.gather [hbm4b:s5+s3], $0x80, v4, vm0, $0xb8;
	[tilespmem:$0x19000] =	vst v63  }
0x1d3: {  	_ = 	snop  }
0x1d4: {  	[tilespmem:s18], [sflag:$0x2] =	stream.indirect_vreg.gather [hbm4b:s6+s3], $0x80, v4, vm0, $0xb8;
	[tilespmem:$0x19000] =	vst v63  }
0x1d5: {  	_ = 	snop  }
0x1d6: {  	[tilespmem:s23], [sflag:$0x2] =	stream.indirect_vreg.gather [hbm4b:s2+s3], $0x80, v3, vm0, $0xb8;
	[tilespmem:$0x19000] =	vst v63  }
0x1d7: {  	_ = 	snop  }
0x1d8: {  	[tilespmem:s24], [sflag:$0x2] =	stream.indirect_vreg.gather [hbm4b:s5+s3], $0x80, v3, vm0, $0xb8;
	[tilespmem:$0x19000] =	vst v63  }
0x1d9: {  	_ = 	snop  }
0x1da: {  	[tilespmem:s25], [sflag:$0x2] =	stream.indirect_vreg.gather [hbm4b:s6+s3], $0x80, v3, vm0, $0xb8;
	[tilespmem:$0x19000] =	vst v63  }
0x1db: {  	_ =	swait.ge [sflag:s14], $0x6000  }
0x1dc: {  	[sflag:s14] =	ssyncset.done $0x0  }
0x1dd: {  	s25 =	rddreg [dreg:$0xb];
	[sflag:s14] =	ssyncadd.s32 $0xFFFFA000  }
0x1de: {  	[hbm4b:s25+s3] =	stream.linear.scatter [tilespmem:s0], [sflag:$0x8], $0x6000, $0x38;
	[tilespmem:$0x19000] =	vst v63  }
0x1df: {  	_ =	swait.ge [sflag:s15], $0x6000  }
0x1e0: {  	[sflag:s15] =	ssyncset.done $0x0  }
0x1e1: {  	[sflag:s15] =	ssyncadd.s32 $0xFFFFA000  }
0x1e2: {  	v3 =	vld [tilespmem:$0x500];
	_ =	sdelay $0x4  }
0x1e3: {  	v20 =	vshrl.u32 v3, $0x3  }
0x1e4: {  	v4 =	vmul.u32 $0x30, v20  }
0x1e5: {  	v3 =	vand.u32 $0x7, v3  }
0x1e6: {  	v3 =	vor.u32 v3, v4  }
0x1e7: {  	v4 =	vperm.xlane v3, v0;
	_ =	sdelay $0x1  }
0x1e8: {  	v4 =	vadd.s32 v1, v4;
	_ =	sdelay $0x3  }
0x1e9: {  	s20 =	simm.s32 $0xD000;
	v3 =	vperm.xlane v3, v2  }
0x1ea: {  	[tilespmem:s20], [sflag:$0x3] =	stream.indirect_vreg.gather [hbm4b:s2+s3], $0x80, v4, vm0, $0xb8;
	[tilespmem:$0x19000] =	vst v63  }
0x1eb: {  	v3 =	vadd.s32 v1, v3  }
0x1ec: {  	[tilespmem:s29], [sflag:$0x3] =	stream.indirect_vreg.gather [hbm4b:s5+s3], $0x80, v4, vm0, $0xb8;
	[tilespmem:$0x19000] =	vst v63  }
0x1ed: {  	_ = 	snop  }
0x1ee: {  	[tilespmem:s30], [sflag:$0x3] =	stream.indirect_vreg.gather [hbm4b:s6+s3], $0x80, v4, vm0, $0xb8;
	[tilespmem:$0x19000] =	vst v63  }
0x1ef: {  	_ = 	snop  }
0x1f0: {  	[tilespmem:s31], [sflag:$0x3] =	stream.indirect_vreg.gather [hbm4b:s2+s3], $0x80, v3, vm0, $0xb8;
	[tilespmem:$0x19000] =	vst v63  }
0x1f1: {  	s30 =	simm.s32 $0xF000  }
0x1f2: {  	[tilespmem:s30], [sflag:$0x3] =	stream.indirect_vreg.gather [hbm4b:s5+s3], $0x80, v3, vm0, $0xb8;
	[tilespmem:$0x19000] =	vst v63  }
0x1f3: {  	s31 =	simm.s32 $0xF800  }
0x1f4: {  	[tilespmem:s31], [sflag:$0x3] =	stream.indirect_vreg.gather [hbm4b:s6+s3], $0x80, v3, vm0, $0xb8;
	[tilespmem:$0x19000] =	vst v63  }
0x1f5: {  	v3 =	vld [tilespmem:$0x510];
	_ =	sdelay $0x4  }
0x1f6: {  	v21 =	vshrl.u32 v3, $0x3  }
0x1f7: {  	v4 =	vmul.u32 $0x30, v21  }
0x1f8: {  	v3 =	vand.u32 $0x7, v3  }
0x1f9: {  	v3 =	vor.u32 v3, v4  }
0x1fa: {  	v4 =	vperm.xlane v3, v0;
	_ =	sdelay $0x1  }
0x1fb: {  	v4 =	vadd.s32 v1, v4;
	_ =	sdelay $0x3  }
0x1fc: {  	s17 =	simm.s32 $0x10000;
	v3 =	vperm.xlane v3, v2  }
0x1fd: {  	[tilespmem:s17], [sflag:$0x3] =	stream.indirect_vreg.gather [hbm4b:s2+s3], $0x80, v4, vm0, $0xb8;
	[tilespmem:$0x19000] =	vst v63  }
0x1fe: {  	s18 =	simm.s32 $0x10800;
	v3 =	vadd.s32 v1, v3  }
0x1ff: {  	[tilespmem:s18], [sflag:$0x3] =	stream.indirect_vreg.gather [hbm4b:s5+s3], $0x80, v4, vm0, $0xb8;
	[tilespmem:$0x19000] =	vst v63  }
0x200: {  	_ = 	snop  }
0x201: {  	[tilespmem:s9], [sflag:$0x3] =	stream.indirect_vreg.gather [hbm4b:s6+s3], $0x80, v4, vm0, $0xb8;
	[tilespmem:$0x19000] =	vst v63  }
0x202: {  	s24 =	simm.s32 $0x11800  }
0x203: {  	[tilespmem:s24], [sflag:$0x3] =	stream.indirect_vreg.gather [hbm4b:s2+s3], $0x80, v3, vm0, $0xb8;
	[tilespmem:$0x19000] =	vst v63  }
0x204: {  	s25 =	simm.s32 $0x12000  }
0x205: {  	[tilespmem:s25], [sflag:$0x3] =	stream.indirect_vreg.gather [hbm4b:s5+s3], $0x80, v3, vm0, $0xb8;
	[tilespmem:$0x19000] =	vst v63  }
0x206: {  	s29 =	simm.s32 $0x12800  }
0x207: {  	[tilespmem:s29], [sflag:$0x3] =	stream.indirect_vreg.gather [hbm4b:s6+s3], $0x80, v3, vm0, $0xb8;
	[tilespmem:$0x19000] =	vst v63  }
0x208: {  	_ =	swait.ge [sflag:s8], $0x6000  }
0x209: {  	[sflag:s8] =	ssyncset.done $0x0  }
0x20a: {  	s30 =	rddreg [dreg:$0xc];
	[sflag:s8] =	ssyncadd.s32 $0xFFFFA000  }
0x20b: {  	[hbm4b:s30+s3] =	stream.linear.scatter [tilespmem:s4], [sflag:$0x5], $0x6000, $0x38;
	[tilespmem:$0x19000] =	vst v63  }
0x20c: {  	_ =	swait.ge [sflag:s16], $0x6000  }
0x20d: {  	[sflag:s16] =	ssyncset.done $0x0  }
0x20e: {  	[sflag:s16] =	ssyncadd.s32 $0xFFFFA000  }
0x20f: {  	v3 =	vld [tilespmem:$0x580];
	_ =	sdelay $0x4  }
0x210: {  	v22 =	vshrl.u32 v3, $0x3  }
0x211: {  	v4 =	vmul.u32 $0x30, v22  }
0x212: {  	v3 =	vand.u32 $0x7, v3  }
0x213: {  	v3 =	vor.u32 v3, v4  }
0x214: {  	v4 =	vperm.xlane v3, v0;
	_ =	sdelay $0x1  }
0x215: {  	v4 =	vadd.s32 v1, v4;
	_ =	sdelay $0x3  }
0x216: {  	s23 =	simm.s32 $0x13000;
	v3 =	vperm.xlane v3, v2  }
0x217: {  	[tilespmem:s23], [sflag:$0x4] =	stream.indirect_vreg.gather [hbm4b:s2+s3], $0x80, v4, vm0, $0xb8;
	[tilespmem:$0x19000] =	vst v63  }
0x218: {  	s31 =	simm.s32 $0x13800;
	v3 =	vadd.s32 v1, v3  }
0x219: {  	[tilespmem:s31], [sflag:$0x4] =	stream.indirect_vreg.gather [hbm4b:s5+s3], $0x80, v4, vm0, $0xb8;
	[tilespmem:$0x19000] =	vst v63  }
0x21a: {  	s4 =	simm.s32 $0x14000  }
0x21b: {  	[tilespmem:s4], [sflag:$0x4] =	stream.indirect_vreg.gather [hbm4b:s6+s3], $0x80, v4, vm0, $0xb8;
	[tilespmem:$0x19000] =	vst v63  }
0x21c: {  	s9 =	simm.s32 $0x14800  }
0x21d: {  	[tilespmem:s9], [sflag:$0x4] =	stream.indirect_vreg.gather [hbm4b:s2+s3], $0x80, v3, vm0, $0xb8;
	[tilespmem:$0x19000] =	vst v63  }
0x21e: {  	s17 =	simm.s32 $0x15000  }
0x21f: {  	[tilespmem:s17], [sflag:$0x4] =	stream.indirect_vreg.gather [hbm4b:s5+s3], $0x80, v3, vm0, $0xb8;
	[tilespmem:$0x19000] =	vst v63  }
0x220: {  	s18 =	simm.s32 $0x15800  }
0x221: {  	[tilespmem:s18], [sflag:$0x4] =	stream.indirect_vreg.gather [hbm4b:s6+s3], $0x80, v3, vm0, $0xb8;
	[tilespmem:$0x19000] =	vst v63  }
0x222: {  	v3 =	vld [tilespmem:$0x590];
	_ =	sdelay $0x4  }
0x223: {  	v23 =	vshrl.u32 v3, $0x3  }
0x224: {  	v4 =	vmul.u32 $0x30, v23  }
0x225: {  	v3 =	vand.u32 $0x7, v3  }
0x226: {  	v3 =	vor.u32 v3, v4  }
0x227: {  	v4 =	vperm.xlane v3, v0;
	_ =	sdelay $0x1  }
0x228: {  	v4 =	vadd.s32 v1, v4;
	_ =	sdelay $0x3  }
0x229: {  	s29 =	simm.s32 $0x16000;
	v3 =	vperm.xlane v3, v2  }
0x22a: {  	[tilespmem:s29], [sflag:$0x4] =	stream.indirect_vreg.gather [hbm4b:s2+s3], $0x80, v4, vm0, $0xb8;
	[tilespmem:$0x19000] =	vst v63  }
0x22b: {  	s25 =	simm.s32 $0x16800;
	v3 =	vadd.s32 v1, v3  }
0x22c: {  	[tilespmem:s25], [sflag:$0x4] =	stream.indirect_vreg.gather [hbm4b:s5+s3], $0x80, v4, vm0, $0xb8;
	[tilespmem:$0x19000] =	vst v63  }
0x22d: {  	s30 =	simm.s32 $0x17000  }
0x22e: {  	[tilespmem:s30], [sflag:$0x4] =	stream.indirect_vreg.gather [hbm4b:s6+s3], $0x80, v4, vm0, $0xb8;
	[tilespmem:$0x19000] =	vst v63  }
0x22f: {  	s31 =	simm.s32 $0x17800  }
0x230: {  	[tilespmem:s31], [sflag:$0x4] =	stream.indirect_vreg.gather [hbm4b:s2+s3], $0x80, v3, vm0, $0xb8;
	[tilespmem:$0x19000] =	vst v63  }
0x231: {  	s25 =	simm.s32 $0x18000  }
0x232: {  	[tilespmem:s25], [sflag:$0x4] =	stream.indirect_vreg.gather [hbm4b:s5+s3], $0x80, v3, vm0, $0xb8;
	[tilespmem:$0x19000] =	vst v63  }
0x233: {  	s30 =	simm.s32 $0x18800  }
0x234: {  	[tilespmem:s30], [sflag:$0x4] =	stream.indirect_vreg.gather [hbm4b:s6+s3], $0x80, v3, vm0, $0xb8;
	[tilespmem:$0x19000] =	vst v63  }
0x235: {  	_ =	swait.ge [sflag:s10], $0x6000  }
0x236: {  	[sflag:s10] =	ssyncset.done $0x0  }
0x237: {  	s0 =	rddreg [dreg:$0xd];
	[sflag:s10] =	ssyncadd.s32 $0xFFFFA000  }
0x238: {  	[hbm4b:s0+s3] =	stream.linear.scatter [tilespmem:s1], [sflag:$0x6], $0x6000, $0x38;
	[tilespmem:$0x19000] =	vst v63  }
0x239: {  	_ =	swait.ge [sflag:s11], $0x6000  }
0x23a: {  	[sflag:s11] =	ssyncset.done $0x0  }
0x23b: {  	[sflag:s11] =	ssyncadd.s32 $0xFFFFA000  }
0x23c: {  	v3 =	vld [tilespmem:$0x600];
	_ =	sdelay $0x4  }
0x23d: {  	v24 =	vshrl.u32 v3, $0x3  }
0x23e: {  	v4 =	vmul.u32 $0x30, v24  }
0x23f: {  	v3 =	vand.u32 $0x7, v3  }
0x240: {  	v3 =	vor.u32 v3, v4  }
0x241: {  	v4 =	vperm.xlane v3, v0;
	_ =	sdelay $0x1  }
0x242: {  	v4 =	vadd.s32 v1, v4;
	_ =	sdelay $0x3  }
0x243: {  	s24 =	simm.s32 $0x1000;
	v3 =	vperm.xlane v3, v2  }
0x244: {  	[tilespmem:s24], [sflag:$0x1] =	stream.indirect_vreg.gather [hbm4b:s2+s3], $0x80, v4, vm0, $0xb8;
	[tilespmem:$0x19000] =	vst v63  }
0x245: {  	s1 =	simm.s32 $0x1800;
	v3 =	vadd.s32 v1, v3  }
0x246: {  	[tilespmem:s1], [sflag:$0x1] =	stream.indirect_vreg.gather [hbm4b:s5+s3], $0x80, v4, vm0, $0xb8;
	[tilespmem:$0x19000] =	vst v63  }
0x247: {  	s4 =	simm.s32 $0x2000  }
0x248: {  	[tilespmem:s4], [sflag:$0x1] =	stream.indirect_vreg.gather [hbm4b:s6+s3], $0x80, v4, vm0, $0xb8;
	[tilespmem:$0x19000] =	vst v63  }
0x249: {  	s0 =	simm.s32 $0x2800  }
0x24a: {  	[tilespmem:s0], [sflag:$0x1] =	stream.indirect_vreg.gather [hbm4b:s2+s3], $0x80, v3, vm0, $0xb8;
	[tilespmem:$0x19000] =	vst v63  }
0x24b: {  	s4 =	simm.s32 $0x3000  }
0x24c: {  	[tilespmem:s4], [sflag:$0x1] =	stream.indirect_vreg.gather [hbm4b:s5+s3], $0x80, v3, vm0, $0xb8;
	[tilespmem:$0x19000] =	vst v63  }
0x24d: {  	_ = 	snop  }
0x24e: {  	[tilespmem:s7], [sflag:$0x1] =	stream.indirect_vreg.gather [hbm4b:s6+s3], $0x80, v3, vm0, $0xb8;
	[tilespmem:$0x19000] =	vst v63  }
0x24f: {  	v3 =	vld [tilespmem:$0x610];
	_ =	sdelay $0x4  }
0x250: {  	v25 =	vshrl.u32 v3, $0x3  }
0x251: {  	v4 =	vmul.u32 $0x30, v25  }
0x252: {  	v3 =	vand.u32 $0x7, v3  }
0x253: {  	v3 =	vor.u32 v3, v4  }
0x254: {  	v4 =	vperm.xlane v3, v0;
	_ =	sdelay $0x1  }
0x255: {  	v4 =	vadd.s32 v1, v4;
	_ =	sdelay $0x3  }
0x256: {  	s18 =	simm.s32 $0x4000;
	v3 =	vperm.xlane v3, v2  }
0x257: {  	[tilespmem:s18], [sflag:$0x1] =	stream.indirect_vreg.gather [hbm4b:s2+s3], $0x80, v4, vm0, $0xb8;
	[tilespmem:$0x19000] =	vst v63  }
0x258: {  	s9 =	simm.s32 $0x4800;
	v3 =	vadd.s32 v1, v3  }
0x259: {  	[tilespmem:s9], [sflag:$0x1] =	stream.indirect_vreg.gather [hbm4b:s5+s3], $0x80, v4, vm0, $0xb8;
	[tilespmem:$0x19000] =	vst v63  }
0x25a: {  	_ = 	snop  }
0x25b: {  	[tilespmem:s19], [sflag:$0x1] =	stream.indirect_vreg.gather [hbm4b:s6+s3], $0x80, v4, vm0, $0xb8;
	[tilespmem:$0x19000] =	vst v63  }
0x25c: {  	_ = 	snop  }
0x25d: {  	[tilespmem:s26], [sflag:$0x1] =	stream.indirect_vreg.gather [hbm4b:s2+s3], $0x80, v3, vm0, $0xb8;
	[tilespmem:$0x19000] =	vst v63  }
0x25e: {  	s19 =	simm.s32 $0x6000  }
0x25f: {  	[tilespmem:s19], [sflag:$0x1] =	stream.indirect_vreg.gather [hbm4b:s5+s3], $0x80, v3, vm0, $0xb8;
	[tilespmem:$0x19000] =	vst v63  }
0x260: {  	s26 =	simm.s32 $0x6800  }
0x261: {  	[tilespmem:s26], [sflag:$0x1] =	stream.indirect_vreg.gather [hbm4b:s6+s3], $0x80, v3, vm0, $0xb8;
	[tilespmem:$0x19000] =	vst v63  }
0x262: {  	_ =	swait.ge [sflag:s12], $0x6000  }
0x263: {  	[sflag:s12] =	ssyncset.done $0x0  }
0x264: {  	s20 =	simm.s32 $0xD000;
	s7 =	rddreg [dreg:$0xe];
	[sflag:s12] =	ssyncadd.s32 $0xFFFFA000  }
0x265: {  	[hbm4b:s7+s3] =	stream.linear.scatter [tilespmem:s20], [sflag:$0x7], $0x6000, $0x38;
	[tilespmem:$0x19000] =	vst v63  }
0x266: {  	_ =	swait.ge [sflag:s13], $0x6000  }
0x267: {  	[sflag:s13] =	ssyncset.done $0x0  }
0x268: {  	[sflag:s13] =	ssyncadd.s32 $0xFFFFA000  }
0x269: {  	v3 =	vld [tilespmem:$0x680];
	_ =	sdelay $0x4  }
0x26a: {  	v26 =	vshrl.u32 v3, $0x3  }
0x26b: {  	v4 =	vmul.u32 $0x30, v26  }
0x26c: {  	v3 =	vand.u32 $0x7, v3  }
0x26d: {  	v3 =	vor.u32 v3, v4  }
0x26e: {  	v4 =	vperm.xlane v3, v0;
	_ =	sdelay $0x1  }
0x26f: {  	v4 =	vadd.s32 v1, v4;
	_ =	sdelay $0x3  }
0x270: {  	s31 =	simm.s32 $0x7000;
	v3 =	vperm.xlane v3, v2  }
0x271: {  	[tilespmem:s31], [sflag:$0x2] =	stream.indirect_vreg.gather [hbm4b:s2+s3], $0x80, v4, vm0, $0xb8;
	[tilespmem:$0x19000] =	vst v63  }
0x272: {  	v3 =	vadd.s32 v1, v3  }
0x273: {  	[tilespmem:s21], [sflag:$0x2] =	stream.indirect_vreg.gather [hbm4b:s5+s3], $0x80, v4, vm0, $0xb8;
	[tilespmem:$0x19000] =	vst v63  }
0x274: {  	_ = 	snop  }
0x275: {  	[tilespmem:s22], [sflag:$0x2] =	stream.indirect_vreg.gather [hbm4b:s6+s3], $0x80, v4, vm0, $0xb8;
	[tilespmem:$0x19000] =	vst v63  }
0x276: {  	_ = 	snop  }
0x277: {  	[tilespmem:s28], [sflag:$0x2] =	stream.indirect_vreg.gather [hbm4b:s2+s3], $0x80, v3, vm0, $0xb8;
	[tilespmem:$0x19000] =	vst v63  }
0x278: {  	s17 =	simm.s32 $0x9000  }
0x279: {  	[tilespmem:s17], [sflag:$0x2] =	stream.indirect_vreg.gather [hbm4b:s5+s3], $0x80, v3, vm0, $0xb8;
	[tilespmem:$0x19000] =	vst v63  }
0x27a: {  	s21 =	simm.s32 $0x9800  }
0x27b: {  	[tilespmem:s21], [sflag:$0x2] =	stream.indirect_vreg.gather [hbm4b:s6+s3], $0x80, v3, vm0, $0xb8;
	[tilespmem:$0x19000] =	vst v63  }
0x27c: {  	v3 =	vld [tilespmem:$0x690];
	_ =	sdelay $0x4  }
0x27d: {  	v27 =	vshrl.u32 v3, $0x3  }
0x27e: {  	v4 =	vmul.u32 $0x30, v27  }
0x27f: {  	v3 =	vand.u32 $0x7, v3  }
0x280: {  	v3 =	vor.u32 v3, v4  }
0x281: {  	v4 =	vperm.xlane v3, v0;
	_ =	sdelay $0x1  }
0x282: {  	v4 =	vadd.s32 v1, v4;
	_ =	sdelay $0x3  }
0x283: {  	s22 =	simm.s32 $0xA000;
	v3 =	vperm.xlane v3, v2  }
0x284: {  	[tilespmem:s22], [sflag:$0x2] =	stream.indirect_vreg.gather [hbm4b:s2+s3], $0x80, v4, vm0, $0xb8;
	[tilespmem:$0x19000] =	vst v63  }
0x285: {  	s7 =	simm.s32 $0xA800;
	v3 =	vadd.s32 v1, v3  }
0x286: {  	[tilespmem:s7], [sflag:$0x2] =	stream.indirect_vreg.gather [hbm4b:s5+s3], $0x80, v4, vm0, $0xb8;
	[tilespmem:$0x19000] =	vst v63  }
0x287: {  	s1 =	simm.s32 $0xB000  }
0x288: {  	[tilespmem:s1], [sflag:$0x2] =	stream.indirect_vreg.gather [hbm4b:s6+s3], $0x80, v4, vm0, $0xb8;
	[tilespmem:$0x19000] =	vst v63  }
0x289: {  	s7 =	simm.s32 $0xB800  }
0x28a: {  	[tilespmem:s7], [sflag:$0x2] =	stream.indirect_vreg.gather [hbm4b:s2+s3], $0x80, v3, vm0, $0xb8;
	[tilespmem:$0x19000] =	vst v63  }
0x28b: {  	s21 =	simm.s32 $0xC000  }
0x28c: {  	[tilespmem:s21], [sflag:$0x2] =	stream.indirect_vreg.gather [hbm4b:s5+s3], $0x80, v3, vm0, $0xb8;
	[tilespmem:$0x19000] =	vst v63  }
0x28d: {  	s22 =	simm.s32 $0xC800  }
0x28e: {  	[tilespmem:s22], [sflag:$0x2] =	stream.indirect_vreg.gather [hbm4b:s6+s3], $0x80, v3, vm0, $0xb8;
	[tilespmem:$0x19000] =	vst v63  }
0x28f: {  	_ =	swait.ge [sflag:s14], $0x6000  }
0x290: {  	[sflag:s14] =	ssyncset.done $0x0  }
0x291: {  	s17 =	rddreg [dreg:$0xf];
	[sflag:s14] =	ssyncadd.s32 $0xFFFFA000  }
0x292: {  	[hbm4b:s17+s3] =	stream.linear.scatter [tilespmem:s23], [sflag:$0x8], $0x6000, $0x38;
	[tilespmem:$0x19000] =	vst v63  }
0x293: {  	_ =	swait.ge [sflag:s15], $0x6000  }
0x294: {  	[sflag:s15] =	ssyncset.done $0x0  }
0x295: {  	[sflag:s15] =	ssyncadd.s32 $0xFFFFA000  }
0x296: {  	v3 =	vld [tilespmem:$0x700];
	_ =	sdelay $0x4  }
0x297: {  	v28 =	vshrl.u32 v3, $0x3  }
0x298: {  	v4 =	vmul.u32 $0x30, v28  }
0x299: {  	v3 =	vand.u32 $0x7, v3  }
0x29a: {  	v3 =	vor.u32 v3, v4  }
0x29b: {  	v4 =	vperm.xlane v3, v0;
	_ =	sdelay $0x1  }
0x29c: {  	v4 =	vadd.s32 v1, v4;
	_ =	sdelay $0x3  }
0x29d: {  	v3 =	vperm.xlane v3, v2  }
0x29e: {  	[tilespmem:s20], [sflag:$0x3] =	stream.indirect_vreg.gather [hbm4b:s2+s3], $0x80, v4, vm0, $0xb8;
	[tilespmem:$0x19000] =	vst v63  }
0x29f: {  	s17 =	simm.s32 $0xD800;
	v3 =	vadd.s32 v1, v3  }
0x2a0: {  	[tilespmem:s17], [sflag:$0x3] =	stream.indirect_vreg.gather [hbm4b:s5+s3], $0x80, v4, vm0, $0xb8;
	[tilespmem:$0x19000] =	vst v63  }
0x2a1: {  	s17 =	simm.s32 $0xE000  }
0x2a2: {  	[tilespmem:s17], [sflag:$0x3] =	stream.indirect_vreg.gather [hbm4b:s6+s3], $0x80, v4, vm0, $0xb8;
	[tilespmem:$0x19000] =	vst v63  }
0x2a3: {  	s17 =	simm.s32 $0xE800  }
0x2a4: {  	[tilespmem:s17], [sflag:$0x3] =	stream.indirect_vreg.gather [hbm4b:s2+s3], $0x80, v3, vm0, $0xb8;
	[tilespmem:$0x19000] =	vst v63  }
0x2a5: {  	s17 =	simm.s32 $0xF000  }
0x2a6: {  	[tilespmem:s17], [sflag:$0x3] =	stream.indirect_vreg.gather [hbm4b:s5+s3], $0x80, v3, vm0, $0xb8;
	[tilespmem:$0x19000] =	vst v63  }
0x2a7: {  	s17 =	simm.s32 $0xF800  }
0x2a8: {  	[tilespmem:s17], [sflag:$0x3] =	stream.indirect_vreg.gather [hbm4b:s6+s3], $0x80, v3, vm0, $0xb8;
	[tilespmem:$0x19000] =	vst v63  }
0x2a9: {  	v3 =	vld [tilespmem:$0x710];
	_ =	sdelay $0x4  }
0x2aa: {  	v29 =	vshrl.u32 v3, $0x3  }
0x2ab: {  	v4 =	vmul.u32 $0x30, v29  }
0x2ac: {  	v3 =	vand.u32 $0x7, v3  }
0x2ad: {  	v3 =	vor.u32 v3, v4  }
0x2ae: {  	v4 =	vperm.xlane v3, v0;
	_ =	sdelay $0x1  }
0x2af: {  	v4 =	vadd.s32 v1, v4;
	_ =	sdelay $0x3  }
0x2b0: {  	s17 =	simm.s32 $0x10000;
	v3 =	vperm.xlane v3, v2  }
0x2b1: {  	[tilespmem:s17], [sflag:$0x3] =	stream.indirect_vreg.gather [hbm4b:s2+s3], $0x80, v4, vm0, $0xb8;
	[tilespmem:$0x19000] =	vst v63  }
0x2b2: {  	v3 =	vadd.s32 v1, v3;
	s17 =	simm.s32 $0x10800  }
0x2b3: {  	[tilespmem:s17], [sflag:$0x3] =	stream.indirect_vreg.gather [hbm4b:s5+s3], $0x80, v4, vm0, $0xb8;
	[tilespmem:$0x19000] =	vst v63  }
0x2b4: {  	s17 =	simm.s32 $0x11000  }
0x2b5: {  	[tilespmem:s17], [sflag:$0x3] =	stream.indirect_vreg.gather [hbm4b:s6+s3], $0x80, v4, vm0, $0xb8;
	[tilespmem:$0x19000] =	vst v63  }
0x2b6: {  	s17 =	simm.s32 $0x11800  }
0x2b7: {  	[tilespmem:s17], [sflag:$0x3] =	stream.indirect_vreg.gather [hbm4b:s2+s3], $0x80, v3, vm0, $0xb8;
	[tilespmem:$0x19000] =	vst v63  }
0x2b8: {  	s17 =	simm.s32 $0x12000  }
0x2b9: {  	[tilespmem:s17], [sflag:$0x3] =	stream.indirect_vreg.gather [hbm4b:s5+s3], $0x80, v3, vm0, $0xb8;
	[tilespmem:$0x19000] =	vst v63  }
0x2ba: {  	s17 =	simm.s32 $0x12800  }
0x2bb: {  	[tilespmem:s17], [sflag:$0x3] =	stream.indirect_vreg.gather [hbm4b:s6+s3], $0x80, v3, vm0, $0xb8;
	[tilespmem:$0x19000] =	vst v63  }
0x2bc: {  	_ =	swait.ge [sflag:s8], $0x6000  }
0x2bd: {  	[sflag:s8] =	ssyncset.done $0x0  }
0x2be: {  	s17 =	rddreg [dreg:$0x10];
	[sflag:s8] =	ssyncadd.s32 $0xFFFFA000  }
0x2bf: {  	[hbm4b:s17+s3] =	stream.linear.scatter [tilespmem:s24], [sflag:$0x5], $0x6000, $0x38;
	[tilespmem:$0x19000] =	vst v63  }
0x2c0: {  	_ =	swait.ge [sflag:s16], $0x6000  }
0x2c1: {  	[sflag:s16] =	ssyncset.done $0x0  }
0x2c2: {  	[sflag:s16] =	ssyncadd.s32 $0xFFFFA000  }
0x2c3: {  	v3 =	vld [tilespmem:$0x780];
	_ =	sdelay $0x4  }
0x2c4: {  	v30 =	vshrl.u32 v3, $0x3  }
0x2c5: {  	v4 =	vmul.u32 $0x30, v30  }
0x2c6: {  	v3 =	vand.u32 $0x7, v3  }
0x2c7: {  	v3 =	vor.u32 v3, v4  }
0x2c8: {  	v4 =	vperm.xlane v3, v0;
	_ =	sdelay $0x1  }
0x2c9: {  	v4 =	vadd.s32 v1, v4;
	_ =	sdelay $0x3  }
0x2ca: {  	v3 =	vperm.xlane v3, v2  }
0x2cb: {  	[tilespmem:s23], [sflag:$0x4] =	stream.indirect_vreg.gather [hbm4b:s2+s3], $0x80, v4, vm0, $0xb8;
	[tilespmem:$0x19000] =	vst v63  }
0x2cc: {  	s17 =	simm.s32 $0x13800;
	v3 =	vadd.s32 v1, v3  }
0x2cd: {  	[tilespmem:s17], [sflag:$0x4] =	stream.indirect_vreg.gather [hbm4b:s5+s3], $0x80, v4, vm0, $0xb8;
	[tilespmem:$0x19000] =	vst v63  }
0x2ce: {  	s17 =	simm.s32 $0x14000  }
0x2cf: {  	[tilespmem:s17], [sflag:$0x4] =	stream.indirect_vreg.gather [hbm4b:s6+s3], $0x80, v4, vm0, $0xb8;
	[tilespmem:$0x19000] =	vst v63  }
0x2d0: {  	s17 =	simm.s32 $0x14800  }
0x2d1: {  	[tilespmem:s17], [sflag:$0x4] =	stream.indirect_vreg.gather [hbm4b:s2+s3], $0x80, v3, vm0, $0xb8;
	[tilespmem:$0x19000] =	vst v63  }
0x2d2: {  	s17 =	simm.s32 $0x15000  }
0x2d3: {  	[tilespmem:s17], [sflag:$0x4] =	stream.indirect_vreg.gather [hbm4b:s5+s3], $0x80, v3, vm0, $0xb8;
	[tilespmem:$0x19000] =	vst v63  }
0x2d4: {  	s17 =	simm.s32 $0x15800  }
0x2d5: {  	[tilespmem:s17], [sflag:$0x4] =	stream.indirect_vreg.gather [hbm4b:s6+s3], $0x80, v3, vm0, $0xb8;
	[tilespmem:$0x19000] =	vst v63  }
0x2d6: {  	v3 =	vld [tilespmem:$0x790];
	_ =	sdelay $0x4  }
0x2d7: {  	v31 =	vshrl.u32 v3, $0x3  }
0x2d8: {  	v4 =	vmul.u32 $0x30, v31  }
0x2d9: {  	v3 =	vand.u32 $0x7, v3  }
0x2da: {  	v3 =	vor.u32 v3, v4  }
0x2db: {  	v4 =	vperm.xlane v3, v0;
	_ =	sdelay $0x1  }
0x2dc: {  	v4 =	vadd.s32 v1, v4;
	_ =	sdelay $0x3  }
0x2dd: {  	v3 =	vperm.xlane v3, v2  }
0x2de: {  	[tilespmem:s29], [sflag:$0x4] =	stream.indirect_vreg.gather [hbm4b:s2+s3], $0x80, v4, vm0, $0xb8;
	[tilespmem:$0x19000] =	vst v63  }
0x2df: {  	s17 =	simm.s32 $0x16800;
	v3 =	vadd.s32 v1, v3  }
0x2e0: {  	[tilespmem:s17], [sflag:$0x4] =	stream.indirect_vreg.gather [hbm4b:s5+s3], $0x80, v4, vm0, $0xb8;
	[tilespmem:$0x19000] =	vst v63  }
0x2e1: {  	s17 =	simm.s32 $0x17000  }
0x2e2: {  	[tilespmem:s17], [sflag:$0x4] =	stream.indirect_vreg.gather [hbm4b:s6+s3], $0x80, v4, vm0, $0xb8;
	[tilespmem:$0x19000] =	vst v63  }
0x2e3: {  	s17 =	simm.s32 $0x17800  }
0x2e4: {  	[tilespmem:s17], [sflag:$0x4] =	stream.indirect_vreg.gather [hbm4b:s2+s3], $0x80, v3, vm0, $0xb8;
	[tilespmem:$0x19000] =	vst v63  }
0x2e5: {  	_ = 	snop  }
0x2e6: {  	[tilespmem:s25], [sflag:$0x4] =	stream.indirect_vreg.gather [hbm4b:s5+s3], $0x80, v3, vm0, $0xb8;
	[tilespmem:$0x19000] =	vst v63  }
0x2e7: {  	_ = 	snop  }
0x2e8: {  	[tilespmem:s30], [sflag:$0x4] =	stream.indirect_vreg.gather [hbm4b:s6+s3], $0x80, v3, vm0, $0xb8;
	[tilespmem:$0x19000] =	vst v63  }
0x2e9: {  	_ =	swait.ge [sflag:s10], $0x6000  }
0x2ea: {  	[sflag:s10] =	ssyncset.done $0x0  }
0x2eb: {  	s17 =	rddreg [dreg:$0x11];
	[sflag:s10] =	ssyncadd.s32 $0xFFFFA000  }
0x2ec: {  	[hbm4b:s17+s3] =	stream.linear.scatter [tilespmem:s31], [sflag:$0x6], $0x6000, $0x38;
	[tilespmem:$0x19000] =	vst v63  }
0x2ed: {  	_ =	swait.ge [sflag:s11], $0x6000  }
0x2ee: {  	[sflag:s11] =	ssyncset.done $0x0  }
0x2ef: {  	[sflag:s11] =	ssyncadd.s32 $0xFFFFA000  }
0x2f0: {  	v3 =	vld [tilespmem:$0x800];
	_ =	sdelay $0x4  }
0x2f1: {  	v32 =	vshrl.u32 v3, $0x3  }
0x2f2: {  	v4 =	vmul.u32 $0x30, v32  }
0x2f3: {  	v3 =	vand.u32 $0x7, v3  }
0x2f4: {  	v3 =	vor.u32 v3, v4  }
0x2f5: {  	v4 =	vperm.xlane v3, v0;
	_ =	sdelay $0x1  }
0x2f6: {  	v4 =	vadd.s32 v1, v4;
	_ =	sdelay $0x3  }
0x2f7: {  	v3 =	vperm.xlane v3, v2  }
0x2f8: {  	[tilespmem:s24], [sflag:$0x1] =	stream.indirect_vreg.gather [hbm4b:s2+s3], $0x80, v4, vm0, $0xb8;
	[tilespmem:$0x19000] =	vst v63  }
0x2f9: {  	s17 =	simm.s32 $0x1800;
	v3 =	vadd.s32 v1, v3  }
0x2fa: {  	[tilespmem:s17], [sflag:$0x1] =	stream.indirect_vreg.gather [hbm4b:s5+s3], $0x80, v4, vm0, $0xb8;
	[tilespmem:$0x19000] =	vst v63  }
0x2fb: {  	s17 =	simm.s32 $0x2000  }
0x2fc: {  	[tilespmem:s17], [sflag:$0x1] =	stream.indirect_vreg.gather [hbm4b:s6+s3], $0x80, v4, vm0, $0xb8;
	[tilespmem:$0x19000] =	vst v63  }
0x2fd: {  	_ = 	snop  }
0x2fe: {  	[tilespmem:s0], [sflag:$0x1] =	stream.indirect_vreg.gather [hbm4b:s2+s3], $0x80, v3, vm0, $0xb8;
	[tilespmem:$0x19000] =	vst v63  }
0x2ff: {  	_ = 	snop  }
0x300: {  	[tilespmem:s4], [sflag:$0x1] =	stream.indirect_vreg.gather [hbm4b:s5+s3], $0x80, v3, vm0, $0xb8;
	[tilespmem:$0x19000] =	vst v63  }
0x301: {  	s17 =	simm.s32 $0x3800  }
0x302: {  	[tilespmem:s17], [sflag:$0x1] =	stream.indirect_vreg.gather [hbm4b:s6+s3], $0x80, v3, vm0, $0xb8;
	[tilespmem:$0x19000] =	vst v63  }
0x303: {  	v3 =	vld [tilespmem:$0x810];
	_ =	sdelay $0x4  }
0x304: {  	v33 =	vshrl.u32 v3, $0x3  }
0x305: {  	v4 =	vmul.u32 $0x30, v33  }
0x306: {  	v3 =	vand.u32 $0x7, v3  }
0x307: {  	v3 =	vor.u32 v3, v4  }
0x308: {  	v4 =	vperm.xlane v3, v0;
	_ =	sdelay $0x1  }
0x309: {  	v4 =	vadd.s32 v1, v4;
	_ =	sdelay $0x3  }
0x30a: {  	v3 =	vperm.xlane v3, v2  }
0x30b: {  	[tilespmem:s18], [sflag:$0x1] =	stream.indirect_vreg.gather [hbm4b:s2+s3], $0x80, v4, vm0, $0xb8;
	[tilespmem:$0x19000] =	vst v63  }
0x30c: {  	v3 =	vadd.s32 v1, v3  }
0x30d: {  	[tilespmem:s9], [sflag:$0x1] =	stream.indirect_vreg.gather [hbm4b:s5+s3], $0x80, v4, vm0, $0xb8;
	[tilespmem:$0x19000] =	vst v63  }
0x30e: {  	s18 =	simm.s32 $0x5000  }
0x30f: {  	[tilespmem:s18], [sflag:$0x1] =	stream.indirect_vreg.gather [hbm4b:s6+s3], $0x80, v4, vm0, $0xb8;
	[tilespmem:$0x19000] =	vst v63  }
0x310: {  	s4 =	simm.s32 $0x5800  }
0x311: {  	[tilespmem:s4], [sflag:$0x1] =	stream.indirect_vreg.gather [hbm4b:s2+s3], $0x80, v3, vm0, $0xb8;
	[tilespmem:$0x19000] =	vst v63  }
0x312: {  	_ = 	snop  }
0x313: {  	[tilespmem:s19], [sflag:$0x1] =	stream.indirect_vreg.gather [hbm4b:s5+s3], $0x80, v3, vm0, $0xb8;
	[tilespmem:$0x19000] =	vst v63  }
0x314: {  	_ = 	snop  }
0x315: {  	[tilespmem:s26], [sflag:$0x1] =	stream.indirect_vreg.gather [hbm4b:s6+s3], $0x80, v3, vm0, $0xb8;
	[tilespmem:$0x19000] =	vst v63  }
0x316: {  	_ =	swait.ge [sflag:s12], $0x6000  }
0x317: {  	[sflag:s12] =	ssyncset.done $0x0  }
0x318: {  	s9 =	rddreg [dreg:$0x12];
	[sflag:s12] =	ssyncadd.s32 $0xFFFFA000  }
0x319: {  	[hbm4b:s9+s3] =	stream.linear.scatter [tilespmem:s20], [sflag:$0x7], $0x6000, $0x38;
	[tilespmem:$0x19000] =	vst v63  }
0x31a: {  	_ =	swait.ge [sflag:s13], $0x6000  }
0x31b: {  	[sflag:s13] =	ssyncset.done $0x0  }
0x31c: {  	[sflag:s13] =	ssyncadd.s32 $0xFFFFA000  }
0x31d: {  	v3 =	vld [tilespmem:$0x880];
	_ =	sdelay $0x4  }
0x31e: {  	v34 =	vshrl.u32 v3, $0x3  }
0x31f: {  	v4 =	vmul.u32 $0x30, v34  }
0x320: {  	v3 =	vand.u32 $0x7, v3  }
0x321: {  	v3 =	vor.u32 v3, v4  }
0x322: {  	v4 =	vperm.xlane v3, v0;
	_ =	sdelay $0x1  }
0x323: {  	v4 =	vadd.s32 v1, v4;
	_ =	sdelay $0x3  }
0x324: {  	v3 =	vperm.xlane v3, v2  }
0x325: {  	[tilespmem:s31], [sflag:$0x2] =	stream.indirect_vreg.gather [hbm4b:s2+s3], $0x80, v4, vm0, $0xb8;
	[tilespmem:$0x19000] =	vst v63  }
0x326: {  	s17 =	simm.s32 $0x7800;
	v3 =	vadd.s32 v1, v3  }
0x327: {  	[tilespmem:s17], [sflag:$0x2] =	stream.indirect_vreg.gather [hbm4b:s5+s3], $0x80, v4, vm0, $0xb8;
	[tilespmem:$0x19000] =	vst v63  }
0x328: {  	s18 =	simm.s32 $0x8000  }
0x329: {  	[tilespmem:s18], [sflag:$0x2] =	stream.indirect_vreg.gather [hbm4b:s6+s3], $0x80, v4, vm0, $0xb8;
	[tilespmem:$0x19000] =	vst v63  }
0x32a: {  	s28 =	simm.s32 $0x8800  }
0x32b: {  	[tilespmem:s28], [sflag:$0x2] =	stream.indirect_vreg.gather [hbm4b:s2+s3], $0x80, v3, vm0, $0xb8;
	[tilespmem:$0x19000] =	vst v63  }
0x32c: {  	s19 =	simm.s32 $0x9000  }
0x32d: {  	[tilespmem:s19], [sflag:$0x2] =	stream.indirect_vreg.gather [hbm4b:s5+s3], $0x80, v3, vm0, $0xb8;
	[tilespmem:$0x19000] =	vst v63  }
0x32e: {  	s26 =	simm.s32 $0x9800  }
0x32f: {  	[tilespmem:s26], [sflag:$0x2] =	stream.indirect_vreg.gather [hbm4b:s6+s3], $0x80, v3, vm0, $0xb8;
	[tilespmem:$0x19000] =	vst v63  }
0x330: {  	v3 =	vld [tilespmem:$0x890];
	_ =	sdelay $0x4  }
0x331: {  	v35 =	vshrl.u32 v3, $0x3  }
0x332: {  	v4 =	vmul.u32 $0x30, v35  }
0x333: {  	v3 =	vand.u32 $0x7, v3  }
0x334: {  	v3 =	vor.u32 v3, v4  }
0x335: {  	v4 =	vperm.xlane v3, v0;
	_ =	sdelay $0x1  }
0x336: {  	v4 =	vadd.s32 v1, v4;
	_ =	sdelay $0x3  }
0x337: {  	s28 =	simm.s32 $0xA000;
	v3 =	vperm.xlane v3, v2  }
0x338: {  	[tilespmem:s28], [sflag:$0x2] =	stream.indirect_vreg.gather [hbm4b:s2+s3], $0x80, v4, vm0, $0xb8;
	[tilespmem:$0x19000] =	vst v63  }
0x339: {  	s4 =	simm.s32 $0xA800;
	v3 =	vadd.s32 v1, v3  }
0x33a: {  	[tilespmem:s4], [sflag:$0x2] =	stream.indirect_vreg.gather [hbm4b:s5+s3], $0x80, v4, vm0, $0xb8;
	[tilespmem:$0x19000] =	vst v63  }
0x33b: {  	_ = 	snop  }
0x33c: {  	[tilespmem:s1], [sflag:$0x2] =	stream.indirect_vreg.gather [hbm4b:s6+s3], $0x80, v4, vm0, $0xb8;
	[tilespmem:$0x19000] =	vst v63  }
0x33d: {  	_ = 	snop  }
0x33e: {  	[tilespmem:s7], [sflag:$0x2] =	stream.indirect_vreg.gather [hbm4b:s2+s3], $0x80, v3, vm0, $0xb8;
	[tilespmem:$0x19000] =	vst v63  }
0x33f: {  	_ = 	snop  }
0x340: {  	[tilespmem:s21], [sflag:$0x2] =	stream.indirect_vreg.gather [hbm4b:s5+s3], $0x80, v3, vm0, $0xb8;
	[tilespmem:$0x19000] =	vst v63  }
0x341: {  	_ = 	snop  }
0x342: {  	[tilespmem:s22], [sflag:$0x2] =	stream.indirect_vreg.gather [hbm4b:s6+s3], $0x80, v3, vm0, $0xb8;
	[tilespmem:$0x19000] =	vst v63  }
0x343: {  	_ =	swait.ge [sflag:s14], $0x6000  }
0x344: {  	[sflag:s14] =	ssyncset.done $0x0  }
0x345: {  	s7 =	rddreg [dreg:$0x13];
	[sflag:s14] =	ssyncadd.s32 $0xFFFFA000  }
0x346: {  	[hbm4b:s7+s3] =	stream.linear.scatter [tilespmem:s23], [sflag:$0x8], $0x6000, $0x38;
	[tilespmem:$0x19000] =	vst v63  }
0x347: {  	_ =	swait.ge [sflag:s15], $0x6000  }
0x348: {  	[sflag:s15] =	ssyncset.done $0x0  }
0x349: {  	[sflag:s15] =	ssyncadd.s32 $0xFFFFA000  }
0x34a: {  	v3 =	vld [tilespmem:$0x900];
	_ =	sdelay $0x4  }
0x34b: {  	v36 =	vshrl.u32 v3, $0x3  }
0x34c: {  	v4 =	vmul.u32 $0x30, v36  }
0x34d: {  	v3 =	vand.u32 $0x7, v3  }
0x34e: {  	v3 =	vor.u32 v3, v4  }
0x34f: {  	v4 =	vperm.xlane v3, v0;
	_ =	sdelay $0x1  }
0x350: {  	v4 =	vadd.s32 v1, v4;
	_ =	sdelay $0x3  }
0x351: {  	v3 =	vperm.xlane v3, v2  }
0x352: {  	[tilespmem:s20], [sflag:$0x3] =	stream.indirect_vreg.gather [hbm4b:s2+s3], $0x80, v4, vm0, $0xb8;
	[tilespmem:$0x19000] =	vst v63  }
0x353: {  	s9 =	simm.s32 $0xD800;
	v3 =	vadd.s32 v1, v3  }
0x354: {  	[tilespmem:s9], [sflag:$0x3] =	stream.indirect_vreg.gather [hbm4b:s5+s3], $0x80, v4, vm0, $0xb8;
	[tilespmem:$0x19000] =	vst v63  }
0x355: {  	s17 =	simm.s32 $0xE000  }
0x356: {  	[tilespmem:s17], [sflag:$0x3] =	stream.indirect_vreg.gather [hbm4b:s6+s3], $0x80, v4, vm0, $0xb8;
	[tilespmem:$0x19000] =	vst v63  }
0x357: {  	s18 =	simm.s32 $0xE800  }
0x358: {  	[tilespmem:s18], [sflag:$0x3] =	stream.indirect_vreg.gather [hbm4b:s2+s3], $0x80, v3, vm0, $0xb8;
	[tilespmem:$0x19000] =	vst v63  }
0x359: {  	s19 =	simm.s32 $0xF000  }
0x35a: {  	[tilespmem:s19], [sflag:$0x3] =	stream.indirect_vreg.gather [hbm4b:s5+s3], $0x80, v3, vm0, $0xb8;
	[tilespmem:$0x19000] =	vst v63  }
0x35b: {  	s21 =	simm.s32 $0xF800  }
0x35c: {  	[tilespmem:s21], [sflag:$0x3] =	stream.indirect_vreg.gather [hbm4b:s6+s3], $0x80, v3, vm0, $0xb8;
	[tilespmem:$0x19000] =	vst v63  }
0x35d: {  	v3 =	vld [tilespmem:$0x910];
	_ =	sdelay $0x4  }
0x35e: {  	v37 =	vshrl.u32 v3, $0x3  }
0x35f: {  	v4 =	vmul.u32 $0x30, v37  }
0x360: {  	v3 =	vand.u32 $0x7, v3  }
0x361: {  	v3 =	vor.u32 v3, v4  }
0x362: {  	v4 =	vperm.xlane v3, v0;
	_ =	sdelay $0x1  }
0x363: {  	v4 =	vadd.s32 v1, v4;
	_ =	sdelay $0x3  }
0x364: {  	s22 =	simm.s32 $0x10000;
	v3 =	vperm.xlane v3, v2  }
0x365: {  	[tilespmem:s22], [sflag:$0x3] =	stream.indirect_vreg.gather [hbm4b:s2+s3], $0x80, v4, vm0, $0xb8;
	[tilespmem:$0x19000] =	vst v63  }
0x366: {  	s28 =	simm.s32 $0x10800;
	v3 =	vadd.s32 v1, v3  }
0x367: {  	[tilespmem:s28], [sflag:$0x3] =	stream.indirect_vreg.gather [hbm4b:s5+s3], $0x80, v4, vm0, $0xb8;
	[tilespmem:$0x19000] =	vst v63  }
0x368: {  	s4 =	simm.s32 $0x11000  }
0x369: {  	[tilespmem:s4], [sflag:$0x3] =	stream.indirect_vreg.gather [hbm4b:s6+s3], $0x80, v4, vm0, $0xb8;
	[tilespmem:$0x19000] =	vst v63  }
0x36a: {  	s7 =	simm.s32 $0x11800  }
0x36b: {  	[tilespmem:s7], [sflag:$0x3] =	stream.indirect_vreg.gather [hbm4b:s2+s3], $0x80, v3, vm0, $0xb8;
	[tilespmem:$0x19000] =	vst v63  }
0x36c: {  	s9 =	simm.s32 $0x12000  }
0x36d: {  	[tilespmem:s9], [sflag:$0x3] =	stream.indirect_vreg.gather [hbm4b:s5+s3], $0x80, v3, vm0, $0xb8;
	[tilespmem:$0x19000] =	vst v63  }
0x36e: {  	s17 =	simm.s32 $0x12800  }
0x36f: {  	[tilespmem:s17], [sflag:$0x3] =	stream.indirect_vreg.gather [hbm4b:s6+s3], $0x80, v3, vm0, $0xb8;
	[tilespmem:$0x19000] =	vst v63  }
0x370: {  	_ =	swait.ge [sflag:s8], $0x6000  }
0x371: {  	[sflag:s8] =	ssyncset.done $0x0  }
0x372: {  	s18 =	rddreg [dreg:$0x14];
	[sflag:s8] =	ssyncadd.s32 $0xFFFFA000  }
0x373: {  	[hbm4b:s18+s3] =	stream.linear.scatter [tilespmem:s24], [sflag:$0x5], $0x6000, $0x38;
	[tilespmem:$0x19000] =	vst v63  }
0x374: {  	_ =	swait.ge [sflag:s16], $0x6000  }
0x375: {  	[sflag:s16] =	ssyncset.done $0x0  }
0x376: {  	[sflag:s16] =	ssyncadd.s32 $0xFFFFA000  }
0x377: {  	v3 =	vld [tilespmem:$0x980];
	_ =	sdelay $0x4  }
0x378: {  	v38 =	vshrl.u32 v3, $0x3  }
0x379: {  	v4 =	vmul.u32 $0x30, v38  }
0x37a: {  	v3 =	vand.u32 $0x7, v3  }
0x37b: {  	v3 =	vor.u32 v3, v4  }
0x37c: {  	v4 =	vperm.xlane v3, v0;
	_ =	sdelay $0x1  }
0x37d: {  	v4 =	vadd.s32 v1, v4;
	_ =	sdelay $0x3  }
0x37e: {  	v3 =	vperm.xlane v3, v2  }
0x37f: {  	[tilespmem:s23], [sflag:$0x4] =	stream.indirect_vreg.gather [hbm4b:s2+s3], $0x80, v4, vm0, $0xb8;
	[tilespmem:$0x19000] =	vst v63  }
0x380: {  	s19 =	simm.s32 $0x13800;
	v3 =	vadd.s32 v1, v3  }
0x381: {  	[tilespmem:s19], [sflag:$0x4] =	stream.indirect_vreg.gather [hbm4b:s5+s3], $0x80, v4, vm0, $0xb8;
	[tilespmem:$0x19000] =	vst v63  }
0x382: {  	s21 =	simm.s32 $0x14000  }
0x383: {  	[tilespmem:s21], [sflag:$0x4] =	stream.indirect_vreg.gather [hbm4b:s6+s3], $0x80, v4, vm0, $0xb8;
	[tilespmem:$0x19000] =	vst v63  }
0x384: {  	s22 =	simm.s32 $0x14800  }
0x385: {  	[tilespmem:s22], [sflag:$0x4] =	stream.indirect_vreg.gather [hbm4b:s2+s3], $0x80, v3, vm0, $0xb8;
	[tilespmem:$0x19000] =	vst v63  }
0x386: {  	s28 =	simm.s32 $0x15000  }
0x387: {  	[tilespmem:s28], [sflag:$0x4] =	stream.indirect_vreg.gather [hbm4b:s5+s3], $0x80, v3, vm0, $0xb8;
	[tilespmem:$0x19000] =	vst v63  }
0x388: {  	s17 =	simm.s32 $0x15800  }
0x389: {  	[tilespmem:s17], [sflag:$0x4] =	stream.indirect_vreg.gather [hbm4b:s6+s3], $0x80, v3, vm0, $0xb8;
	[tilespmem:$0x19000] =	vst v63  }
0x38a: {  	v3 =	vld [tilespmem:$0x990];
	_ =	sdelay $0x4  }
0x38b: {  	v39 =	vshrl.u32 v3, $0x3  }
0x38c: {  	v4 =	vmul.u32 $0x30, v39  }
0x38d: {  	v3 =	vand.u32 $0x7, v3  }
0x38e: {  	v3 =	vor.u32 v3, v4  }
0x38f: {  	v4 =	vperm.xlane v3, v0;
	_ =	sdelay $0x1  }
0x390: {  	v4 =	vadd.s32 v1, v4;
	_ =	sdelay $0x3  }
0x391: {  	v3 =	vperm.xlane v3, v2  }
0x392: {  	[tilespmem:s29], [sflag:$0x4] =	stream.indirect_vreg.gather [hbm4b:s2+s3], $0x80, v4, vm0, $0xb8;
	[tilespmem:$0x19000] =	vst v63  }
0x393: {  	s19 =	simm.s32 $0x16800;
	v3 =	vadd.s32 v1, v3  }
0x394: {  	[tilespmem:s19], [sflag:$0x4] =	stream.indirect_vreg.gather [hbm4b:s5+s3], $0x80, v4, vm0, $0xb8;
	[tilespmem:$0x19000] =	vst v63  }
0x395: {  	s22 =	simm.s32 $0x17000  }
0x396: {  	[tilespmem:s22], [sflag:$0x4] =	stream.indirect_vreg.gather [hbm4b:s6+s3], $0x80, v4, vm0, $0xb8;
	[tilespmem:$0x19000] =	vst v63  }
0x397: {  	s29 =	simm.s32 $0x17800  }
0x398: {  	[tilespmem:s29], [sflag:$0x4] =	stream.indirect_vreg.gather [hbm4b:s2+s3], $0x80, v3, vm0, $0xb8;
	[tilespmem:$0x19000] =	vst v63  }
0x399: {  	_ = 	snop  }
0x39a: {  	[tilespmem:s25], [sflag:$0x4] =	stream.indirect_vreg.gather [hbm4b:s5+s3], $0x80, v3, vm0, $0xb8;
	[tilespmem:$0x19000] =	vst v63  }
0x39b: {  	_ = 	snop  }
0x39c: {  	[tilespmem:s30], [sflag:$0x4] =	stream.indirect_vreg.gather [hbm4b:s6+s3], $0x80, v3, vm0, $0xb8;
	[tilespmem:$0x19000] =	vst v63  }
0x39d: {  	_ =	swait.ge [sflag:s10], $0x6000  }
0x39e: {  	[sflag:s10] =	ssyncset.done $0x0  }
0x39f: {  	s30 =	rddreg [dreg:$0x15];
	[sflag:s10] =	ssyncadd.s32 $0xFFFFA000  }
0x3a0: {  	[hbm4b:s30+s3] =	stream.linear.scatter [tilespmem:s31], [sflag:$0x6], $0x6000, $0x38;
	[tilespmem:$0x19000] =	vst v63  }
0x3a1: {  	_ =	swait.ge [sflag:s11], $0x6000  }
0x3a2: {  	[sflag:s11] =	ssyncset.done $0x0  }
0x3a3: {  	[sflag:s11] =	ssyncadd.s32 $0xFFFFA000  }
0x3a4: {  	v3 =	vld [tilespmem:$0xA00];
	_ =	sdelay $0x4  }
0x3a5: {  	v40 =	vshrl.u32 v3, $0x3  }
0x3a6: {  	v4 =	vmul.u32 $0x30, v40  }
0x3a7: {  	v3 =	vand.u32 $0x7, v3  }
0x3a8: {  	v3 =	vor.u32 v3, v4  }
0x3a9: {  	v4 =	vperm.xlane v3, v0;
	_ =	sdelay $0x1  }
0x3aa: {  	v4 =	vadd.s32 v1, v4;
	_ =	sdelay $0x3  }
0x3ab: {  	v3 =	vperm.xlane v3, v2  }
0x3ac: {  	[tilespmem:s24], [sflag:$0x1] =	stream.indirect_vreg.gather [hbm4b:s2+s3], $0x80, v4, vm0, $0xb8;
	[tilespmem:$0x19000] =	vst v63  }
0x3ad: {  	s30 =	simm.s32 $0x1800;
	v3 =	vadd.s32 v1, v3  }
0x3ae: {  	[tilespmem:s30], [sflag:$0x1] =	stream.indirect_vreg.gather [hbm4b:s5+s3], $0x80, v4, vm0, $0xb8;
	[tilespmem:$0x19000] =	vst v63  }
0x3af: {  	s30 =	simm.s32 $0x2000  }
0x3b0: {  	[tilespmem:s30], [sflag:$0x1] =	stream.indirect_vreg.gather [hbm4b:s6+s3], $0x80, v4, vm0, $0xb8;
	[tilespmem:$0x19000] =	vst v63  }
0x3b1: {  	s30 =	simm.s32 $0x2800  }
0x3b2: {  	[tilespmem:s30], [sflag:$0x1] =	stream.indirect_vreg.gather [hbm4b:s2+s3], $0x80, v3, vm0, $0xb8;
	[tilespmem:$0x19000] =	vst v63  }
0x3b3: {  	s30 =	simm.s32 $0x3000  }
0x3b4: {  	[tilespmem:s30], [sflag:$0x1] =	stream.indirect_vreg.gather [hbm4b:s5+s3], $0x80, v3, vm0, $0xb8;
	[tilespmem:$0x19000] =	vst v63  }
0x3b5: {  	s30 =	simm.s32 $0x3800  }
0x3b6: {  	[tilespmem:s30], [sflag:$0x1] =	stream.indirect_vreg.gather [hbm4b:s6+s3], $0x80, v3, vm0, $0xb8;
	[tilespmem:$0x19000] =	vst v63  }
0x3b7: {  	v3 =	vld [tilespmem:$0xA10];
	_ =	sdelay $0x4  }
0x3b8: {  	v41 =	vshrl.u32 v3, $0x3  }
0x3b9: {  	v4 =	vmul.u32 $0x30, v41  }
0x3ba: {  	v3 =	vand.u32 $0x7, v3  }
0x3bb: {  	v3 =	vor.u32 v3, v4  }
0x3bc: {  	v4 =	vperm.xlane v3, v0;
	_ =	sdelay $0x1  }
0x3bd: {  	v4 =	vadd.s32 v1, v4;
	_ =	sdelay $0x3  }
0x3be: {  	s30 =	simm.s32 $0x4000;
	v3 =	vperm.xlane v3, v2  }
0x3bf: {  	[tilespmem:s30], [sflag:$0x1] =	stream.indirect_vreg.gather [hbm4b:s2+s3], $0x80, v4, vm0, $0xb8;
	[tilespmem:$0x19000] =	vst v63  }
0x3c0: {  	v3 =	vadd.s32 v1, v3;
	s30 =	simm.s32 $0x4800  }
0x3c1: {  	[tilespmem:s30], [sflag:$0x1] =	stream.indirect_vreg.gather [hbm4b:s5+s3], $0x80, v4, vm0, $0xb8;
	[tilespmem:$0x19000] =	vst v63  }
0x3c2: {  	s30 =	simm.s32 $0x5000  }
0x3c3: {  	[tilespmem:s30], [sflag:$0x1] =	stream.indirect_vreg.gather [hbm4b:s6+s3], $0x80, v4, vm0, $0xb8;
	[tilespmem:$0x19000] =	vst v63  }
0x3c4: {  	s30 =	simm.s32 $0x5800  }
0x3c5: {  	[tilespmem:s30], [sflag:$0x1] =	stream.indirect_vreg.gather [hbm4b:s2+s3], $0x80, v3, vm0, $0xb8;
	[tilespmem:$0x19000] =	vst v63  }
0x3c6: {  	s30 =	simm.s32 $0x6000  }
0x3c7: {  	[tilespmem:s30], [sflag:$0x1] =	stream.indirect_vreg.gather [hbm4b:s5+s3], $0x80, v3, vm0, $0xb8;
	[tilespmem:$0x19000] =	vst v63  }
0x3c8: {  	s30 =	simm.s32 $0x6800  }
0x3c9: {  	[tilespmem:s30], [sflag:$0x1] =	stream.indirect_vreg.gather [hbm4b:s6+s3], $0x80, v3, vm0, $0xb8;
	[tilespmem:$0x19000] =	vst v63  }
0x3ca: {  	_ =	swait.ge [sflag:s12], $0x6000  }
0x3cb: {  	[sflag:s12] =	ssyncset.done $0x0  }
0x3cc: {  	s30 =	rddreg [dreg:$0x16];
	[sflag:s12] =	ssyncadd.s32 $0xFFFFA000  }
0x3cd: {  	[hbm4b:s30+s3] =	stream.linear.scatter [tilespmem:s20], [sflag:$0x7], $0x6000, $0x38;
	[tilespmem:$0x19000] =	vst v63  }
0x3ce: {  	_ =	swait.ge [sflag:s13], $0x6000  }
0x3cf: {  	[sflag:s13] =	ssyncset.done $0x0  }
0x3d0: {  	[sflag:s13] =	ssyncadd.s32 $0xFFFFA000  }
0x3d1: {  	v3 =	vld [tilespmem:$0xA80];
	_ =	sdelay $0x4  }
0x3d2: {  	v42 =	vshrl.u32 v3, $0x3  }
0x3d3: {  	v4 =	vmul.u32 $0x30, v42  }
0x3d4: {  	v3 =	vand.u32 $0x7, v3  }
0x3d5: {  	v3 =	vor.u32 v3, v4  }
0x3d6: {  	v4 =	vperm.xlane v3, v0;
	_ =	sdelay $0x1  }
0x3d7: {  	v4 =	vadd.s32 v1, v4;
	_ =	sdelay $0x3  }
0x3d8: {  	v3 =	vperm.xlane v3, v2  }
0x3d9: {  	[tilespmem:s31], [sflag:$0x2] =	stream.indirect_vreg.gather [hbm4b:s2+s3], $0x80, v4, vm0, $0xb8;
	[tilespmem:$0x19000] =	vst v63  }
0x3da: {  	s30 =	simm.s32 $0x7800;
	v3 =	vadd.s32 v1, v3  }
0x3db: {  	[tilespmem:s30], [sflag:$0x2] =	stream.indirect_vreg.gather [hbm4b:s5+s3], $0x80, v4, vm0, $0xb8;
	[tilespmem:$0x19000] =	vst v63  }
0x3dc: {  	s30 =	simm.s32 $0x8000  }
0x3dd: {  	[tilespmem:s30], [sflag:$0x2] =	stream.indirect_vreg.gather [hbm4b:s6+s3], $0x80, v4, vm0, $0xb8;
	[tilespmem:$0x19000] =	vst v63  }
0x3de: {  	s30 =	simm.s32 $0x8800  }
0x3df: {  	[tilespmem:s30], [sflag:$0x2] =	stream.indirect_vreg.gather [hbm4b:s2+s3], $0x80, v3, vm0, $0xb8;
	[tilespmem:$0x19000] =	vst v63  }
0x3e0: {  	s30 =	simm.s32 $0x9000  }
0x3e1: {  	[tilespmem:s30], [sflag:$0x2] =	stream.indirect_vreg.gather [hbm4b:s5+s3], $0x80, v3, vm0, $0xb8;
	[tilespmem:$0x19000] =	vst v63  }
0x3e2: {  	s30 =	simm.s32 $0x9800  }
0x3e3: {  	[tilespmem:s30], [sflag:$0x2] =	stream.indirect_vreg.gather [hbm4b:s6+s3], $0x80, v3, vm0, $0xb8;
	[tilespmem:$0x19000] =	vst v63  }
0x3e4: {  	v3 =	vld [tilespmem:$0xA90];
	_ =	sdelay $0x4  }
0x3e5: {  	v43 =	vshrl.u32 v3, $0x3  }
0x3e6: {  	v4 =	vmul.u32 $0x30, v43  }
0x3e7: {  	v3 =	vand.u32 $0x7, v3  }
0x3e8: {  	v3 =	vor.u32 v3, v4  }
0x3e9: {  	v4 =	vperm.xlane v3, v0;
	_ =	sdelay $0x1  }
0x3ea: {  	v4 =	vadd.s32 v1, v4;
	_ =	sdelay $0x3  }
0x3eb: {  	s30 =	simm.s32 $0xA000;
	v3 =	vperm.xlane v3, v2  }
0x3ec: {  	[tilespmem:s30], [sflag:$0x2] =	stream.indirect_vreg.gather [hbm4b:s2+s3], $0x80, v4, vm0, $0xb8;
	[tilespmem:$0x19000] =	vst v63  }
0x3ed: {  	v3 =	vadd.s32 v1, v3;
	s30 =	simm.s32 $0xA800  }
0x3ee: {  	[tilespmem:s30], [sflag:$0x2] =	stream.indirect_vreg.gather [hbm4b:s5+s3], $0x80, v4, vm0, $0xb8;
	[tilespmem:$0x19000] =	vst v63  }
0x3ef: {  	s26 =	simm.s32 $0xB000  }
0x3f0: {  	[tilespmem:s26], [sflag:$0x2] =	stream.indirect_vreg.gather [hbm4b:s6+s3], $0x80, v4, vm0, $0xb8;
	[tilespmem:$0x19000] =	vst v63  }
0x3f1: {  	s30 =	simm.s32 $0xB800  }
0x3f2: {  	[tilespmem:s30], [sflag:$0x2] =	stream.indirect_vreg.gather [hbm4b:s2+s3], $0x80, v3, vm0, $0xb8;
	[tilespmem:$0x19000] =	vst v63  }
0x3f3: {  	s0 =	simm.s32 $0xC000  }
0x3f4: {  	[tilespmem:s0], [sflag:$0x2] =	stream.indirect_vreg.gather [hbm4b:s5+s3], $0x80, v3, vm0, $0xb8;
	[tilespmem:$0x19000] =	vst v63  }
0x3f5: {  	s30 =	simm.s32 $0xC800  }
0x3f6: {  	[tilespmem:s30], [sflag:$0x2] =	stream.indirect_vreg.gather [hbm4b:s6+s3], $0x80, v3, vm0, $0xb8;
	[tilespmem:$0x19000] =	vst v63  }
0x3f7: {  	_ =	swait.ge [sflag:s14], $0x6000  }
0x3f8: {  	[sflag:s14] =	ssyncset.done $0x0  }
0x3f9: {  	s0 =	rddreg [dreg:$0x17];
	[sflag:s14] =	ssyncadd.s32 $0xFFFFA000  }
0x3fa: {  	[hbm4b:s0+s3] =	stream.linear.scatter [tilespmem:s23], [sflag:$0x8], $0x6000, $0x38;
	[tilespmem:$0x19000] =	vst v63  }
0x3fb: {  	_ =	swait.ge [sflag:s15], $0x6000  }
0x3fc: {  	[sflag:s15] =	ssyncset.done $0x0  }
0x3fd: {  	[sflag:s15] =	ssyncadd.s32 $0xFFFFA000  }
0x3fe: {  	v3 =	vld [tilespmem:$0xB00];
	_ =	sdelay $0x4  }
0x3ff: {  	v44 =	vshrl.u32 v3, $0x3  }
0x400: {  	v4 =	vmul.u32 $0x30, v44  }
0x401: {  	v3 =	vand.u32 $0x7, v3  }
0x402: {  	v3 =	vor.u32 v3, v4  }
0x403: {  	v4 =	vperm.xlane v3, v0;
	_ =	sdelay $0x1  }
0x404: {  	v4 =	vadd.s32 v1, v4;
	_ =	sdelay $0x3  }
0x405: {  	v3 =	vperm.xlane v3, v2  }
0x406: {  	[tilespmem:s20], [sflag:$0x3] =	stream.indirect_vreg.gather [hbm4b:s2+s3], $0x80, v4, vm0, $0xb8;
	[tilespmem:$0x19000] =	vst v63  }
0x407: {  	s30 =	simm.s32 $0xD800;
	v3 =	vadd.s32 v1, v3  }
0x408: {  	[tilespmem:s30], [sflag:$0x3] =	stream.indirect_vreg.gather [hbm4b:s5+s3], $0x80, v4, vm0, $0xb8;
	[tilespmem:$0x19000] =	vst v63  }
0x409: {  	s17 =	simm.s32 $0xE000  }
0x40a: {  	[tilespmem:s17], [sflag:$0x3] =	stream.indirect_vreg.gather [hbm4b:s6+s3], $0x80, v4, vm0, $0xb8;
	[tilespmem:$0x19000] =	vst v63  }
0x40b: {  	s30 =	simm.s32 $0xE800  }
0x40c: {  	[tilespmem:s30], [sflag:$0x3] =	stream.indirect_vreg.gather [hbm4b:s2+s3], $0x80, v3, vm0, $0xb8;
	[tilespmem:$0x19000] =	vst v63  }
0x40d: {  	s17 =	simm.s32 $0xF000  }
0x40e: {  	[tilespmem:s17], [sflag:$0x3] =	stream.indirect_vreg.gather [hbm4b:s5+s3], $0x80, v3, vm0, $0xb8;
	[tilespmem:$0x19000] =	vst v63  }
0x40f: {  	s30 =	simm.s32 $0xF800  }
0x410: {  	[tilespmem:s30], [sflag:$0x3] =	stream.indirect_vreg.gather [hbm4b:s6+s3], $0x80, v3, vm0, $0xb8;
	[tilespmem:$0x19000] =	vst v63  }
0x411: {  	v3 =	vld [tilespmem:$0xB10];
	_ =	sdelay $0x4  }
0x412: {  	v45 =	vshrl.u32 v3, $0x3  }
0x413: {  	v4 =	vmul.u32 $0x30, v45  }
0x414: {  	v3 =	vand.u32 $0x7, v3  }
0x415: {  	v3 =	vor.u32 v3, v4  }
0x416: {  	v4 =	vperm.xlane v3, v0;
	_ =	sdelay $0x1  }
0x417: {  	v4 =	vadd.s32 v1, v4;
	_ =	sdelay $0x3  }
0x418: {  	s17 =	simm.s32 $0x10000;
	v3 =	vperm.xlane v3, v2  }
0x419: {  	[tilespmem:s17], [sflag:$0x3] =	stream.indirect_vreg.gather [hbm4b:s2+s3], $0x80, v4, vm0, $0xb8;
	[tilespmem:$0x19000] =	vst v63  }
0x41a: {  	s30 =	simm.s32 $0x10800;
	v3 =	vadd.s32 v1, v3  }
0x41b: {  	[tilespmem:s30], [sflag:$0x3] =	stream.indirect_vreg.gather [hbm4b:s5+s3], $0x80, v4, vm0, $0xb8;
	[tilespmem:$0x19000] =	vst v63  }
0x41c: {  	s17 =	simm.s32 $0x11000  }
0x41d: {  	[tilespmem:s17], [sflag:$0x3] =	stream.indirect_vreg.gather [hbm4b:s6+s3], $0x80, v4, vm0, $0xb8;
	[tilespmem:$0x19000] =	vst v63  }
0x41e: {  	s30 =	simm.s32 $0x11800  }
0x41f: {  	[tilespmem:s30], [sflag:$0x3] =	stream.indirect_vreg.gather [hbm4b:s2+s3], $0x80, v3, vm0, $0xb8;
	[tilespmem:$0x19000] =	vst v63  }
0x420: {  	s17 =	simm.s32 $0x12000  }
0x421: {  	[tilespmem:s17], [sflag:$0x3] =	stream.indirect_vreg.gather [hbm4b:s5+s3], $0x80, v3, vm0, $0xb8;
	[tilespmem:$0x19000] =	vst v63  }
0x422: {  	s30 =	simm.s32 $0x12800  }
0x423: {  	[tilespmem:s30], [sflag:$0x3] =	stream.indirect_vreg.gather [hbm4b:s6+s3], $0x80, v3, vm0, $0xb8;
	[tilespmem:$0x19000] =	vst v63  }
0x424: {  	_ =	swait.ge [sflag:s8], $0x6000  }
0x425: {  	[sflag:s8] =	ssyncset.done $0x0  }
0x426: {  	s0 =	rddreg [dreg:$0x18];
	[sflag:s8] =	ssyncadd.s32 $0xFFFFA000  }
0x427: {  	[hbm4b:s0+s3] =	stream.linear.scatter [tilespmem:s24], [sflag:$0x5], $0x6000, $0x38;
	[tilespmem:$0x19000] =	vst v63  }
0x428: {  	_ =	swait.ge [sflag:s16], $0x6000  }
0x429: {  	[sflag:s16] =	ssyncset.done $0x0  }
0x42a: {  	[sflag:s16] =	ssyncadd.s32 $0xFFFFA000  }
0x42b: {  	v3 =	vld [tilespmem:$0xB80];
	_ =	sdelay $0x4  }
0x42c: {  	v46 =	vshrl.u32 v3, $0x3  }
0x42d: {  	v4 =	vmul.u32 $0x30, v46  }
0x42e: {  	v3 =	vand.u32 $0x7, v3  }
0x42f: {  	v3 =	vor.u32 v3, v4  }
0x430: {  	v4 =	vperm.xlane v3, v0;
	_ =	sdelay $0x1  }
0x431: {  	v4 =	vadd.s32 v1, v4;
	_ =	sdelay $0x3  }
0x432: {  	v3 =	vperm.xlane v3, v2  }
0x433: {  	[tilespmem:s23], [sflag:$0x4] =	stream.indirect_vreg.gather [hbm4b:s2+s3], $0x80, v4, vm0, $0xb8;
	[tilespmem:$0x19000] =	vst v63  }
0x434: {  	s4 =	simm.s32 $0x13800;
	v3 =	vadd.s32 v1, v3  }
0x435: {  	[tilespmem:s4], [sflag:$0x4] =	stream.indirect_vreg.gather [hbm4b:s5+s3], $0x80, v4, vm0, $0xb8;
	[tilespmem:$0x19000] =	vst v63  }
0x436: {  	s1 =	simm.s32 $0x14000  }
0x437: {  	[tilespmem:s1], [sflag:$0x4] =	stream.indirect_vreg.gather [hbm4b:s6+s3], $0x80, v4, vm0, $0xb8;
	[tilespmem:$0x19000] =	vst v63  }
0x438: {  	s9 =	simm.s32 $0x14800  }
0x439: {  	[tilespmem:s9], [sflag:$0x4] =	stream.indirect_vreg.gather [hbm4b:s2+s3], $0x80, v3, vm0, $0xb8;
	[tilespmem:$0x19000] =	vst v63  }
0x43a: {  	s18 =	simm.s32 $0x15000  }
0x43b: {  	[tilespmem:s18], [sflag:$0x4] =	stream.indirect_vreg.gather [hbm4b:s5+s3], $0x80, v3, vm0, $0xb8;
	[tilespmem:$0x19000] =	vst v63  }
0x43c: {  	s21 =	simm.s32 $0x15800  }
0x43d: {  	[tilespmem:s21], [sflag:$0x4] =	stream.indirect_vreg.gather [hbm4b:s6+s3], $0x80, v3, vm0, $0xb8;
	[tilespmem:$0x19000] =	vst v63  }
0x43e: {  	v3 =	vld [tilespmem:$0xB90];
	_ =	sdelay $0x4  }
0x43f: {  	v47 =	vshrl.u32 v3, $0x3  }
0x440: {  	v4 =	vmul.u32 $0x30, v47  }
0x441: {  	v3 =	vand.u32 $0x7, v3  }
0x442: {  	v3 =	vor.u32 v3, v4  }
0x443: {  	v4 =	vperm.xlane v3, v0;
	_ =	sdelay $0x1  }
0x444: {  	v4 =	vadd.s32 v1, v4;
	_ =	sdelay $0x3  }
0x445: {  	s28 =	simm.s32 $0x16000;
	v3 =	vperm.xlane v3, v2  }
0x446: {  	[tilespmem:s28], [sflag:$0x4] =	stream.indirect_vreg.gather [hbm4b:s2+s3], $0x80, v4, vm0, $0xb8;
	[tilespmem:$0x19000] =	vst v63  }
0x447: {  	s7 =	simm.s32 $0x16800;
	v3 =	vadd.s32 v1, v3  }
0x448: {  	[tilespmem:s7], [sflag:$0x4] =	stream.indirect_vreg.gather [hbm4b:s5+s3], $0x80, v4, vm0, $0xb8;
	[tilespmem:$0x19000] =	vst v63  }
0x449: {  	s22 =	simm.s32 $0x17000  }
0x44a: {  	[tilespmem:s22], [sflag:$0x4] =	stream.indirect_vreg.gather [hbm4b:s6+s3], $0x80, v4, vm0, $0xb8;
	[tilespmem:$0x19000] =	vst v63  }
0x44b: {  	s29 =	simm.s32 $0x17800  }
0x44c: {  	[tilespmem:s29], [sflag:$0x4] =	stream.indirect_vreg.gather [hbm4b:s2+s3], $0x80, v3, vm0, $0xb8;
	[tilespmem:$0x19000] =	vst v63  }
0x44d: {  	s19 =	simm.s32 $0x18000  }
0x44e: {  	[tilespmem:s19], [sflag:$0x4] =	stream.indirect_vreg.gather [hbm4b:s5+s3], $0x80, v3, vm0, $0xb8;
	[tilespmem:$0x19000] =	vst v63  }
0x44f: {  	s25 =	simm.s32 $0x18800  }
0x450: {  	[tilespmem:s25], [sflag:$0x4] =	stream.indirect_vreg.gather [hbm4b:s6+s3], $0x80, v3, vm0, $0xb8;
	[tilespmem:$0x19000] =	vst v63  }
0x451: {  	_ =	swait.ge [sflag:s10], $0x6000  }
0x452: {  	[sflag:s10] =	ssyncset.done $0x0  }
0x453: {  	s25 =	rddreg [dreg:$0x19];
	[sflag:s10] =	ssyncadd.s32 $0xFFFFA000  }
0x454: {  	[hbm4b:s25+s3] =	stream.linear.scatter [tilespmem:s31], [sflag:$0x6], $0x6000, $0x38;
	[tilespmem:$0x19000] =	vst v63  }
0x455: {  	_ =	swait.ge [sflag:s11], $0x6000  }
0x456: {  	[sflag:s11] =	ssyncset.done $0x0  }
0x457: {  	[sflag:s11] =	ssyncadd.s32 $0xFFFFA000  }
0x458: {  	v3 =	vld [tilespmem:$0xC00];
	_ =	sdelay $0x4  }
0x459: {  	v48 =	vshrl.u32 v3, $0x3  }
0x45a: {  	v4 =	vmul.u32 $0x30, v48  }
0x45b: {  	v3 =	vand.u32 $0x7, v3  }
0x45c: {  	v3 =	vor.u32 v3, v4  }
0x45d: {  	v4 =	vperm.xlane v3, v0;
	_ =	sdelay $0x1  }
0x45e: {  	v4 =	vadd.s32 v1, v4;
	_ =	sdelay $0x3  }
0x45f: {  	v3 =	vperm.xlane v3, v2  }
0x460: {  	[tilespmem:s24], [sflag:$0x1] =	stream.indirect_vreg.gather [hbm4b:s2+s3], $0x80, v4, vm0, $0xb8;
	[tilespmem:$0x19000] =	vst v63  }
0x461: {  	s29 =	simm.s32 $0x1800;
	v3 =	vadd.s32 v1, v3  }
0x462: {  	[tilespmem:s29], [sflag:$0x1] =	stream.indirect_vreg.gather [hbm4b:s5+s3], $0x80, v4, vm0, $0xb8;
	[tilespmem:$0x19000] =	vst v63  }
0x463: {  	s9 =	simm.s32 $0x2000  }
0x464: {  	[tilespmem:s9], [sflag:$0x1] =	stream.indirect_vreg.gather [hbm4b:s6+s3], $0x80, v4, vm0, $0xb8;
	[tilespmem:$0x19000] =	vst v63  }
0x465: {  	s17 =	simm.s32 $0x2800  }
0x466: {  	[tilespmem:s17], [sflag:$0x1] =	stream.indirect_vreg.gather [hbm4b:s2+s3], $0x80, v3, vm0, $0xb8;
	[tilespmem:$0x19000] =	vst v63  }
0x467: {  	s19 =	simm.s32 $0x3000  }
0x468: {  	[tilespmem:s19], [sflag:$0x1] =	stream.indirect_vreg.gather [hbm4b:s5+s3], $0x80, v3, vm0, $0xb8;
	[tilespmem:$0x19000] =	vst v63  }
0x469: {  	s25 =	simm.s32 $0x3800  }
0x46a: {  	[tilespmem:s25], [sflag:$0x1] =	stream.indirect_vreg.gather [hbm4b:s6+s3], $0x80, v3, vm0, $0xb8;
	[tilespmem:$0x19000] =	vst v63  }
0x46b: {  	v3 =	vld [tilespmem:$0xC10];
	_ =	sdelay $0x4  }
0x46c: {  	v49 =	vshrl.u32 v3, $0x3  }
0x46d: {  	v4 =	vmul.u32 $0x30, v49  }
0x46e: {  	v3 =	vand.u32 $0x7, v3  }
0x46f: {  	v3 =	vor.u32 v3, v4  }
0x470: {  	v4 =	vperm.xlane v3, v0;
	_ =	sdelay $0x1  }
0x471: {  	v4 =	vadd.s32 v1, v4;
	_ =	sdelay $0x3  }
0x472: {  	s29 =	simm.s32 $0x4000;
	v3 =	vperm.xlane v3, v2  }
0x473: {  	[tilespmem:s29], [sflag:$0x1] =	stream.indirect_vreg.gather [hbm4b:s2+s3], $0x80, v4, vm0, $0xb8;
	[tilespmem:$0x19000] =	vst v63  }
0x474: {  	s9 =	simm.s32 $0x4800;
	v3 =	vadd.s32 v1, v3  }
0x475: {  	[tilespmem:s9], [sflag:$0x1] =	stream.indirect_vreg.gather [hbm4b:s5+s3], $0x80, v4, vm0, $0xb8;
	[tilespmem:$0x19000] =	vst v63  }
0x476: {  	s17 =	simm.s32 $0x5000  }
0x477: {  	[tilespmem:s17], [sflag:$0x1] =	stream.indirect_vreg.gather [hbm4b:s6+s3], $0x80, v4, vm0, $0xb8;
	[tilespmem:$0x19000] =	vst v63  }
0x478: {  	s19 =	simm.s32 $0x5800  }
0x479: {  	[tilespmem:s19], [sflag:$0x1] =	stream.indirect_vreg.gather [hbm4b:s2+s3], $0x80, v3, vm0, $0xb8;
	[tilespmem:$0x19000] =	vst v63  }
0x47a: {  	s25 =	simm.s32 $0x6000  }
0x47b: {  	[tilespmem:s25], [sflag:$0x1] =	stream.indirect_vreg.gather [hbm4b:s5+s3], $0x80, v3, vm0, $0xb8;
	[tilespmem:$0x19000] =	vst v63  }
0x47c: {  	s29 =	simm.s32 $0x6800  }
0x47d: {  	[tilespmem:s29], [sflag:$0x1] =	stream.indirect_vreg.gather [hbm4b:s6+s3], $0x80, v3, vm0, $0xb8;
	[tilespmem:$0x19000] =	vst v63  }
0x47e: {  	_ =	swait.ge [sflag:s12], $0x6000  }
0x47f: {  	[sflag:s12] =	ssyncset.done $0x0  }
0x480: {  	s7 =	rddreg [dreg:$0x1a];
	[sflag:s12] =	ssyncadd.s32 $0xFFFFA000  }
0x481: {  	[hbm4b:s7+s3] =	stream.linear.scatter [tilespmem:s20], [sflag:$0x7], $0x6000, $0x38;
	[tilespmem:$0x19000] =	vst v63  }
0x482: {  	_ =	swait.ge [sflag:s13], $0x6000  }
0x483: {  	[sflag:s13] =	ssyncset.done $0x0  }
0x484: {  	[sflag:s13] =	ssyncadd.s32 $0xFFFFA000  }
0x485: {  	v3 =	vld [tilespmem:$0xC80];
	_ =	sdelay $0x4  }
0x486: {  	v50 =	vshrl.u32 v3, $0x3  }
0x487: {  	v4 =	vmul.u32 $0x30, v50  }
0x488: {  	v3 =	vand.u32 $0x7, v3  }
0x489: {  	v3 =	vor.u32 v3, v4  }
0x48a: {  	v4 =	vperm.xlane v3, v0;
	_ =	sdelay $0x1  }
0x48b: {  	v4 =	vadd.s32 v1, v4;
	_ =	sdelay $0x3  }
0x48c: {  	v3 =	vperm.xlane v3, v2  }
0x48d: {  	[tilespmem:s31], [sflag:$0x2] =	stream.indirect_vreg.gather [hbm4b:s2+s3], $0x80, v4, vm0, $0xb8;
	[tilespmem:$0x19000] =	vst v63  }
0x48e: {  	s9 =	simm.s32 $0x7800;
	v3 =	vadd.s32 v1, v3  }
0x48f: {  	[tilespmem:s9], [sflag:$0x2] =	stream.indirect_vreg.gather [hbm4b:s5+s3], $0x80, v4, vm0, $0xb8;
	[tilespmem:$0x19000] =	vst v63  }
0x490: {  	s17 =	simm.s32 $0x8000  }
0x491: {  	[tilespmem:s17], [sflag:$0x2] =	stream.indirect_vreg.gather [hbm4b:s6+s3], $0x80, v4, vm0, $0xb8;
	[tilespmem:$0x19000] =	vst v63  }
0x492: {  	s19 =	simm.s32 $0x8800  }
0x493: {  	[tilespmem:s19], [sflag:$0x2] =	stream.indirect_vreg.gather [hbm4b:s2+s3], $0x80, v3, vm0, $0xb8;
	[tilespmem:$0x19000] =	vst v63  }
0x494: {  	s25 =	simm.s32 $0x9000  }
0x495: {  	[tilespmem:s25], [sflag:$0x2] =	stream.indirect_vreg.gather [hbm4b:s5+s3], $0x80, v3, vm0, $0xb8;
	[tilespmem:$0x19000] =	vst v63  }
0x496: {  	s29 =	simm.s32 $0x9800  }
0x497: {  	[tilespmem:s29], [sflag:$0x2] =	stream.indirect_vreg.gather [hbm4b:s6+s3], $0x80, v3, vm0, $0xb8;
	[tilespmem:$0x19000] =	vst v63  }
0x498: {  	v3 =	vld [tilespmem:$0xC90];
	_ =	sdelay $0x4  }
0x499: {  	v51 =	vshrl.u32 v3, $0x3  }
0x49a: {  	v4 =	vmul.u32 $0x30, v51  }
0x49b: {  	v3 =	vand.u32 $0x7, v3  }
0x49c: {  	v3 =	vor.u32 v3, v4  }
0x49d: {  	v4 =	vperm.xlane v3, v0;
	_ =	sdelay $0x1  }
0x49e: {  	v4 =	vadd.s32 v1, v4;
	_ =	sdelay $0x3  }
0x49f: {  	s9 =	simm.s32 $0xA000;
	v3 =	vperm.xlane v3, v2  }
0x4a0: {  	[tilespmem:s9], [sflag:$0x2] =	stream.indirect_vreg.gather [hbm4b:s2+s3], $0x80, v4, vm0, $0xb8;
	[tilespmem:$0x19000] =	vst v63  }
0x4a1: {  	s17 =	simm.s32 $0xA800;
	v3 =	vadd.s32 v1, v3  }
0x4a2: {  	[tilespmem:s17], [sflag:$0x2] =	stream.indirect_vreg.gather [hbm4b:s5+s3], $0x80, v4, vm0, $0xb8;
	[tilespmem:$0x19000] =	vst v63  }
0x4a3: {  	s26 =	simm.s32 $0xB000  }
0x4a4: {  	[tilespmem:s26], [sflag:$0x2] =	stream.indirect_vreg.gather [hbm4b:s6+s3], $0x80, v4, vm0, $0xb8;
	[tilespmem:$0x19000] =	vst v63  }
0x4a5: {  	s19 =	simm.s32 $0xB800  }
0x4a6: {  	[tilespmem:s19], [sflag:$0x2] =	stream.indirect_vreg.gather [hbm4b:s2+s3], $0x80, v3, vm0, $0xb8;
	[tilespmem:$0x19000] =	vst v63  }
0x4a7: {  	s26 =	simm.s32 $0xC000  }
0x4a8: {  	[tilespmem:s26], [sflag:$0x2] =	stream.indirect_vreg.gather [hbm4b:s5+s3], $0x80, v3, vm0, $0xb8;
	[tilespmem:$0x19000] =	vst v63  }
0x4a9: {  	s29 =	simm.s32 $0xC800  }
0x4aa: {  	[tilespmem:s29], [sflag:$0x2] =	stream.indirect_vreg.gather [hbm4b:s6+s3], $0x80, v3, vm0, $0xb8;
	[tilespmem:$0x19000] =	vst v63  }
0x4ab: {  	_ =	swait.ge [sflag:s14], $0x6000  }
0x4ac: {  	[sflag:s14] =	ssyncset.done $0x0  }
0x4ad: {  	s7 =	rddreg [dreg:$0x1b];
	[sflag:s14] =	ssyncadd.s32 $0xFFFFA000  }
0x4ae: {  	[hbm4b:s7+s3] =	stream.linear.scatter [tilespmem:s23], [sflag:$0x8], $0x6000, $0x38;
	[tilespmem:$0x19000] =	vst v63  }
0x4af: {  	_ =	swait.ge [sflag:s15], $0x6000  }
0x4b0: {  	[sflag:s15] =	ssyncset.done $0x0  }
0x4b1: {  	[sflag:s15] =	ssyncadd.s32 $0xFFFFA000  }
0x4b2: {  	v3 =	vld [tilespmem:$0xD00];
	_ =	sdelay $0x4  }
0x4b3: {  	v52 =	vshrl.u32 v3, $0x3  }
0x4b4: {  	v4 =	vmul.u32 $0x30, v52  }
0x4b5: {  	v3 =	vand.u32 $0x7, v3  }
0x4b6: {  	v3 =	vor.u32 v3, v4  }
0x4b7: {  	v4 =	vperm.xlane v3, v0;
	_ =	sdelay $0x1  }
0x4b8: {  	v4 =	vadd.s32 v1, v4;
	_ =	sdelay $0x3  }
0x4b9: {  	v3 =	vperm.xlane v3, v2  }
0x4ba: {  	[tilespmem:s20], [sflag:$0x3] =	stream.indirect_vreg.gather [hbm4b:s2+s3], $0x80, v4, vm0, $0xb8;
	[tilespmem:$0x19000] =	vst v63  }
0x4bb: {  	s19 =	simm.s32 $0xD800;
	v3 =	vadd.s32 v1, v3  }
0x4bc: {  	[tilespmem:s19], [sflag:$0x3] =	stream.indirect_vreg.gather [hbm4b:s5+s3], $0x80, v4, vm0, $0xb8;
	[tilespmem:$0x19000] =	vst v63  }
0x4bd: {  	s26 =	simm.s32 $0xE000  }
0x4be: {  	[tilespmem:s26], [sflag:$0x3] =	stream.indirect_vreg.gather [hbm4b:s6+s3], $0x80, v4, vm0, $0xb8;
	[tilespmem:$0x19000] =	vst v63  }
0x4bf: {  	s29 =	simm.s32 $0xE800  }
0x4c0: {  	[tilespmem:s29], [sflag:$0x3] =	stream.indirect_vreg.gather [hbm4b:s2+s3], $0x80, v3, vm0, $0xb8;
	[tilespmem:$0x19000] =	vst v63  }
0x4c1: {  	s17 =	simm.s32 $0xF000  }
0x4c2: {  	[tilespmem:s17], [sflag:$0x3] =	stream.indirect_vreg.gather [hbm4b:s5+s3], $0x80, v3, vm0, $0xb8;
	[tilespmem:$0x19000] =	vst v63  }
0x4c3: {  	s19 =	simm.s32 $0xF800  }
0x4c4: {  	[tilespmem:s19], [sflag:$0x3] =	stream.indirect_vreg.gather [hbm4b:s6+s3], $0x80, v3, vm0, $0xb8;
	[tilespmem:$0x19000] =	vst v63  }
0x4c5: {  	v3 =	vld [tilespmem:$0xD10];
	_ =	sdelay $0x4  }
0x4c6: {  	v53 =	vshrl.u32 v3, $0x3  }
0x4c7: {  	v4 =	vmul.u32 $0x30, v53  }
0x4c8: {  	v3 =	vand.u32 $0x7, v3  }
0x4c9: {  	v3 =	vor.u32 v3, v4  }
0x4ca: {  	v4 =	vperm.xlane v3, v0;
	_ =	sdelay $0x1  }
0x4cb: {  	v4 =	vadd.s32 v1, v4;
	_ =	sdelay $0x3  }
0x4cc: {  	s26 =	simm.s32 $0x10000;
	v3 =	vperm.xlane v3, v2  }
0x4cd: {  	[tilespmem:s26], [sflag:$0x3] =	stream.indirect_vreg.gather [hbm4b:s2+s3], $0x80, v4, vm0, $0xb8;
	[tilespmem:$0x19000] =	vst v63  }
0x4ce: {  	s29 =	simm.s32 $0x10800;
	v3 =	vadd.s32 v1, v3  }
0x4cf: {  	[tilespmem:s29], [sflag:$0x3] =	stream.indirect_vreg.gather [hbm4b:s5+s3], $0x80, v4, vm0, $0xb8;
	[tilespmem:$0x19000] =	vst v63  }
0x4d0: {  	s17 =	simm.s32 $0x11000  }
0x4d1: {  	[tilespmem:s17], [sflag:$0x3] =	stream.indirect_vreg.gather [hbm4b:s6+s3], $0x80, v4, vm0, $0xb8;
	[tilespmem:$0x19000] =	vst v63  }
0x4d2: {  	s19 =	simm.s32 $0x11800  }
0x4d3: {  	[tilespmem:s19], [sflag:$0x3] =	stream.indirect_vreg.gather [hbm4b:s2+s3], $0x80, v3, vm0, $0xb8;
	[tilespmem:$0x19000] =	vst v63  }
0x4d4: {  	s26 =	simm.s32 $0x12000  }
0x4d5: {  	[tilespmem:s26], [sflag:$0x3] =	stream.indirect_vreg.gather [hbm4b:s5+s3], $0x80, v3, vm0, $0xb8;
	[tilespmem:$0x19000] =	vst v63  }
0x4d6: {  	s29 =	simm.s32 $0x12800  }
0x4d7: {  	[tilespmem:s29], [sflag:$0x3] =	stream.indirect_vreg.gather [hbm4b:s6+s3], $0x80, v3, vm0, $0xb8;
	[tilespmem:$0x19000] =	vst v63  }
0x4d8: {  	_ =	swait.ge [sflag:s8], $0x6000  }
0x4d9: {  	[sflag:s8] =	ssyncset.done $0x0  }
0x4da: {  	s7 =	rddreg [dreg:$0x1c];
	[sflag:s8] =	ssyncadd.s32 $0xFFFFA000  }
0x4db: {  	[hbm4b:s7+s3] =	stream.linear.scatter [tilespmem:s24], [sflag:$0x5], $0x6000, $0x38;
	[tilespmem:$0x19000] =	vst v63  }
0x4dc: {  	_ =	swait.ge [sflag:s16], $0x6000  }
0x4dd: {  	[sflag:s16] =	ssyncset.done $0x0  }
0x4de: {  	[sflag:s16] =	ssyncadd.s32 $0xFFFFA000  }
0x4df: {  	v3 =	vld [tilespmem:$0xD80];
	_ =	sdelay $0x4  }
0x4e0: {  	v54 =	vshrl.u32 v3, $0x3  }
0x4e1: {  	v4 =	vmul.u32 $0x30, v54  }
0x4e2: {  	v3 =	vand.u32 $0x7, v3  }
0x4e3: {  	v3 =	vor.u32 v3, v4  }
0x4e4: {  	v4 =	vperm.xlane v3, v0;
	_ =	sdelay $0x1  }
0x4e5: {  	v4 =	vadd.s32 v1, v4;
	_ =	sdelay $0x3  }
0x4e6: {  	v3 =	vperm.xlane v3, v2  }
0x4e7: {  	[tilespmem:s23], [sflag:$0x4] =	stream.indirect_vreg.gather [hbm4b:s2+s3], $0x80, v4, vm0, $0xb8;
	[tilespmem:$0x19000] =	vst v63  }
0x4e8: {  	s30 =	simm.s32 $0x13800;
	v3 =	vadd.s32 v1, v3  }
0x4e9: {  	[tilespmem:s30], [sflag:$0x4] =	stream.indirect_vreg.gather [hbm4b:s5+s3], $0x80, v4, vm0, $0xb8;
	[tilespmem:$0x19000] =	vst v63  }
0x4ea: {  	s1 =	simm.s32 $0x14000  }
0x4eb: {  	[tilespmem:s1], [sflag:$0x4] =	stream.indirect_vreg.gather [hbm4b:s6+s3], $0x80, v4, vm0, $0xb8;
	[tilespmem:$0x19000] =	vst v63  }
0x4ec: {  	s19 =	simm.s32 $0x14800  }
0x4ed: {  	[tilespmem:s19], [sflag:$0x4] =	stream.indirect_vreg.gather [hbm4b:s2+s3], $0x80, v3, vm0, $0xb8;
	[tilespmem:$0x19000] =	vst v63  }
0x4ee: {  	s26 =	simm.s32 $0x15000  }
0x4ef: {  	[tilespmem:s26], [sflag:$0x4] =	stream.indirect_vreg.gather [hbm4b:s5+s3], $0x80, v3, vm0, $0xb8;
	[tilespmem:$0x19000] =	vst v63  }
0x4f0: {  	s0 =	simm.s32 $0x15800  }
0x4f1: {  	[tilespmem:s0], [sflag:$0x4] =	stream.indirect_vreg.gather [hbm4b:s6+s3], $0x80, v3, vm0, $0xb8;
	[tilespmem:$0x19000] =	vst v63  }
0x4f2: {  	v3 =	vld [tilespmem:$0xD90];
	_ =	sdelay $0x4  }
0x4f3: {  	v55 =	vshrl.u32 v3, $0x3  }
0x4f4: {  	v4 =	vmul.u32 $0x30, v55  }
0x4f5: {  	v3 =	vand.u32 $0x7, v3  }
0x4f6: {  	v3 =	vor.u32 v3, v4  }
0x4f7: {  	v4 =	vperm.xlane v3, v0;
	_ =	sdelay $0x1  }
0x4f8: {  	v4 =	vadd.s32 v1, v4;
	_ =	sdelay $0x3  }
0x4f9: {  	s17 =	simm.s32 $0x16000;
	v3 =	vperm.xlane v3, v2  }
0x4fa: {  	[tilespmem:s17], [sflag:$0x4] =	stream.indirect_vreg.gather [hbm4b:s2+s3], $0x80, v4, vm0, $0xb8;
	[tilespmem:$0x19000] =	vst v63  }
0x4fb: {  	s4 =	simm.s32 $0x16800;
	v3 =	vadd.s32 v1, v3  }
0x4fc: {  	[tilespmem:s4], [sflag:$0x4] =	stream.indirect_vreg.gather [hbm4b:s5+s3], $0x80, v4, vm0, $0xb8;
	[tilespmem:$0x19000] =	vst v63  }
0x4fd: {  	s22 =	simm.s32 $0x17000  }
0x4fe: {  	[tilespmem:s22], [sflag:$0x4] =	stream.indirect_vreg.gather [hbm4b:s6+s3], $0x80, v4, vm0, $0xb8;
	[tilespmem:$0x19000] =	vst v63  }
0x4ff: {  	s28 =	simm.s32 $0x17800  }
0x500: {  	[tilespmem:s28], [sflag:$0x4] =	stream.indirect_vreg.gather [hbm4b:s2+s3], $0x80, v3, vm0, $0xb8;
	[tilespmem:$0x19000] =	vst v63  }
0x501: {  	s18 =	simm.s32 $0x18000  }
0x502: {  	[tilespmem:s18], [sflag:$0x4] =	stream.indirect_vreg.gather [hbm4b:s5+s3], $0x80, v3, vm0, $0xb8;
	[tilespmem:$0x19000] =	vst v63  }
0x503: {  	s21 =	simm.s32 $0x18800  }
0x504: {  	[tilespmem:s21], [sflag:$0x4] =	stream.indirect_vreg.gather [hbm4b:s6+s3], $0x80, v3, vm0, $0xb8;
	[tilespmem:$0x19000] =	vst v63  }
0x505: {  	_ =	swait.ge [sflag:s10], $0x6000  }
0x506: {  	[sflag:s10] =	ssyncset.done $0x0  }
0x507: {  	s0 =	rddreg [dreg:$0x1d];
	[sflag:s10] =	ssyncadd.s32 $0xFFFFA000  }
0x508: {  	[hbm4b:s0+s3] =	stream.linear.scatter [tilespmem:s31], [sflag:$0x6], $0x6000, $0x38;
	[tilespmem:$0x19000] =	vst v63  }
0x509: {  	_ =	swait.ge [sflag:s11], $0x6000  }
0x50a: {  	[sflag:s11] =	ssyncset.done $0x0  }
0x50b: {  	[sflag:s11] =	ssyncadd.s32 $0xFFFFA000  }
0x50c: {  	v3 =	vld [tilespmem:$0xE00];
	_ =	sdelay $0x4  }
0x50d: {  	v56 =	vshrl.u32 v3, $0x3  }
0x50e: {  	v4 =	vmul.u32 $0x30, v56  }
0x50f: {  	v3 =	vand.u32 $0x7, v3  }
0x510: {  	v3 =	vor.u32 v3, v4  }
0x511: {  	v4 =	vperm.xlane v3, v0;
	_ =	sdelay $0x1  }
0x512: {  	v4 =	vadd.s32 v1, v4;
	_ =	sdelay $0x3  }
0x513: {  	v3 =	vperm.xlane v3, v2  }
0x514: {  	[tilespmem:s24], [sflag:$0x1] =	stream.indirect_vreg.gather [hbm4b:s2+s3], $0x80, v4, vm0, $0xb8;
	[tilespmem:$0x19000] =	vst v63  }
0x515: {  	s21 =	simm.s32 $0x1800;
	v3 =	vadd.s32 v1, v3  }
0x516: {  	[tilespmem:s21], [sflag:$0x1] =	stream.indirect_vreg.gather [hbm4b:s5+s3], $0x80, v4, vm0, $0xb8;
	[tilespmem:$0x19000] =	vst v63  }
0x517: {  	s17 =	simm.s32 $0x2000  }
0x518: {  	[tilespmem:s17], [sflag:$0x1] =	stream.indirect_vreg.gather [hbm4b:s6+s3], $0x80, v4, vm0, $0xb8;
	[tilespmem:$0x19000] =	vst v63  }
0x519: {  	s21 =	simm.s32 $0x2800  }
0x51a: {  	[tilespmem:s21], [sflag:$0x1] =	stream.indirect_vreg.gather [hbm4b:s2+s3], $0x80, v3, vm0, $0xb8;
	[tilespmem:$0x19000] =	vst v63  }
0x51b: {  	s17 =	simm.s32 $0x3000  }
0x51c: {  	[tilespmem:s17], [sflag:$0x1] =	stream.indirect_vreg.gather [hbm4b:s5+s3], $0x80, v3, vm0, $0xb8;
	[tilespmem:$0x19000] =	vst v63  }
0x51d: {  	s21 =	simm.s32 $0x3800  }
0x51e: {  	[tilespmem:s21], [sflag:$0x1] =	stream.indirect_vreg.gather [hbm4b:s6+s3], $0x80, v3, vm0, $0xb8;
	[tilespmem:$0x19000] =	vst v63  }
0x51f: {  	v3 =	vld [tilespmem:$0xE10];
	_ =	sdelay $0x4  }
0x520: {  	v57 =	vshrl.u32 v3, $0x3  }
0x521: {  	v4 =	vmul.u32 $0x30, v57  }
0x522: {  	v3 =	vand.u32 $0x7, v3  }
0x523: {  	v3 =	vor.u32 v3, v4  }
0x524: {  	v4 =	vperm.xlane v3, v0;
	_ =	sdelay $0x1  }
0x525: {  	v4 =	vadd.s32 v1, v4;
	_ =	sdelay $0x3  }
0x526: {  	s17 =	simm.s32 $0x4000;
	v3 =	vperm.xlane v3, v2  }
0x527: {  	[tilespmem:s17], [sflag:$0x1] =	stream.indirect_vreg.gather [hbm4b:s2+s3], $0x80, v4, vm0, $0xb8;
	[tilespmem:$0x19000] =	vst v63  }
0x528: {  	s21 =	simm.s32 $0x4800;
	v3 =	vadd.s32 v1, v3  }
0x529: {  	[tilespmem:s21], [sflag:$0x1] =	stream.indirect_vreg.gather [hbm4b:s5+s3], $0x80, v4, vm0, $0xb8;
	[tilespmem:$0x19000] =	vst v63  }
0x52a: {  	s17 =	simm.s32 $0x5000  }
0x52b: {  	[tilespmem:s17], [sflag:$0x1] =	stream.indirect_vreg.gather [hbm4b:s6+s3], $0x80, v4, vm0, $0xb8;
	[tilespmem:$0x19000] =	vst v63  }
0x52c: {  	s21 =	simm.s32 $0x5800  }
0x52d: {  	[tilespmem:s21], [sflag:$0x1] =	stream.indirect_vreg.gather [hbm4b:s2+s3], $0x80, v3, vm0, $0xb8;
	[tilespmem:$0x19000] =	vst v63  }
0x52e: {  	s17 =	simm.s32 $0x6000  }
0x52f: {  	[tilespmem:s17], [sflag:$0x1] =	stream.indirect_vreg.gather [hbm4b:s5+s3], $0x80, v3, vm0, $0xb8;
	[tilespmem:$0x19000] =	vst v63  }
0x530: {  	s21 =	simm.s32 $0x6800  }
0x531: {  	[tilespmem:s21], [sflag:$0x1] =	stream.indirect_vreg.gather [hbm4b:s6+s3], $0x80, v3, vm0, $0xb8;
	[tilespmem:$0x19000] =	vst v63  }
0x532: {  	_ =	swait.ge [sflag:s12], $0x6000  }
0x533: {  	[sflag:s12] =	ssyncset.done $0x0  }
0x534: {  	s0 =	rddreg [dreg:$0x1e];
	[sflag:s12] =	ssyncadd.s32 $0xFFFFA000  }
0x535: {  	[hbm4b:s0+s3] =	stream.linear.scatter [tilespmem:s20], [sflag:$0x7], $0x6000, $0x38;
	[tilespmem:$0x19000] =	vst v63  }
0x536: {  	_ =	swait.ge [sflag:s13], $0x6000  }
0x537: {  	[sflag:s13] =	ssyncset.done $0x0  }
0x538: {  	[sflag:s13] =	ssyncadd.s32 $0xFFFFA000  }
0x539: {  	v3 =	vld [tilespmem:$0xE80];
	_ =	sdelay $0x4  }
0x53a: {  	v58 =	vshrl.u32 v3, $0x3  }
0x53b: {  	v4 =	vmul.u32 $0x30, v58  }
0x53c: {  	v3 =	vand.u32 $0x7, v3  }
0x53d: {  	v3 =	vor.u32 v3, v4  }
0x53e: {  	v4 =	vperm.xlane v3, v0;
	_ =	sdelay $0x1  }
0x53f: {  	v4 =	vadd.s32 v1, v4;
	_ =	sdelay $0x3  }
0x540: {  	v3 =	vperm.xlane v3, v2  }
0x541: {  	[tilespmem:s31], [sflag:$0x2] =	stream.indirect_vreg.gather [hbm4b:s2+s3], $0x80, v4, vm0, $0xb8;
	[tilespmem:$0x19000] =	vst v63  }
0x542: {  	s21 =	simm.s32 $0x7800;
	v3 =	vadd.s32 v1, v3  }
0x543: {  	[tilespmem:s21], [sflag:$0x2] =	stream.indirect_vreg.gather [hbm4b:s5+s3], $0x80, v4, vm0, $0xb8;
	[tilespmem:$0x19000] =	vst v63  }
0x544: {  	s17 =	simm.s32 $0x8000  }
0x545: {  	[tilespmem:s17], [sflag:$0x2] =	stream.indirect_vreg.gather [hbm4b:s6+s3], $0x80, v4, vm0, $0xb8;
	[tilespmem:$0x19000] =	vst v63  }
0x546: {  	s21 =	simm.s32 $0x8800  }
0x547: {  	[tilespmem:s21], [sflag:$0x2] =	stream.indirect_vreg.gather [hbm4b:s2+s3], $0x80, v3, vm0, $0xb8;
	[tilespmem:$0x19000] =	vst v63  }
0x548: {  	s17 =	simm.s32 $0x9000  }
0x549: {  	[tilespmem:s17], [sflag:$0x2] =	stream.indirect_vreg.gather [hbm4b:s5+s3], $0x80, v3, vm0, $0xb8;
	[tilespmem:$0x19000] =	vst v63  }
0x54a: {  	s21 =	simm.s32 $0x9800  }
0x54b: {  	[tilespmem:s21], [sflag:$0x2] =	stream.indirect_vreg.gather [hbm4b:s6+s3], $0x80, v3, vm0, $0xb8;
	[tilespmem:$0x19000] =	vst v63  }
0x54c: {  	v3 =	vld [tilespmem:$0xE90];
	_ =	sdelay $0x4  }
0x54d: {  	v59 =	vshrl.u32 v3, $0x3  }
0x54e: {  	v4 =	vmul.u32 $0x30, v59  }
0x54f: {  	v3 =	vand.u32 $0x7, v3  }
0x550: {  	v3 =	vor.u32 v3, v4  }
0x551: {  	v4 =	vperm.xlane v3, v0;
	_ =	sdelay $0x1  }
0x552: {  	v4 =	vadd.s32 v1, v4;
	_ =	sdelay $0x3  }
0x553: {  	s17 =	simm.s32 $0xA000;
	v3 =	vperm.xlane v3, v2  }
0x554: {  	[tilespmem:s17], [sflag:$0x2] =	stream.indirect_vreg.gather [hbm4b:s2+s3], $0x80, v4, vm0, $0xb8;
	[tilespmem:$0x19000] =	vst v63  }
0x555: {  	s21 =	simm.s32 $0xA800;
	v3 =	vadd.s32 v1, v3  }
0x556: {  	[tilespmem:s21], [sflag:$0x2] =	stream.indirect_vreg.gather [hbm4b:s5+s3], $0x80, v4, vm0, $0xb8;
	[tilespmem:$0x19000] =	vst v63  }
0x557: {  	s25 =	simm.s32 $0xB000  }
0x558: {  	[tilespmem:s25], [sflag:$0x2] =	stream.indirect_vreg.gather [hbm4b:s6+s3], $0x80, v4, vm0, $0xb8;
	[tilespmem:$0x19000] =	vst v63  }
0x559: {  	s25 =	simm.s32 $0xB800  }
0x55a: {  	[tilespmem:s25], [sflag:$0x2] =	stream.indirect_vreg.gather [hbm4b:s2+s3], $0x80, v3, vm0, $0xb8;
	[tilespmem:$0x19000] =	vst v63  }
0x55b: {  	s9 =	simm.s32 $0xC000  }
0x55c: {  	[tilespmem:s9], [sflag:$0x2] =	stream.indirect_vreg.gather [hbm4b:s5+s3], $0x80, v3, vm0, $0xb8;
	[tilespmem:$0x19000] =	vst v63  }
0x55d: {  	s17 =	simm.s32 $0xC800  }
0x55e: {  	[tilespmem:s17], [sflag:$0x2] =	stream.indirect_vreg.gather [hbm4b:s6+s3], $0x80, v3, vm0, $0xb8;
	[tilespmem:$0x19000] =	vst v63  }
0x55f: {  	_ =	swait.ge [sflag:s14], $0x6000  }
0x560: {  	[sflag:s14] =	ssyncset.done $0x0  }
0x561: {  	s21 =	rddreg [dreg:$0x1f];
	[sflag:s14] =	ssyncadd.s32 $0xFFFFA000  }
0x562: {  	[hbm4b:s21+s3] =	stream.linear.scatter [tilespmem:s23], [sflag:$0x8], $0x6000, $0x38;
	[tilespmem:$0x19000] =	vst v63  }
0x563: {  	_ =	swait.ge [sflag:s15], $0x6000  }
0x564: {  	[sflag:s15] =	ssyncset.done $0x0  }
0x565: {  	[sflag:s15] =	ssyncadd.s32 $0xFFFFA000  }
0x566: {  	v3 =	vld [tilespmem:$0xF00];
	_ =	sdelay $0x4  }
0x567: {  	v60 =	vshrl.u32 v3, $0x3  }
0x568: {  	v4 =	vmul.u32 $0x30, v60  }
0x569: {  	v3 =	vand.u32 $0x7, v3  }
0x56a: {  	v3 =	vor.u32 v3, v4  }
0x56b: {  	v4 =	vperm.xlane v3, v0;
	_ =	sdelay $0x1  }
0x56c: {  	v4 =	vadd.s32 v1, v4;
	_ =	sdelay $0x3  }
0x56d: {  	v3 =	vperm.xlane v3, v2  }
0x56e: {  	[tilespmem:s20], [sflag:$0x3] =	stream.indirect_vreg.gather [hbm4b:s2+s3], $0x80, v4, vm0, $0xb8;
	[tilespmem:$0x19000] =	vst v63  }
0x56f: {  	s25 =	simm.s32 $0xD800;
	v3 =	vadd.s32 v1, v3  }
0x570: {  	[tilespmem:s25], [sflag:$0x3] =	stream.indirect_vreg.gather [hbm4b:s5+s3], $0x80, v4, vm0, $0xb8;
	[tilespmem:$0x19000] =	vst v63  }
0x571: {  	s9 =	simm.s32 $0xE000  }
0x572: {  	[tilespmem:s9], [sflag:$0x3] =	stream.indirect_vreg.gather [hbm4b:s6+s3], $0x80, v4, vm0, $0xb8;
	[tilespmem:$0x19000] =	vst v63  }
0x573: {  	s17 =	simm.s32 $0xE800  }
0x574: {  	[tilespmem:s17], [sflag:$0x3] =	stream.indirect_vreg.gather [hbm4b:s2+s3], $0x80, v3, vm0, $0xb8;
	[tilespmem:$0x19000] =	vst v63  }
0x575: {  	s21 =	simm.s32 $0xF000  }
0x576: {  	[tilespmem:s21], [sflag:$0x3] =	stream.indirect_vreg.gather [hbm4b:s5+s3], $0x80, v3, vm0, $0xb8;
	[tilespmem:$0x19000] =	vst v63  }
0x577: {  	s25 =	simm.s32 $0xF800  }
0x578: {  	[tilespmem:s25], [sflag:$0x3] =	stream.indirect_vreg.gather [hbm4b:s6+s3], $0x80, v3, vm0, $0xb8;
	[tilespmem:$0x19000] =	vst v63  }
0x579: {  	v3 =	vld [tilespmem:$0xF10];
	_ =	sdelay $0x4  }
0x57a: {  	v61 =	vshrl.u32 v3, $0x3  }
0x57b: {  	v4 =	vmul.u32 $0x30, v61  }
0x57c: {  	v3 =	vand.u32 $0x7, v3  }
0x57d: {  	v3 =	vor.u32 v3, v4  }
0x57e: {  	v4 =	vperm.xlane v3, v0;
	_ =	sdelay $0x1  }
0x57f: {  	v4 =	vadd.s32 v1, v4;
	_ =	sdelay $0x3  }
0x580: {  	s9 =	simm.s32 $0x10000;
	v3 =	vperm.xlane v3, v2  }
0x581: {  	[tilespmem:s9], [sflag:$0x3] =	stream.indirect_vreg.gather [hbm4b:s2+s3], $0x80, v4, vm0, $0xb8;
	[tilespmem:$0x19000] =	vst v63  }
0x582: {  	s17 =	simm.s32 $0x10800;
	v3 =	vadd.s32 v1, v3  }
0x583: {  	[tilespmem:s17], [sflag:$0x3] =	stream.indirect_vreg.gather [hbm4b:s5+s3], $0x80, v4, vm0, $0xb8;
	[tilespmem:$0x19000] =	vst v63  }
0x584: {  	s21 =	simm.s32 $0x11000  }
0x585: {  	[tilespmem:s21], [sflag:$0x3] =	stream.indirect_vreg.gather [hbm4b:s6+s3], $0x80, v4, vm0, $0xb8;
	[tilespmem:$0x19000] =	vst v63  }
0x586: {  	s25 =	simm.s32 $0x11800  }
0x587: {  	[tilespmem:s25], [sflag:$0x3] =	stream.indirect_vreg.gather [hbm4b:s2+s3], $0x80, v3, vm0, $0xb8;
	[tilespmem:$0x19000] =	vst v63  }
0x588: {  	s9 =	simm.s32 $0x12000  }
0x589: {  	[tilespmem:s9], [sflag:$0x3] =	stream.indirect_vreg.gather [hbm4b:s5+s3], $0x80, v3, vm0, $0xb8;
	[tilespmem:$0x19000] =	vst v63  }
0x58a: {  	s17 =	simm.s32 $0x12800  }
0x58b: {  	[tilespmem:s17], [sflag:$0x3] =	stream.indirect_vreg.gather [hbm4b:s6+s3], $0x80, v3, vm0, $0xb8;
	[tilespmem:$0x19000] =	vst v63  }
0x58c: {  	_ =	swait.ge [sflag:s8], $0x6000  }
0x58d: {  	s21 =	sld [smem:$0x7FA]  }
0x58e: {  	[sflag:s8] =	ssyncset.done $0x0  }
0x58f: {  	[sflag:s8] =	ssyncadd.s32 $0xFFFFA000  }
0x590: {  	[hbm4b:s21+s3] =	stream.linear.scatter [tilespmem:s24], [sflag:$0x5], $0x6000, $0x38;
	[tilespmem:$0x19000] =	vst v63  }
0x591: {  	_ =	swait.ge [sflag:s16], $0x6000  }
0x592: {  	[sflag:s16] =	ssyncset.done $0x0  }
0x593: {  	[sflag:s16] =	ssyncadd.s32 $0xFFFFA000  }
0x594: {  	v3 =	vld [tilespmem:$0xF80];
	_ =	sdelay $0x4  }
0x595: {  	v62 =	vshrl.u32 v3, $0x3  }
0x596: {  	v4 =	vmul.u32 $0x30, v62  }
0x597: {  	v3 =	vand.u32 $0x7, v3  }
0x598: {  	v3 =	vor.u32 v3, v4  }
0x599: {  	v4 =	vperm.xlane v3, v0;
	_ =	sdelay $0x1  }
0x59a: {  	v4 =	vadd.s32 v1, v4;
	_ =	sdelay $0x3  }
0x59b: {  	v3 =	vperm.xlane v3, v2  }
0x59c: {  	[tilespmem:s23], [sflag:$0x4] =	stream.indirect_vreg.gather [hbm4b:s2+s3], $0x80, v4, vm0, $0xb8;
	[tilespmem:$0x19000] =	vst v63  }
0x59d: {  	s7 =	simm.s32 $0x13800;
	v3 =	vadd.s32 v1, v3  }
0x59e: {  	[tilespmem:s7], [sflag:$0x4] =	stream.indirect_vreg.gather [hbm4b:s5+s3], $0x80, v4, vm0, $0xb8;
	[tilespmem:$0x19000] =	vst v63  }
0x59f: {  	s29 =	simm.s32 $0x14000  }
0x5a0: {  	[tilespmem:s29], [sflag:$0x4] =	stream.indirect_vreg.gather [hbm4b:s6+s3], $0x80, v4, vm0, $0xb8;
	[tilespmem:$0x19000] =	vst v63  }
0x5a1: {  	s30 =	simm.s32 $0x14800  }
0x5a2: {  	[tilespmem:s30], [sflag:$0x4] =	stream.indirect_vreg.gather [hbm4b:s2+s3], $0x80, v3, vm0, $0xb8;
	[tilespmem:$0x19000] =	vst v63  }
0x5a3: {  	s19 =	simm.s32 $0x15000  }
0x5a4: {  	[tilespmem:s19], [sflag:$0x4] =	stream.indirect_vreg.gather [hbm4b:s5+s3], $0x80, v3, vm0, $0xb8;
	[tilespmem:$0x19000] =	vst v63  }
0x5a5: {  	s26 =	simm.s32 $0x15800  }
0x5a6: {  	[tilespmem:s26], [sflag:$0x4] =	stream.indirect_vreg.gather [hbm4b:s6+s3], $0x80, v3, vm0, $0xb8;
	[tilespmem:$0x19000] =	vst v63  }
0x5a7: {  	v3 =	vld [tilespmem:$0xF90];
	_ =	sdelay $0x4  }
0x5a8: {  	v63 =	vshrl.u32 v3, $0x3  }
0x5a9: {  	v4 =	vmul.u32 $0x30, v63  }
0x5aa: {  	v3 =	vand.u32 $0x7, v3  }
0x5ab: {  	v3 =	vor.u32 v3, v4  }
0x5ac: {  	v4 =	vperm.xlane v3, v0;
	_ =	sdelay $0x1  }
0x5ad: {  	v4 =	vadd.s32 v1, v4;
	_ =	sdelay $0x3  }
0x5ae: {  	s26 =	simm.s32 $0x16000;
	v3 =	vperm.xlane v3, v2  }
0x5af: {  	[tilespmem:s26], [sflag:$0x4] =	stream.indirect_vreg.gather [hbm4b:s2+s3], $0x80, v4, vm0, $0xb8;
	[tilespmem:$0x19000] =	vst v63  }
0x5b0: {  	s1 =	simm.s32 $0x16800;
	v3 =	vadd.s32 v1, v3  }
0x5b1: {  	[tilespmem:s1], [sflag:$0x4] =	stream.indirect_vreg.gather [hbm4b:s5+s3], $0x80, v4, vm0, $0xb8;
	[tilespmem:$0x19000] =	vst v63  }
0x5b2: {  	s22 =	simm.s32 $0x17000  }
0x5b3: {  	[tilespmem:s22], [sflag:$0x4] =	stream.indirect_vreg.gather [hbm4b:s6+s3], $0x80, v4, vm0, $0xb8;
	[tilespmem:$0x19000] =	vst v63  }
0x5b4: {  	s28 =	simm.s32 $0x17800  }
0x5b5: {  	[tilespmem:s28], [sflag:$0x4] =	stream.indirect_vreg.gather [hbm4b:s2+s3], $0x80, v3, vm0, $0xb8;
	[tilespmem:$0x19000] =	vst v63  }
0x5b6: {  	s4 =	simm.s32 $0x18000  }
0x5b7: {  	[tilespmem:s4], [sflag:$0x4] =	stream.indirect_vreg.gather [hbm4b:s5+s3], $0x80, v3, vm0, $0xb8;
	[tilespmem:$0x19000] =	vst v63  }
0x5b8: {  	s18 =	simm.s32 $0x18800  }
0x5b9: {  	[tilespmem:s18], [sflag:$0x4] =	stream.indirect_vreg.gather [hbm4b:s6+s3], $0x80, v3, vm0, $0xb8;
	[tilespmem:$0x19000] =	vst v63  }
0x5ba: {  	s25 =	sld [smem:$0x7F8];
	_ =	swait.ge [sflag:s10], $0x6000  }
0x5bb: {  	s29 =	sld [smem:$0x7FB]  }
0x5bc: {  	[sflag:s10] =	ssyncset.done $0x0  }
0x5bd: {  	[sflag:s10] =	ssyncadd.s32 $0xFFFFA000  }
0x5be: {  	[hbm4b:s29+s3] =	stream.linear.scatter [tilespmem:s31], [sflag:$0x6], $0x6000, $0x38;
	[tilespmem:$0x19000] =	vst v63  }
0x5bf: {  	_ =	swait.ge [sflag:s12], $0x6000  }
0x5c0: {  	s30 =	sld [smem:$0x7FC]  }
0x5c1: {  	[sflag:s12] =	ssyncset.done $0x0  }
0x5c2: {  	[sflag:s12] =	ssyncadd.s32 $0xFFFFA000  }
0x5c3: {  	[hbm4b:s30+s3] =	stream.linear.scatter [tilespmem:s20], [sflag:$0x7], $0x6000, $0x38;
	[tilespmem:$0x19000] =	vst v63  }
0x5c4: {  	_ =	swait.ge [sflag:s14], $0x6000  }
0x5c5: {  	s31 =	sld [smem:$0x7FD]  }
0x5c6: {  	[sflag:s14] =	ssyncset.done $0x0  }
0x5c7: {  	[sflag:s14] =	ssyncadd.s32 $0xFFFFA000  }
0x5c8: {  	[hbm4b:s31+s3] =	stream.linear.scatter [tilespmem:s23], [sflag:$0x8], $0x6000, $0x38;
	[tilespmem:$0x19000] =	vst v63  }
0x5c9: {  	_ =	swait.ge [sflag:s11], $0x6000  }
0x5ca: {  	[sflag:s11] =	ssyncset.done $0x0  }
0x5cb: {  	[sflag:s11] =	ssyncadd.s32 $0xFFFFA000  }
0x5cc: {  	_ =	swait.ge [sflag:s13], $0x6000  }
0x5cd: {  	[sflag:s13] =	ssyncset.done $0x0  }
0x5ce: {  	[sflag:s13] =	ssyncadd.s32 $0xFFFFA000  }
0x5cf: {  	p0 =	sne.s32 s25, $0x1;
	_ =	swait.ge [sflag:s15], $0x6000  }
.Ltmp0:
0x5d0: {  	[sflag:s15] =	ssyncset.done $0x0;
	(pc) =	sbr.rel @p0 .LBB2_1-.Ltmp0, $4  }
0x5d1: {  	[sflag:s15] =	ssyncadd.s32 $0xFFFFA000  }
0x5d2: {  	_ =	swait.ge [sflag:s16], $0x6000  }
0x5d3: {  	[sflag:s16] =	ssyncset.done $0x0  }
0x5d4: {  	s0 =	sadd.s32 $0xFFFFFFFF, s25;
	[sflag:s16] =	ssyncadd.s32 $0xFFFFA000  }
0x5d5: {  	_ =	sfence.sel $0x180000  }
0x5d6: {  	[bflag:$0x0] =	sbarrier.arrive $0xFFFF  }
0x5d7: {  	_ =	strace $0x90000047  }
0x5d8: {  	s0 =	stileid.u32;
	[bflag:$0x2] =	sbarrier.arrive $0xFFFF  }
0x5d9: {  	p0 =	sne.s32 s0, $0x0;
	s0 =	rddreg [dreg:$0x3]  }
0x5da: {  	s0 =	sadd.s32 @!p0 $0x100000, s0  }
0x5db: {  	[sflag:s0] =	ssyncadd.tile.s32 @!p0 $0x1;
	_ =	shalt  }
.Lfunc_end2:
_tile_overlayer_lowered:
.L_overlay_start_2:
0x5dc: {  	(tag) =	ssettag $0x2  }
0x5dd: {  	s0 =	rddreg [dreg:$0x0];
	s2 =	stileid.u32  }
0x5de: {  	s1 =	rddreg [dreg:$0x1];
	p0 =	sne.s32 s2, $0x0  }
0x5df: {  	s3 =	rddreg [dreg:$0x2];
	[bflag:$0x3] =	sbarrier.arrive $0xFFFF;
	s2 =	simm.s32 @!p0 $0x1C09  }
0x5e0: {  	[timem:s3], [sflag:s2] =	dma.local @!p0 [hbm:s0], s1  }
0x5e1: {  	s0 =	simm.s32 @!p0 $0x9  }
0x5e2: {  	_ =	swait.ge @!p0 [sflag:s0], s1  }
0x5e3: {  	s1 =	ssub.s32 @!p0 $0x0, s1;
	[sflag:s0] =	ssyncset.done @!p0 $0x0  }
0x5e4: {  	[sflag:s0] =	ssyncadd.s32 @!p0 s1  }
0x5e5: {  	[bflag:$0x3] =	sbarrier.arrive $0xFFFF  }
0x5e6: {  	_ =	shalt  }

</sc_bundles>
